<compile_context>
chip_gen: v7x
topology: tpu7x:2x2x1
jax: 0.10.2.dev20260603
libtpu: 0.0.44.dev20260713+nightly
codegen_flags: <defaults>
</compile_context>

<pallas_src>
import functools

import jax
import jax.numpy as jnp
from jax import lax
from jax.experimental import pallas as pl
from jax.experimental.pallas import tpu as pltpu
from jax.experimental.pallas import tpu_sc as plsc

N0, N1, N2 = 10000, 4000, 1000
E1, E2 = 320000, 128000
D = 128
D_OUT = 16

NC, NS = 2, 16
NW = NC * NS

N0P = 10112
N1P = 4096
N2P = 1024


def _ceil_to(a, m):
    return (a + m - 1) // m * m


def _seg_sum_sc(n_src_p, n_dst_p, k, ch, pipelined):
    kb = 32 if ch == 128 else 8
    rs = n_dst_p // NS
    nb = n_dst_p // 128
    fs = n_src_p // NS
    mesh = plsc.VectorSubcoreMesh(core_axis_name="c", subcore_axis_name="s")

    @functools.partial(
        pl.kernel,
        mesh=mesh,
        out_type=[
            jax.ShapeDtypeStruct((NC, n_dst_p, D), jnp.float32),
            jax.ShapeDtypeStruct((NC, nb, 128), jnp.float32),
        ],
        scratch_types=[
            pltpu.VMEM((2 * kb, ch), jnp.int32),
            pltpu.VMEM((2 * kb, ch), jnp.int32),
            pltpu.VMEM((ch, D), jnp.float32),
            pltpu.VMEM((ch if pipelined else 8, D), jnp.float32),
            pltpu.VMEM((ch,), jnp.float32),
            pltpu.VMEM((8, D), jnp.float32),
            pltpu.VMEM((1024,), jnp.float32),
            pltpu.VMEM_SHARED((n_src_p, D), jnp.float32),
            pltpu.VMEM_SHARED((n_dst_p, D), jnp.float32),
            pltpu.VMEM_SHARED((n_dst_p,), jnp.float32),
            pltpu.SemaphoreType.DMA,
            pltpu.SemaphoreType.DMA,
            pltpu.SemaphoreType.DMA,
            pltpu.SemaphoreType.DMA,
            pltpu.SemaphoreType.DMA,
            pltpu.SemaphoreType.DMA,
            pltpu.SemaphoreType.DMA,
        ],
    )
    def seg_kernel(feats, src, dst, acc_out, cnt_out,
                   sidx, didx, rows0, rows1, ones_v, zblk, cbuf, fsp,
                   acc, cnt, gs0, gs1, ss0, ss1, os0, os1, isem):
        c = lax.axis_index("c")
        s = lax.axis_index("s")

        zeros16 = jnp.zeros((16,), jnp.float32)
        for r in range(8):
            for l in range(D // 16):
                zblk[r, pl.ds(l * 16, 16)] = zeros16
        for l in range(ch // 16):
            ones_v[pl.ds(l * 16, 16)] = jnp.ones((16,), jnp.float32)

        def zr_body(b, carry):
            pltpu.sync_copy(zblk, acc.at[pl.ds(s * rs + b * 8, 8)])
            return carry
        lax.fori_loop(0, rs // 8, zr_body, 0)

        nrw = nb // 8

        @pl.when(s < nrw)
        def _():
            def zc_body(i, carry):
                cbuf[pl.ds(i * 16, 16)] = zeros16
                return carry
            lax.fori_loop(0, 64, zc_body, 0)
            pltpu.sync_copy(cbuf, cnt.at[pl.ds(s * 1024, 1024)])

        pltpu.sync_copy(feats.at[pl.ds(s * fs, fs)],
                        fsp.at[pl.ds(s * fs, fs)])
        plsc.subcore_barrier()

        base = (s * NC + c) * k
        pre = min(2 * kb, k)

        def _isrc(j):
            off = base + pl.multiple_of(j, kb)
            half = sidx.at[pl.ds(((j // kb) % 2) * kb, kb)]
            return pltpu.make_async_copy(src.at[pl.ds(off, kb)], half, isem)

        def _idst(j):
            off = base + pl.multiple_of(j, kb)
            half = didx.at[pl.ds(((j // kb) % 2) * kb, kb)]
            return pltpu.make_async_copy(dst.at[pl.ds(off, kb)], half, isem)

        pltpu.sync_copy(src.at[pl.ds(base, pre)], sidx.at[pl.ds(0, pre)])
        pltpu.sync_copy(dst.at[pl.ds(base, pre)], didx.at[pl.ds(0, pre)])

        def _gather(j, buf, sem):
            return pltpu.make_async_copy(
                fsp.at[sidx.at[j % (2 * kb)]], buf, sem)

        def _scat(j, buf, sem):
            return pltpu.make_async_copy(
                buf, acc.at[didx.at[j % (2 * kb)]], sem)

        def _ones(j, sem):
            return pltpu.make_async_copy(
                ones_v, cnt.at[didx.at[j % (2 * kb)]], sem)

        if pipelined:
            _gather(0, rows0, gs0).start()
            kk = k // 2

            def edge_body(jj, carry):
                j0 = 2 * jj
                j1 = j0 + 1

                @pl.when((jj > 0) & (j0 % kb != 0))
                def _():
                    _scat(j0 - 1, rows1, ss1).wait()
                    _ones(j0 - 1, os1).wait()

                _gather(j0, rows0, gs0).wait()
                _gather(j1, rows1, gs1).start()
                _scat(j0, rows0, ss0).start(add=True)
                _ones(j0, os0).start(add=True)

                _gather(j1, rows1, gs1).wait()
                _scat(j0, rows0, ss0).wait()
                _ones(j0, os0).wait()

                _scat(j1, rows1, ss1).start(add=True)
                _ones(j1, os1).start(add=True)

                jn = j0 + 2

                @pl.when((jn % kb == 0) & (jn < k))
                def _():
                    _scat(j1, rows1, ss1).wait()
                    _ones(j1, os1).wait()

                    @pl.when(jn >= 2 * kb)
                    def _():
                        _isrc(jn).wait()
                        _idst(jn).wait()

                    @pl.when(jn + kb < k)
                    def _():
                        _isrc(jn + kb).start()
                        _idst(jn + kb).start()

                @pl.when(jj + 1 < kk)
                def _():
                    _gather(jn, rows0, gs0).start()
                return carry

            lax.fori_loop(0, kk, edge_body, 0)
            _scat(k - 1, rows1, ss1).wait()
            _ones(k - 1, os1).wait()
        else:
            def edge_body(j, carry):
                @pl.when(j % kb == 0)
                def _():
                    @pl.when((j >= 2 * kb) & (j < k))
                    def _():
                        _isrc(j).wait()
                        _idst(j).wait()

                    @pl.when((j >= kb) & (j + kb < k))
                    def _():
                        _isrc(j + kb).start()
                        _idst(j + kb).start()

                g = _gather(j, rows0, gs0)
                g.start()
                g.wait()
                _scat(j, rows0, ss0).start(add=True)
                _ones(j, os0).start(add=True)
                _scat(j, rows0, ss0).wait()
                _ones(j, os0).wait()
                return carry

            lax.fori_loop(0, k, edge_body, 0)
        plsc.subcore_barrier()

        pltpu.sync_copy(acc.at[pl.ds(s * rs, rs)],
                        acc_out.at[c, pl.ds(s * rs, rs)])

        @pl.when(s < nrw)
        def _():
            pltpu.sync_copy(cnt.at[pl.ds(s * 1024, 1024)], cbuf)

            def rp_body(i, carry):
                v = cbuf[pl.ds(i * 16, 16)]
                zblk[i >> 3, pl.ds((i & 7) * 16, 16)] = v
                return carry
            lax.fori_loop(0, 64, rp_body, 0)
            pltpu.sync_copy(zblk, cnt_out.at[c, pl.ds(s * 8, 8)])

    return seg_kernel


def _pad_edges(src, dst, n_dst, rows, ch):
    e = src.shape[0]
    ep = rows * ch
    src = jnp.concatenate(
        [src.astype(jnp.int32), jnp.zeros((ep - e,), jnp.int32)])
    dst = jnp.concatenate(
        [dst.astype(jnp.int32), jnp.full((ep - e,), n_dst, jnp.int32)])
    return src.reshape(rows, ch), dst.reshape(rows, ch)


def _mean_from_acc(agg_ref, cnt_ref):
    acc = agg_ref[0] + agg_ref[1]
    cs = cnt_ref[0] + cnt_ref[1]
    return acc * (1.0 / jnp.maximum(cs, 1.0))


def _sage_tc1(x_ref, agg_ref, cnt_ref, ws_ref, wn_ref, b_ref, o_ref):
    mean = _mean_from_acc(agg_ref, cnt_ref)
    h = jnp.dot(x_ref[...], ws_ref[...], preferred_element_type=jnp.float32)
    h = h + jnp.dot(mean, wn_ref[...], preferred_element_type=jnp.float32)
    o_ref[...] = jnp.maximum(h + b_ref[...], 0.0)


def _sage_tc2(h_ref, agg_ref, cnt_ref, ws_ref, wn_ref, b_ref, fw_ref, fb_ref,
              o_ref):
    mean = _mean_from_acc(agg_ref, cnt_ref)
    h = jnp.dot(h_ref[...], ws_ref[...], preferred_element_type=jnp.float32)
    h = h + jnp.dot(mean, wn_ref[...], preferred_element_type=jnp.float32)
    h = jnp.maximum(h + b_ref[...], 0.0)
    o_ref[...] = jnp.dot(h, fw_ref[...],
                         preferred_element_type=jnp.float32) + fb_ref[...]


def kernel(x, src_idx1, dst_idx1, src_idx2, dst_idx2, W_self0, W_neigh0, b0,
           W_self1, W_neigh1, b1, fc_W, fc_b):
    CH1, CH2 = 32, 128
    k1 = _ceil_to(_ceil_to(E1, NW * CH1) // (NW * CH1), 16)
    assert k1 % 16 == 0
    k2 = _ceil_to(_ceil_to(E2, NW * CH2) // (NW * CH2), 32)
    src1, dst1 = _pad_edges(src_idx1, dst_idx1, N1, NW * k1, CH1)
    src2, dst2 = _pad_edges(src_idx2, dst_idx2, N2, NW * k2, CH2)

    xp = jnp.concatenate([x, jnp.zeros((N0P - N0, D), jnp.float32)])
    aggp1, cntp1 = _seg_sum_sc(N0P, N1P, k1, CH1, True)(xp, src1, dst1)

    h1 = pl.pallas_call(
        _sage_tc1,
        out_shape=jax.ShapeDtypeStruct((N1P, D), jnp.float32),
    )(x[:N1P], aggp1, cntp1.reshape(NC, N1P, 1), W_self0, W_neigh0,
      b0.reshape(1, D))

    aggp2, cntp2 = _seg_sum_sc(N1P, N2P, k2, CH2, True)(h1, src2, dst2)

    out = pl.pallas_call(
        _sage_tc2,
        out_shape=jax.ShapeDtypeStruct((N2P, D_OUT), jnp.float32),
    )(h1[:N2P], aggp2, cntp2.reshape(NC, N2P, 1), W_self1, W_neigh1,
      b1.reshape(1, D), fc_W, fc_b.reshape(1, D_OUT))

    return out[:N2]

# --- scband reference (transcript-rebuilt; emitter-appended) ---
"""Pipeline reference for scband-graph-sage-23381801959787 (READ-ONLY COPY).

The authoritative reference and input builder live on the scoring server;
editing this copy changes nothing except your own understanding.
"""

import jax, jax.numpy as jnp
import numpy as np

N0, N1, N2 = 10000, 4000, 1000
E1, E2 = 320000, 128000
D_IN, D_H, D_OUT = 128, 128, 16


def _glorot(k, shape):
    lim = (6.0 / (shape[0] + shape[1])) ** 0.5
    return jax.random.uniform(k, shape, jnp.float32, -lim, lim)


def setup_inputs(seed: int = 0) -> dict:
    key = jax.random.key(seed)
    ks = jax.random.split(key, 12)
    x = jax.random.normal(ks[0], (N0, D_IN), dtype=jnp.float32)
    src_idx1 = jax.random.randint(ks[1], (E1,), 0, N0, dtype=jnp.int64) if jax.config.jax_enable_x64 else jax.random.randint(ks[1], (E1,), 0, N0).astype(jnp.int32)
    dst_idx1 = jax.random.randint(ks[2], (E1,), 0, N1).astype(src_idx1.dtype)
    src_idx2 = jax.random.randint(ks[3], (E2,), 0, N1).astype(src_idx1.dtype)
    dst_idx2 = jax.random.randint(ks[4], (E2,), 0, N2).astype(src_idx1.dtype)
    W_self0 = _glorot(ks[5], (D_IN, D_H))
    W_neigh0 = _glorot(ks[6], (D_IN, D_H))
    b0 = jnp.zeros((D_H,), jnp.float32)
    W_self1 = _glorot(ks[7], (D_H, D_H))
    W_neigh1 = _glorot(ks[8], (D_H, D_H))
    b1 = jnp.zeros((D_H,), jnp.float32)
    fc_W = _glorot(ks[9], (D_H, D_OUT))
    fc_b = jnp.zeros((D_OUT,), jnp.float32)
    return {"x": x, "src_idx1": src_idx1, "dst_idx1": dst_idx1, "src_idx2": src_idx2, "dst_idx2": dst_idx2, "W_self0": W_self0, "W_neigh0": W_neigh0, "b0": b0, "W_self1": W_self1, "W_neigh1": W_neigh1, "b1": b1, "fc_W": fc_W, "fc_b": fc_b}


def _sage_conv(h_src, h_dst, src_idx, dst_idx, n_dst, W_self, W_neigh, b):
    # DGL SAGEConv(aggregator='mean') on a bipartite block:
    # h_neigh = fc_neigh(mean_{in-edges}(h_src)); rst = fc_self(h_dst) + h_neigh + bias
    msg = jnp.take(h_src, src_idx, axis=0)
    agg = jax.ops.segment_sum(msg, dst_idx, num_segments=n_dst)
    cnt = jax.ops.segment_sum(jnp.ones((src_idx.shape[0],), jnp.float32), dst_idx, num_segments=n_dst)
    mean = agg / jnp.clip(cnt, 1.0)[:, None]
    return h_dst @ W_self + mean @ W_neigh + b


def reference(x, src_idx1, dst_idx1, src_idx2, dst_idx2, W_self0, W_neigh0, b0, W_self1, W_neigh1, b1, fc_W, fc_b):
    # forward(blocks, x): zip(self.layers, blocks) with len(blocks)=n_layers=2 uses
    # only the first two SAGEConv layers; dropout is identity (inference).
    h = x
    h_dst = h[:N1]
    h = _sage_conv(h, h_dst, src_idx1, dst_idx1, N1, W_self0, W_neigh0, b0)
    h = jax.nn.relu(h)
    h_dst = h[:N2]
    h = _sage_conv(h, h_dst, src_idx2, dst_idx2, N2, W_self1, W_neigh1, b1)
    h = jax.nn.relu(h)
    return h @ fc_W + fc_b

if __name__ == "__main__":
    import jax
    _d = setup_inputs()
    print(jax.jit(kernel)(*tuple(_d.values())))

</pallas_src>

<mosaic_0001>
#map = affine_map<(d0, d1) -> (0, 0)>
#map1 = affine_map<(d0, d1) -> (0, 0, 0)>
module attributes {stable_mosaic.version = 14 : i64} {
  func.func @seg_kernel(%arg0: i32, %arg1: i32, %arg2: memref<10112x128xf32, #tpu.memory_space<hbm>>, %arg3: memref<10240x32xi32, #tpu.memory_space<hbm>>, %arg4: memref<10240x32xi32, #tpu.memory_space<hbm>>, %arg5: memref<2x4096x128xf32, #tpu.memory_space<hbm>>, %arg6: memref<2x32x128xf32, #tpu.memory_space<hbm>>, %arg7: memref<16x32xi32, #tpu.memory_space<vmem>>, %arg8: memref<16x32xi32, #tpu.memory_space<vmem>>, %arg9: memref<32x128xf32, #tpu.memory_space<vmem>>, %arg10: memref<32x128xf32, #tpu.memory_space<vmem>>, %arg11: memref<32xf32, #tpu.memory_space<vmem>>, %arg12: memref<8x128xf32, #tpu.memory_space<vmem>>, %arg13: memref<1024xf32, #tpu.memory_space<vmem>>, %arg14: memref<10112x128xf32, #tpu.memory_space<vmem_shared>>, %arg15: memref<4096x128xf32, #tpu.memory_space<vmem_shared>>, %arg16: memref<4096xf32, #tpu.memory_space<vmem_shared>>, %arg17: memref<!tpu.dma_semaphore, #tpu.memory_space<semaphore_mem>>, %arg18: memref<!tpu.dma_semaphore, #tpu.memory_space<semaphore_mem>>, %arg19: memref<!tpu.dma_semaphore, #tpu.memory_space<semaphore_mem>>, %arg20: memref<!tpu.dma_semaphore, #tpu.memory_space<semaphore_mem>>, %arg21: memref<!tpu.dma_semaphore, #tpu.memory_space<semaphore_mem>>, %arg22: memref<!tpu.dma_semaphore, #tpu.memory_space<semaphore_mem>>, %arg23: memref<!tpu.dma_semaphore, #tpu.memory_space<semaphore_mem>>) attributes {dimension_semantics = [#tpu.dimension_semantics<core_parallel>, #tpu.dimension_semantics<subcore_parallel>], iteration_bounds = array<i64: 2, 16>, scalar_prefetch = 0 : i64, scratch_operands = 17 : i64, tpu.core_type = #tpu.core_type<sc_vector_subcore>, window_params = [{transform_indices = #map}, {transform_indices = #map}, {transform_indices = #map}, {transform_indices = #map1}, {transform_indices = #map1}]} {
    %broadcast_in_dim3A = arith.constant 0.000000e+00 : f32
    %broadcast_in_dim3A_0 = vector.broadcast %broadcast_in_dim3A : f32 to vector<16xf32>
    %swap3A = arith.constant 0 : i32
    %swap3A_1 = arith.index_cast %swap3A : i32 to index
    %swap3A_2 = arith.constant 0 : index
    %swap3A_3 = tpu.vector_load %arg12[%swap3A_1, %swap3A_2] {strides = array<i32>} : memref<8x128xf32, #tpu.memory_space<vmem>>, vector<1x16xf32>,
    %swap3A_4 = vector.shape_cast %swap3A_3 : vector<1x16xf32> to vector<16xf32>
    %swap3A_5 = vector.shape_cast %broadcast_in_dim3A_0 : vector<16xf32> to vector<1x16xf32>
    tpu.vector_store %arg12[%swap3A_1, %swap3A_2], %swap3A_5 {strides = array<i32>} : memref<8x128xf32, #tpu.memory_space<vmem>>, vector<1x16xf32>,
    %swap3A_6 = arith.constant 0 : i32
    %swap3A_7 = arith.index_cast %swap3A_6 : i32 to index
    %swap3A_8 = arith.constant 16 : index
    %swap3A_9 = tpu.vector_load %arg12[%swap3A_7, %swap3A_8] {strides = array<i32>} : memref<8x128xf32, #tpu.memory_space<vmem>>, vector<1x16xf32>,
    %swap3A_10 = vector.shape_cast %swap3A_9 : vector<1x16xf32> to vector<16xf32>
    %swap3A_11 = vector.shape_cast %broadcast_in_dim3A_0 : vector<16xf32> to vector<1x16xf32>
    tpu.vector_store %arg12[%swap3A_7, %swap3A_8], %swap3A_11 {strides = array<i32>} : memref<8x128xf32, #tpu.memory_space<vmem>>, vector<1x16xf32>,
    %swap3A_12 = arith.constant 0 : i32
    %swap3A_13 = arith.index_cast %swap3A_12 : i32 to index
    %swap3A_14 = arith.constant 32 : index
    %swap3A_15 = tpu.vector_load %arg12[%swap3A_13, %swap3A_14] {strides = array<i32>} : memref<8x128xf32, #tpu.memory_space<vmem>>, vector<1x16xf32>,
    %swap3A_16 = vector.shape_cast %swap3A_15 : vector<1x16xf32> to vector<16xf32>
    %swap3A_17 = vector.shape_cast %broadcast_in_dim3A_0 : vector<16xf32> to vector<1x16xf32>
    tpu.vector_store %arg12[%swap3A_13, %swap3A_14], %swap3A_17 {strides = array<i32>} : memref<8x128xf32, #tpu.memory_space<vmem>>, vector<1x16xf32>,
    %swap3A_18 = arith.constant 0 : i32
    %swap3A_19 = arith.index_cast %swap3A_18 : i32 to index
    %swap3A_20 = arith.constant 48 : index
    %swap3A_21 = tpu.vector_load %arg12[%swap3A_19, %swap3A_20] {strides = array<i32>} : memref<8x128xf32, #tpu.memory_space<vmem>>, vector<1x16xf32>,
    %swap3A_22 = vector.shape_cast %swap3A_21 : vector<1x16xf32> to vector<16xf32>
    %swap3A_23 = vector.shape_cast %broadcast_in_dim3A_0 : vector<16xf32> to vector<1x16xf32>
    tpu.vector_store %arg12[%swap3A_19, %swap3A_20], %swap3A_23 {strides = array<i32>} : memref<8x128xf32, #tpu.memory_space<vmem>>, vector<1x16xf32>,
    %swap3A_24 = arith.constant 0 : i32
    %swap3A_25 = arith.index_cast %swap3A_24 : i32 to index
    %swap3A_26 = arith.constant 64 : index
    %swap3A_27 = tpu.vector_load %arg12[%swap3A_25, %swap3A_26] {strides = array<i32>} : memref<8x128xf32, #tpu.memory_space<vmem>>, vector<1x16xf32>,
    %swap3A_28 = vector.shape_cast %swap3A_27 : vector<1x16xf32> to vector<16xf32>
    %swap3A_29 = vector.shape_cast %broadcast_in_dim3A_0 : vector<16xf32> to vector<1x16xf32>
    tpu.vector_store %arg12[%swap3A_25, %swap3A_26], %swap3A_29 {strides = array<i32>} : memref<8x128xf32, #tpu.memory_space<vmem>>, vector<1x16xf32>,
    %swap3A_30 = arith.constant 0 : i32
    %swap3A_31 = arith.index_cast %swap3A_30 : i32 to index
    %swap3A_32 = arith.constant 80 : index
    %swap3A_33 = tpu.vector_load %arg12[%swap3A_31, %swap3A_32] {strides = array<i32>} : memref<8x128xf32, #tpu.memory_space<vmem>>, vector<1x16xf32>,
    %swap3A_34 = vector.shape_cast %swap3A_33 : vector<1x16xf32> to vector<16xf32>
    %swap3A_35 = vector.shape_cast %broadcast_in_dim3A_0 : vector<16xf32> to vector<1x16xf32>
    tpu.vector_store %arg12[%swap3A_31, %swap3A_32], %swap3A_35 {strides = array<i32>} : memref<8x128xf32, #tpu.memory_space<vmem>>, vector<1x16xf32>,
    %swap3A_36 = arith.constant 0 : i32
    %swap3A_37 = arith.index_cast %swap3A_36 : i32 to index
    %swap3A_38 = arith.constant 96 : index
    %swap3A_39 = tpu.vector_load %arg12[%swap3A_37, %swap3A_38] {strides = array<i32>} : memref<8x128xf32, #tpu.memory_space<vmem>>, vector<1x16xf32>,
    %swap3A_40 = vector.shape_cast %swap3A_39 : vector<1x16xf32> to vector<16xf32>
    %swap3A_41 = vector.shape_cast %broadcast_in_dim3A_0 : vector<16xf32> to vector<1x16xf32>
    tpu.vector_store %arg12[%swap3A_37, %swap3A_38], %swap3A_41 {strides = array<i32>} : memref<8x128xf32, #tpu.memory_space<vmem>>, vector<1x16xf32>,
    %swap3A_42 = arith.constant 0 : i32
    %swap3A_43 = arith.index_cast %swap3A_42 : i32 to index
    %swap3A_44 = arith.constant 112 : index
    %swap3A_45 = tpu.vector_load %arg12[%swap3A_43, %swap3A_44] {strides = array<i32>} : memref<8x128xf32, #tpu.memory_space<vmem>>, vector<1x16xf32>,
    %swap3A_46 = vector.shape_cast %swap3A_45 : vector<1x16xf32> to vector<16xf32>
    %swap3A_47 = vector.shape_cast %broadcast_in_dim3A_0 : vector<16xf32> to vector<1x16xf32>
    tpu.vector_store %arg12[%swap3A_43, %swap3A_44], %swap3A_47 {strides = array<i32>} : memref<8x128xf32, #tpu.memory_space<vmem>>, vector<1x16xf32>,
    %swap3A_48 = arith.constant 1 : i32
    %swap3A_49 = arith.index_cast %swap3A_48 : i32 to index
    %swap3A_50 = arith.constant 0 : index
    %swap3A_51 = tpu.vector_load %arg12[%swap3A_49, %swap3A_50] {strides = array<i32>} : memref<8x128xf32, #tpu.memory_space<vmem>>, vector<1x16xf32>,
    %swap3A_52 = vector.shape_cast %swap3A_51 : vector<1x16xf32> to vector<16xf32>
    %swap3A_53 = vector.shape_cast %broadcast_in_dim3A_0 : vector<16xf32> to vector<1x16xf32>
    tpu.vector_store %arg12[%swap3A_49, %swap3A_50], %swap3A_53 {strides = array<i32>} : memref<8x128xf32, #tpu.memory_space<vmem>>, vector<1x16xf32>,
    %swap3A_54 = arith.constant 1 : i32
    %swap3A_55 = arith.index_cast %swap3A_54 : i32 to index
    %swap3A_56 = arith.constant 16 : index
    %swap3A_57 = tpu.vector_load %arg12[%swap3A_55, %swap3A_56] {strides = array<i32>} : memref<8x128xf32, #tpu.memory_space<vmem>>, vector<1x16xf32>,
    %swap3A_58 = vector.shape_cast %swap3A_57 : vector<1x16xf32> to vector<16xf32>
    %swap3A_59 = vector.shape_cast %broadcast_in_dim3A_0 : vector<16xf32> to vector<1x16xf32>
    tpu.vector_store %arg12[%swap3A_55, %swap3A_56], %swap3A_59 {strides = array<i32>} : memref<8x128xf32, #tpu.memory_space<vmem>>, vector<1x16xf32>,
    %swap3A_60 = arith.constant 1 : i32
    %swap3A_61 = arith.index_cast %swap3A_60 : i32 to index
    %swap3A_62 = arith.constant 32 : index
    %swap3A_63 = tpu.vector_load %arg12[%swap3A_61, %swap3A_62] {strides = array<i32>} : memref<8x128xf32, #tpu.memory_space<vmem>>, vector<1x16xf32>,
    %swap3A_64 = vector.shape_cast %swap3A_63 : vector<1x16xf32> to vector<16xf32>
    %swap3A_65 = vector.shape_cast %broadcast_in_dim3A_0 : vector<16xf32> to vector<1x16xf32>
    tpu.vector_store %arg12[%swap3A_61, %swap3A_62], %swap3A_65 {strides = array<i32>} : memref<8x128xf32, #tpu.memory_space<vmem>>, vector<1x16xf32>,
    %swap3A_66 = arith.constant 1 : i32
    %swap3A_67 = arith.index_cast %swap3A_66 : i32 to index
    %swap3A_68 = arith.constant 48 : index
    %swap3A_69 = tpu.vector_load %arg12[%swap3A_67, %swap3A_68] {strides = array<i32>} : memref<8x128xf32, #tpu.memory_space<vmem>>, vector<1x16xf32>,
    %swap3A_70 = vector.shape_cast %swap3A_69 : vector<1x16xf32> to vector<16xf32>
    %swap3A_71 = vector.shape_cast %broadcast_in_dim3A_0 : vector<16xf32> to vector<1x16xf32>
    tpu.vector_store %arg12[%swap3A_67, %swap3A_68], %swap3A_71 {strides = array<i32>} : memref<8x128xf32, #tpu.memory_space<vmem>>, vector<1x16xf32>,
    %swap3A_72 = arith.constant 1 : i32
    %swap3A_73 = arith.index_cast %swap3A_72 : i32 to index
    %swap3A_74 = arith.constant 64 : index
    %swap3A_75 = tpu.vector_load %arg12[%swap3A_73, %swap3A_74] {strides = array<i32>} : memref<8x128xf32, #tpu.memory_space<vmem>>, vector<1x16xf32>,
    %swap3A_76 = vector.shape_cast %swap3A_75 : vector<1x16xf32> to vector<16xf32>
    %swap3A_77 = vector.shape_cast %broadcast_in_dim3A_0 : vector<16xf32> to vector<1x16xf32>
    tpu.vector_store %arg12[%swap3A_73, %swap3A_74], %swap3A_77 {strides = array<i32>} : memref<8x128xf32, #tpu.memory_space<vmem>>, vector<1x16xf32>,
    %swap3A_78 = arith.constant 1 : i32
    %swap3A_79 = arith.index_cast %swap3A_78 : i32 to index
    %swap3A_80 = arith.constant 80 : index
    %swap3A_81 = tpu.vector_load %arg12[%swap3A_79, %swap3A_80] {strides = array<i32>} : memref<8x128xf32, #tpu.memory_space<vmem>>, vector<1x16xf32>,
    %swap3A_82 = vector.shape_cast %swap3A_81 : vector<1x16xf32> to vector<16xf32>
    %swap3A_83 = vector.shape_cast %broadcast_in_dim3A_0 : vector<16xf32> to vector<1x16xf32>
    tpu.vector_store %arg12[%swap3A_79, %swap3A_80], %swap3A_83 {strides = array<i32>} : memref<8x128xf32, #tpu.memory_space<vmem>>, vector<1x16xf32>,
    %swap3A_84 = arith.constant 1 : i32
    %swap3A_85 = arith.index_cast %swap3A_84 : i32 to index
    %swap3A_86 = arith.constant 96 : index
    %swap3A_87 = tpu.vector_load %arg12[%swap3A_85, %swap3A_86] {strides = array<i32>} : memref<8x128xf32, #tpu.memory_space<vmem>>, vector<1x16xf32>,
    %swap3A_88 = vector.shape_cast %swap3A_87 : vector<1x16xf32> to vector<16xf32>
    %swap3A_89 = vector.shape_cast %broadcast_in_dim3A_0 : vector<16xf32> to vector<1x16xf32>
    tpu.vector_store %arg12[%swap3A_85, %swap3A_86], %swap3A_89 {strides = array<i32>} : memref<8x128xf32, #tpu.memory_space<vmem>>, vector<1x16xf32>,
    %swap3A_90 = arith.constant 1 : i32
    %swap3A_91 = arith.index_cast %swap3A_90 : i32 to index
    %swap3A_92 = arith.constant 112 : index
    %swap3A_93 = tpu.vector_load %arg12[%swap3A_91, %swap3A_92] {strides = array<i32>} : memref<8x128xf32, #tpu.memory_space<vmem>>, vector<1x16xf32>,
    %swap3A_94 = vector.shape_cast %swap3A_93 : vector<1x16xf32> to vector<16xf32>
    %swap3A_95 = vector.shape_cast %broadcast_in_dim3A_0 : vector<16xf32> to vector<1x16xf32>
    tpu.vector_store %arg12[%swap3A_91, %swap3A_92], %swap3A_95 {strides = array<i32>} : memref<8x128xf32, #tpu.memory_space<vmem>>, vector<1x16xf32>,
    %swap3A_96 = arith.constant 2 : i32
    %swap3A_97 = arith.index_cast %swap3A_96 : i32 to index
    %swap3A_98 = arith.constant 0 : index
    %swap3A_99 = tpu.vector_load %arg12[%swap3A_97, %swap3A_98] {strides = array<i32>} : memref<8x128xf32, #tpu.memory_space<vmem>>, vector<1x16xf32>,
    %swap3A_100 = vector.shape_cast %swap3A_99 : vector<1x16xf32> to vector<16xf32>
    %swap3A_101 = vector.shape_cast %broadcast_in_dim3A_0 : vector<16xf32> to vector<1x16xf32>
    tpu.vector_store %arg12[%swap3A_97, %swap3A_98], %swap3A_101 {strides = array<i32>} : memref<8x128xf32, #tpu.memory_space<vmem>>, vector<1x16xf32>,
    %swap3A_102 = arith.constant 2 : i32
    %swap3A_103 = arith.index_cast %swap3A_102 : i32 to index
    %swap3A_104 = arith.constant 16 : index
    %swap3A_105 = tpu.vector_load %arg12[%swap3A_103, %swap3A_104] {strides = array<i32>} : memref<8x128xf32, #tpu.memory_space<vmem>>, vector<1x16xf32>,
    %swap3A_106 = vector.shape_cast %swap3A_105 : vector<1x16xf32> to vector<16xf32>
    %swap3A_107 = vector.shape_cast %broadcast_in_dim3A_0 : vector<16xf32> to vector<1x16xf32>
    tpu.vector_store %arg12[%swap3A_103, %swap3A_104], %swap3A_107 {strides = array<i32>} : memref<8x128xf32, #tpu.memory_space<vmem>>, vector<1x16xf32>,
    %swap3A_108 = arith.constant 2 : i32
    %swap3A_109 = arith.index_cast %swap3A_108 : i32 to index
    %swap3A_110 = arith.constant 32 : index
    %swap3A_111 = tpu.vector_load %arg12[%swap3A_109, %swap3A_110] {strides = array<i32>} : memref<8x128xf32, #tpu.memory_space<vmem>>, vector<1x16xf32>,
    %swap3A_112 = vector.shape_cast %swap3A_111 : vector<1x16xf32> to vector<16xf32>
    %swap3A_113 = vector.shape_cast %broadcast_in_dim3A_0 : vector<16xf32> to vector<1x16xf32>
    tpu.vector_store %arg12[%swap3A_109, %swap3A_110], %swap3A_113 {strides = array<i32>} : memref<8x128xf32, #tpu.memory_space<vmem>>, vector<1x16xf32>,
    %swap3A_114 = arith.constant 2 : i32
    %swap3A_115 = arith.index_cast %swap3A_114 : i32 to index
    %swap3A_116 = arith.constant 48 : index
    %swap3A_117 = tpu.vector_load %arg12[%swap3A_115, %swap3A_116] {strides = array<i32>} : memref<8x128xf32, #tpu.memory_space<vmem>>, vector<1x16xf32>,
    %swap3A_118 = vector.shape_cast %swap3A_117 : vector<1x16xf32> to vector<16xf32>
    %swap3A_119 = vector.shape_cast %broadcast_in_dim3A_0 : vector<16xf32> to vector<1x16xf32>
    tpu.vector_store %arg12[%swap3A_115, %swap3A_116], %swap3A_119 {strides = array<i32>} : memref<8x128xf32, #tpu.memory_space<vmem>>, vector<1x16xf32>,
    %swap3A_120 = arith.constant 2 : i32
    %swap3A_121 = arith.index_cast %swap3A_120 : i32 to index
    %swap3A_122 = arith.constant 64 : index
    %swap3A_123 = tpu.vector_load %arg12[%swap3A_121, %swap3A_122] {strides = array<i32>} : memref<8x128xf32, #tpu.memory_space<vmem>>, vector<1x16xf32>,
    %swap3A_124 = vector.shape_cast %swap3A_123 : vector<1x16xf32> to vector<16xf32>
    %swap3A_125 = vector.shape_cast %broadcast_in_dim3A_0 : vector<16xf32> to vector<1x16xf32>
    tpu.vector_store %arg12[%swap3A_121, %swap3A_122], %swap3A_125 {strides = array<i32>} : memref<8x128xf32, #tpu.memory_space<vmem>>, vector<1x16xf32>,
    %swap3A_126 = arith.constant 2 : i32
    %swap3A_127 = arith.index_cast %swap3A_126 : i32 to index
    %swap3A_128 = arith.constant 80 : index
    %swap3A_129 = tpu.vector_load %arg12[%swap3A_127, %swap3A_128] {strides = array<i32>} : memref<8x128xf32, #tpu.memory_space<vmem>>, vector<1x16xf32>,
    %swap3A_130 = vector.shape_cast %swap3A_129 : vector<1x16xf32> to vector<16xf32>
    %swap3A_131 = vector.shape_cast %broadcast_in_dim3A_0 : vector<16xf32> to vector<1x16xf32>
    tpu.vector_store %arg12[%swap3A_127, %swap3A_128], %swap3A_131 {strides = array<i32>} : memref<8x128xf32, #tpu.memory_space<vmem>>, vector<1x16xf32>,
    %swap3A_132 = arith.constant 2 : i32
    %swap3A_133 = arith.index_cast %swap3A_132 : i32 to index
    %swap3A_134 = arith.constant 96 : index
    %swap3A_135 = tpu.vector_load %arg12[%swap3A_133, %swap3A_134] {strides = array<i32>} : memref<8x128xf32, #tpu.memory_space<vmem>>, vector<1x16xf32>,
    %swap3A_136 = vector.shape_cast %swap3A_135 : vector<1x16xf32> to vector<16xf32>
    %swap3A_137 = vector.shape_cast %broadcast_in_dim3A_0 : vector<16xf32> to vector<1x16xf32>
    tpu.vector_store %arg12[%swap3A_133, %swap3A_134], %swap3A_137 {strides = array<i32>} : memref<8x128xf32, #tpu.memory_space<vmem>>, vector<1x16xf32>,
    %swap3A_138 = arith.constant 2 : i32
    %swap3A_139 = arith.index_cast %swap3A_138 : i32 to index
    %swap3A_140 = arith.constant 112 : index
    %swap3A_141 = tpu.vector_load %arg12[%swap3A_139, %swap3A_140] {strides = array<i32>} : memref<8x128xf32, #tpu.memory_space<vmem>>, vector<1x16xf32>,
    %swap3A_142 = vector.shape_cast %swap3A_141 : vector<1x16xf32> to vector<16xf32>
    %swap3A_143 = vector.shape_cast %broadcast_in_dim3A_0 : vector<16xf32> to vector<1x16xf32>
    tpu.vector_store %arg12[%swap3A_139, %swap3A_140], %swap3A_143 {strides = array<i32>} : memref<8x128xf32, #tpu.memory_space<vmem>>, vector<1x16xf32>,
    %swap3A_144 = arith.constant 3 : i32
    %swap3A_145 = arith.index_cast %swap3A_144 : i32 to index
    %swap3A_146 = arith.constant 0 : index
    %swap3A_147 = tpu.vector_load %arg12[%swap3A_145, %swap3A_146] {strides = array<i32>} : memref<8x128xf32, #tpu.memory_space<vmem>>, vector<1x16xf32>,
    %swap3A_148 = vector.shape_cast %swap3A_147 : vector<1x16xf32> to vector<16xf32>
    %swap3A_149 = vector.shape_cast %broadcast_in_dim3A_0 : vector<16xf32> to vector<1x16xf32>
    tpu.vector_store %arg12[%swap3A_145, %swap3A_146], %swap3A_149 {strides = array<i32>} : memref<8x128xf32, #tpu.memory_space<vmem>>, vector<1x16xf32>,
    %swap3A_150 = arith.constant 3 : i32
    %swap3A_151 = arith.index_cast %swap3A_150 : i32 to index
    %swap3A_152 = arith.constant 16 : index
    %swap3A_153 = tpu.vector_load %arg12[%swap3A_151, %swap3A_152] {strides = array<i32>} : memref<8x128xf32, #tpu.memory_space<vmem>>, vector<1x16xf32>,
    %swap3A_154 = vector.shape_cast %swap3A_153 : vector<1x16xf32> to vector<16xf32>
    %swap3A_155 = vector.shape_cast %broadcast_in_dim3A_0 : vector<16xf32> to vector<1x16xf32>
    tpu.vector_store %arg12[%swap3A_151, %swap3A_152], %swap3A_155 {strides = array<i32>} : memref<8x128xf32, #tpu.memory_space<vmem>>, vector<1x16xf32>,
    %swap3A_156 = arith.constant 3 : i32
    %swap3A_157 = arith.index_cast %swap3A_156 : i32 to index
    %swap3A_158 = arith.constant 32 : index
    %swap3A_159 = tpu.vector_load %arg12[%swap3A_157, %swap3A_158] {strides = array<i32>} : memref<8x128xf32, #tpu.memory_space<vmem>>, vector<1x16xf32>,
    %swap3A_160 = vector.shape_cast %swap3A_159 : vector<1x16xf32> to vector<16xf32>
    %swap3A_161 = vector.shape_cast %broadcast_in_dim3A_0 : vector<16xf32> to vector<1x16xf32>
    tpu.vector_store %arg12[%swap3A_157, %swap3A_158], %swap3A_161 {strides = array<i32>} : memref<8x128xf32, #tpu.memory_space<vmem>>, vector<1x16xf32>,
    %swap3A_162 = arith.constant 3 : i32
    %swap3A_163 = arith.index_cast %swap3A_162 : i32 to index
    %swap3A_164 = arith.constant 48 : index
    %swap3A_165 = tpu.vector_load %arg12[%swap3A_163, %swap3A_164] {strides = array<i32>} : memref<8x128xf32, #tpu.memory_space<vmem>>, vector<1x16xf32>,
    %swap3A_166 = vector.shape_cast %swap3A_165 : vector<1x16xf32> to vector<16xf32>
    %swap3A_167 = vector.shape_cast %broadcast_in_dim3A_0 : vector<16xf32> to vector<1x16xf32>
    tpu.vector_store %arg12[%swap3A_163, %swap3A_164], %swap3A_167 {strides = array<i32>} : memref<8x128xf32, #tpu.memory_space<vmem>>, vector<1x16xf32>,
    %swap3A_168 = arith.constant 3 : i32
    %swap3A_169 = arith.index_cast %swap3A_168 : i32 to index
    %swap3A_170 = arith.constant 64 : index
    %swap3A_171 = tpu.vector_load %arg12[%swap3A_169, %swap3A_170] {strides = array<i32>} : memref<8x128xf32, #tpu.memory_space<vmem>>, vector<1x16xf32>,
    %swap3A_172 = vector.shape_cast %swap3A_171 : vector<1x16xf32> to vector<16xf32>
    %swap3A_173 = vector.shape_cast %broadcast_in_dim3A_0 : vector<16xf32> to vector<1x16xf32>
    tpu.vector_store %arg12[%swap3A_169, %swap3A_170], %swap3A_173 {strides = array<i32>} : memref<8x128xf32, #tpu.memory_space<vmem>>, vector<1x16xf32>,
    %swap3A_174 = arith.constant 3 : i32
    %swap3A_175 = arith.index_cast %swap3A_174 : i32 to index
    %swap3A_176 = arith.constant 80 : index
    %swap3A_177 = tpu.vector_load %arg12[%swap3A_175, %swap3A_176] {strides = array<i32>} : memref<8x128xf32, #tpu.memory_space<vmem>>, vector<1x16xf32>,
    %swap3A_178 = vector.shape_cast %swap3A_177 : vector<1x16xf32> to vector<16xf32>
    %swap3A_179 = vector.shape_cast %broadcast_in_dim3A_0 : vector<16xf32> to vector<1x16xf32>
    tpu.vector_store %arg12[%swap3A_175, %swap3A_176], %swap3A_179 {strides = array<i32>} : memref<8x128xf32, #tpu.memory_space<vmem>>, vector<1x16xf32>,
    %swap3A_180 = arith.constant 3 : i32
    %swap3A_181 = arith.index_cast %swap3A_180 : i32 to index
    %swap3A_182 = arith.constant 96 : index
    %swap3A_183 = tpu.vector_load %arg12[%swap3A_181, %swap3A_182] {strides = array<i32>} : memref<8x128xf32, #tpu.memory_space<vmem>>, vector<1x16xf32>,
    %swap3A_184 = vector.shape_cast %swap3A_183 : vector<1x16xf32> to vector<16xf32>
    %swap3A_185 = vector.shape_cast %broadcast_in_dim3A_0 : vector<16xf32> to vector<1x16xf32>
    tpu.vector_store %arg12[%swap3A_181, %swap3A_182], %swap3A_185 {strides = array<i32>} : memref<8x128xf32, #tpu.memory_space<vmem>>, vector<1x16xf32>,
    %swap3A_186 = arith.constant 3 : i32
    %swap3A_187 = arith.index_cast %swap3A_186 : i32 to index
    %swap3A_188 = arith.constant 112 : index
    %swap3A_189 = tpu.vector_load %arg12[%swap3A_187, %swap3A_188] {strides = array<i32>} : memref<8x128xf32, #tpu.memory_space<vmem>>, vector<1x16xf32>,
    %swap3A_190 = vector.shape_cast %swap3A_189 : vector<1x16xf32> to vector<16xf32>
    %swap3A_191 = vector.shape_cast %broadcast_in_dim3A_0 : vector<16xf32> to vector<1x16xf32>
    tpu.vector_store %arg12[%swap3A_187, %swap3A_188], %swap3A_191 {strides = array<i32>} : memref<8x128xf32, #tpu.memory_space<vmem>>, vector<1x16xf32>,
    %swap3A_192 = arith.constant 4 : i32
    %swap3A_193 = arith.index_cast %swap3A_192 : i32 to index
    %swap3A_194 = arith.constant 0 : index
    %swap3A_195 = tpu.vector_load %arg12[%swap3A_193, %swap3A_194] {strides = array<i32>} : memref<8x128xf32, #tpu.memory_space<vmem>>, vector<1x16xf32>,
    %swap3A_196 = vector.shape_cast %swap3A_195 : vector<1x16xf32> to vector<16xf32>
    %swap3A_197 = vector.shape_cast %broadcast_in_dim3A_0 : vector<16xf32> to vector<1x16xf32>
    tpu.vector_store %arg12[%swap3A_193, %swap3A_194], %swap3A_197 {strides = array<i32>} : memref<8x128xf32, #tpu.memory_space<vmem>>, vector<1x16xf32>,
    %swap3A_198 = arith.constant 4 : i32
    %swap3A_199 = arith.index_cast %swap3A_198 : i32 to index
    %swap3A_200 = arith.constant 16 : index
    %swap3A_201 = tpu.vector_load %arg12[%swap3A_199, %swap3A_200] {strides = array<i32>} : memref<8x128xf32, #tpu.memory_space<vmem>>, vector<1x16xf32>,
    %swap3A_202 = vector.shape_cast %swap3A_201 : vector<1x16xf32> to vector<16xf32>
    %swap3A_203 = vector.shape_cast %broadcast_in_dim3A_0 : vector<16xf32> to vector<1x16xf32>
    tpu.vector_store %arg12[%swap3A_199, %swap3A_200], %swap3A_203 {strides = array<i32>} : memref<8x128xf32, #tpu.memory_space<vmem>>, vector<1x16xf32>,
    %swap3A_204 = arith.constant 4 : i32
    %swap3A_205 = arith.index_cast %swap3A_204 : i32 to index
    %swap3A_206 = arith.constant 32 : index
    %swap3A_207 = tpu.vector_load %arg12[%swap3A_205, %swap3A_206] {strides = array<i32>} : memref<8x128xf32, #tpu.memory_space<vmem>>, vector<1x16xf32>,
    %swap3A_208 = vector.shape_cast %swap3A_207 : vector<1x16xf32> to vector<16xf32>
    %swap3A_209 = vector.shape_cast %broadcast_in_dim3A_0 : vector<16xf32> to vector<1x16xf32>
    tpu.vector_store %arg12[%swap3A_205, %swap3A_206], %swap3A_209 {strides = array<i32>} : memref<8x128xf32, #tpu.memory_space<vmem>>, vector<1x16xf32>,
    %swap3A_210 = arith.constant 4 : i32
    %swap3A_211 = arith.index_cast %swap3A_210 : i32 to index
    %swap3A_212 = arith.constant 48 : index
    %swap3A_213 = tpu.vector_load %arg12[%swap3A_211, %swap3A_212] {strides = array<i32>} : memref<8x128xf32, #tpu.memory_space<vmem>>, vector<1x16xf32>,
    %swap3A_214 = vector.shape_cast %swap3A_213 : vector<1x16xf32> to vector<16xf32>
    %swap3A_215 = vector.shape_cast %broadcast_in_dim3A_0 : vector<16xf32> to vector<1x16xf32>
    tpu.vector_store %arg12[%swap3A_211, %swap3A_212], %swap3A_215 {strides = array<i32>} : memref<8x128xf32, #tpu.memory_space<vmem>>, vector<1x16xf32>,
    %swap3A_216 = arith.constant 4 : i32
    %swap3A_217 = arith.index_cast %swap3A_216 : i32 to index
    %swap3A_218 = arith.constant 64 : index
    %swap3A_219 = tpu.vector_load %arg12[%swap3A_217, %swap3A_218] {strides = array<i32>} : memref<8x128xf32, #tpu.memory_space<vmem>>, vector<1x16xf32>,
    %swap3A_220 = vector.shape_cast %swap3A_219 : vector<1x16xf32> to vector<16xf32>
    %swap3A_221 = vector.shape_cast %broadcast_in_dim3A_0 : vector<16xf32> to vector<1x16xf32>
    tpu.vector_store %arg12[%swap3A_217, %swap3A_218], %swap3A_221 {strides = array<i32>} : memref<8x128xf32, #tpu.memory_space<vmem>>, vector<1x16xf32>,
    %swap3A_222 = arith.constant 4 : i32
    %swap3A_223 = arith.index_cast %swap3A_222 : i32 to index
    %swap3A_224 = arith.constant 80 : index
    %swap3A_225 = tpu.vector_load %arg12[%swap3A_223, %swap3A_224] {strides = array<i32>} : memref<8x128xf32, #tpu.memory_space<vmem>>, vector<1x16xf32>,
    %swap3A_226 = vector.shape_cast %swap3A_225 : vector<1x16xf32> to vector<16xf32>
    %swap3A_227 = vector.shape_cast %broadcast_in_dim3A_0 : vector<16xf32> to vector<1x16xf32>
    tpu.vector_store %arg12[%swap3A_223, %swap3A_224], %swap3A_227 {strides = array<i32>} : memref<8x128xf32, #tpu.memory_space<vmem>>, vector<1x16xf32>,
    %swap3A_228 = arith.constant 4 : i32
    %swap3A_229 = arith.index_cast %swap3A_228 : i32 to index
    %swap3A_230 = arith.constant 96 : index
    %swap3A_231 = tpu.vector_load %arg12[%swap3A_229, %swap3A_230] {strides = array<i32>} : memref<8x128xf32, #tpu.memory_space<vmem>>, vector<1x16xf32>,
    %swap3A_232 = vector.shape_cast %swap3A_231 : vector<1x16xf32> to vector<16xf32>
    %swap3A_233 = vector.shape_cast %broadcast_in_dim3A_0 : vector<16xf32> to vector<1x16xf32>
    tpu.vector_store %arg12[%swap3A_229, %swap3A_230], %swap3A_233 {strides = array<i32>} : memref<8x128xf32, #tpu.memory_space<vmem>>, vector<1x16xf32>,
    %swap3A_234 = arith.constant 4 : i32
    %swap3A_235 = arith.index_cast %swap3A_234 : i32 to index
    %swap3A_236 = arith.constant 112 : index
    %swap3A_237 = tpu.vector_load %arg12[%swap3A_235, %swap3A_236] {strides = array<i32>} : memref<8x128xf32, #tpu.memory_space<vmem>>, vector<1x16xf32>,
    %swap3A_238 = vector.shape_cast %swap3A_237 : vector<1x16xf32> to vector<16xf32>
    %swap3A_239 = vector.shape_cast %broadcast_in_dim3A_0 : vector<16xf32> to vector<1x16xf32>
    tpu.vector_store %arg12[%swap3A_235, %swap3A_236], %swap3A_239 {strides = array<i32>} : memref<8x128xf32, #tpu.memory_space<vmem>>, vector<1x16xf32>,
    %swap3A_240 = arith.constant 5 : i32
    %swap3A_241 = arith.index_cast %swap3A_240 : i32 to index
    %swap3A_242 = arith.constant 0 : index
    %swap3A_243 = tpu.vector_load %arg12[%swap3A_241, %swap3A_242] {strides = array<i32>} : memref<8x128xf32, #tpu.memory_space<vmem>>, vector<1x16xf32>,
    %swap3A_244 = vector.shape_cast %swap3A_243 : vector<1x16xf32> to vector<16xf32>
    %swap3A_245 = vector.shape_cast %broadcast_in_dim3A_0 : vector<16xf32> to vector<1x16xf32>
    tpu.vector_store %arg12[%swap3A_241, %swap3A_242], %swap3A_245 {strides = array<i32>} : memref<8x128xf32, #tpu.memory_space<vmem>>, vector<1x16xf32>,
    %swap3A_246 = arith.constant 5 : i32
    %swap3A_247 = arith.index_cast %swap3A_246 : i32 to index
    %swap3A_248 = arith.constant 16 : index
    %swap3A_249 = tpu.vector_load %arg12[%swap3A_247, %swap3A_248] {strides = array<i32>} : memref<8x128xf32, #tpu.memory_space<vmem>>, vector<1x16xf32>,
    %swap3A_250 = vector.shape_cast %swap3A_249 : vector<1x16xf32> to vector<16xf32>
    %swap3A_251 = vector.shape_cast %broadcast_in_dim3A_0 : vector<16xf32> to vector<1x16xf32>
    tpu.vector_store %arg12[%swap3A_247, %swap3A_248], %swap3A_251 {strides = array<i32>} : memref<8x128xf32, #tpu.memory_space<vmem>>, vector<1x16xf32>,
    %swap3A_252 = arith.constant 5 : i32
    %swap3A_253 = arith.index_cast %swap3A_252 : i32 to index
    %swap3A_254 = arith.constant 32 : index
    %swap3A_255 = tpu.vector_load %arg12[%swap3A_253, %swap3A_254] {strides = array<i32>} : memref<8x128xf32, #tpu.memory_space<vmem>>, vector<1x16xf32>,
    %swap3A_256 = vector.shape_cast %swap3A_255 : vector<1x16xf32> to vector<16xf32>
    %swap3A_257 = vector.shape_cast %broadcast_in_dim3A_0 : vector<16xf32> to vector<1x16xf32>
    tpu.vector_store %arg12[%swap3A_253, %swap3A_254], %swap3A_257 {strides = array<i32>} : memref<8x128xf32, #tpu.memory_space<vmem>>, vector<1x16xf32>,
    %swap3A_258 = arith.constant 5 : i32
    %swap3A_259 = arith.index_cast %swap3A_258 : i32 to index
    %swap3A_260 = arith.constant 48 : index
    %swap3A_261 = tpu.vector_load %arg12[%swap3A_259, %swap3A_260] {strides = array<i32>} : memref<8x128xf32, #tpu.memory_space<vmem>>, vector<1x16xf32>,
    %swap3A_262 = vector.shape_cast %swap3A_261 : vector<1x16xf32> to vector<16xf32>
    %swap3A_263 = vector.shape_cast %broadcast_in_dim3A_0 : vector<16xf32> to vector<1x16xf32>
    tpu.vector_store %arg12[%swap3A_259, %swap3A_260], %swap3A_263 {strides = array<i32>} : memref<8x128xf32, #tpu.memory_space<vmem>>, vector<1x16xf32>,
    %swap3A_264 = arith.constant 5 : i32
    %swap3A_265 = arith.index_cast %swap3A_264 : i32 to index
    %swap3A_266 = arith.constant 64 : index
    %swap3A_267 = tpu.vector_load %arg12[%swap3A_265, %swap3A_266] {strides = array<i32>} : memref<8x128xf32, #tpu.memory_space<vmem>>, vector<1x16xf32>,
    %swap3A_268 = vector.shape_cast %swap3A_267 : vector<1x16xf32> to vector<16xf32>
    %swap3A_269 = vector.shape_cast %broadcast_in_dim3A_0 : vector<16xf32> to vector<1x16xf32>
    tpu.vector_store %arg12[%swap3A_265, %swap3A_266], %swap3A_269 {strides = array<i32>} : memref<8x128xf32, #tpu.memory_space<vmem>>, vector<1x16xf32>,
    %swap3A_270 = arith.constant 5 : i32
    %swap3A_271 = arith.index_cast %swap3A_270 : i32 to index
    %swap3A_272 = arith.constant 80 : index
    %swap3A_273 = tpu.vector_load %arg12[%swap3A_271, %swap3A_272] {strides = array<i32>} : memref<8x128xf32, #tpu.memory_space<vmem>>, vector<1x16xf32>,
    %swap3A_274 = vector.shape_cast %swap3A_273 : vector<1x16xf32> to vector<16xf32>
    %swap3A_275 = vector.shape_cast %broadcast_in_dim3A_0 : vector<16xf32> to vector<1x16xf32>
    tpu.vector_store %arg12[%swap3A_271, %swap3A_272], %swap3A_275 {strides = array<i32>} : memref<8x128xf32, #tpu.memory_space<vmem>>, vector<1x16xf32>,
    %swap3A_276 = arith.constant 5 : i32
    %swap3A_277 = arith.index_cast %swap3A_276 : i32 to index
    %swap3A_278 = arith.constant 96 : index
    %swap3A_279 = tpu.vector_load %arg12[%swap3A_277, %swap3A_278] {strides = array<i32>} : memref<8x128xf32, #tpu.memory_space<vmem>>, vector<1x16xf32>,
    %swap3A_280 = vector.shape_cast %swap3A_279 : vector<1x16xf32> to vector<16xf32>
    %swap3A_281 = vector.shape_cast %broadcast_in_dim3A_0 : vector<16xf32> to vector<1x16xf32>
    tpu.vector_store %arg12[%swap3A_277, %swap3A_278], %swap3A_281 {strides = array<i32>} : memref<8x128xf32, #tpu.memory_space<vmem>>, vector<1x16xf32>,
    %swap3A_282 = arith.constant 5 : i32
    %swap3A_283 = arith.index_cast %swap3A_282 : i32 to index
    %swap3A_284 = arith.constant 112 : index
    %swap3A_285 = tpu.vector_load %arg12[%swap3A_283, %swap3A_284] {strides = array<i32>} : memref<8x128xf32, #tpu.memory_space<vmem>>, vector<1x16xf32>,
    %swap3A_286 = vector.shape_cast %swap3A_285 : vector<1x16xf32> to vector<16xf32>
    %swap3A_287 = vector.shape_cast %broadcast_in_dim3A_0 : vector<16xf32> to vector<1x16xf32>
    tpu.vector_store %arg12[%swap3A_283, %swap3A_284], %swap3A_287 {strides = array<i32>} : memref<8x128xf32, #tpu.memory_space<vmem>>, vector<1x16xf32>,
    %swap3A_288 = arith.constant 6 : i32
    %swap3A_289 = arith.index_cast %swap3A_288 : i32 to index
    %swap3A_290 = arith.constant 0 : index
    %swap3A_291 = tpu.vector_load %arg12[%swap3A_289, %swap3A_290] {strides = array<i32>} : memref<8x128xf32, #tpu.memory_space<vmem>>, vector<1x16xf32>,
    %swap3A_292 = vector.shape_cast %swap3A_291 : vector<1x16xf32> to vector<16xf32>
    %swap3A_293 = vector.shape_cast %broadcast_in_dim3A_0 : vector<16xf32> to vector<1x16xf32>
    tpu.vector_store %arg12[%swap3A_289, %swap3A_290], %swap3A_293 {strides = array<i32>} : memref<8x128xf32, #tpu.memory_space<vmem>>, vector<1x16xf32>,
    %swap3A_294 = arith.constant 6 : i32
    %swap3A_295 = arith.index_cast %swap3A_294 : i32 to index
    %swap3A_296 = arith.constant 16 : index
    %swap3A_297 = tpu.vector_load %arg12[%swap3A_295, %swap3A_296] {strides = array<i32>} : memref<8x128xf32, #tpu.memory_space<vmem>>, vector<1x16xf32>,
    %swap3A_298 = vector.shape_cast %swap3A_297 : vector<1x16xf32> to vector<16xf32>
    %swap3A_299 = vector.shape_cast %broadcast_in_dim3A_0 : vector<16xf32> to vector<1x16xf32>
    tpu.vector_store %arg12[%swap3A_295, %swap3A_296], %swap3A_299 {strides = array<i32>} : memref<8x128xf32, #tpu.memory_space<vmem>>, vector<1x16xf32>,
    %swap3A_300 = arith.constant 6 : i32
    %swap3A_301 = arith.index_cast %swap3A_300 : i32 to index
    %swap3A_302 = arith.constant 32 : index
    %swap3A_303 = tpu.vector_load %arg12[%swap3A_301, %swap3A_302] {strides = array<i32>} : memref<8x128xf32, #tpu.memory_space<vmem>>, vector<1x16xf32>,
    %swap3A_304 = vector.shape_cast %swap3A_303 : vector<1x16xf32> to vector<16xf32>
    %swap3A_305 = vector.shape_cast %broadcast_in_dim3A_0 : vector<16xf32> to vector<1x16xf32>
    tpu.vector_store %arg12[%swap3A_301, %swap3A_302], %swap3A_305 {strides = array<i32>} : memref<8x128xf32, #tpu.memory_space<vmem>>, vector<1x16xf32>,
    %swap3A_306 = arith.constant 6 : i32
    %swap3A_307 = arith.index_cast %swap3A_306 : i32 to index
    %swap3A_308 = arith.constant 48 : index
    %swap3A_309 = tpu.vector_load %arg12[%swap3A_307, %swap3A_308] {strides = array<i32>} : memref<8x128xf32, #tpu.memory_space<vmem>>, vector<1x16xf32>,
    %swap3A_310 = vector.shape_cast %swap3A_309 : vector<1x16xf32> to vector<16xf32>
    %swap3A_311 = vector.shape_cast %broadcast_in_dim3A_0 : vector<16xf32> to vector<1x16xf32>
    tpu.vector_store %arg12[%swap3A_307, %swap3A_308], %swap3A_311 {strides = array<i32>} : memref<8x128xf32, #tpu.memory_space<vmem>>, vector<1x16xf32>,
    %swap3A_312 = arith.constant 6 : i32
    %swap3A_313 = arith.index_cast %swap3A_312 : i32 to index
    %swap3A_314 = arith.constant 64 : index
    %swap3A_315 = tpu.vector_load %arg12[%swap3A_313, %swap3A_314] {strides = array<i32>} : memref<8x128xf32, #tpu.memory_space<vmem>>, vector<1x16xf32>,
    %swap3A_316 = vector.shape_cast %swap3A_315 : vector<1x16xf32> to vector<16xf32>
    %swap3A_317 = vector.shape_cast %broadcast_in_dim3A_0 : vector<16xf32> to vector<1x16xf32>
    tpu.vector_store %arg12[%swap3A_313, %swap3A_314], %swap3A_317 {strides = array<i32>} : memref<8x128xf32, #tpu.memory_space<vmem>>, vector<1x16xf32>,
    %swap3A_318 = arith.constant 6 : i32
    %swap3A_319 = arith.index_cast %swap3A_318 : i32 to index
    %swap3A_320 = arith.constant 80 : index
    %swap3A_321 = tpu.vector_load %arg12[%swap3A_319, %swap3A_320] {strides = array<i32>} : memref<8x128xf32, #tpu.memory_space<vmem>>, vector<1x16xf32>,
    %swap3A_322 = vector.shape_cast %swap3A_321 : vector<1x16xf32> to vector<16xf32>
    %swap3A_323 = vector.shape_cast %broadcast_in_dim3A_0 : vector<16xf32> to vector<1x16xf32>
    tpu.vector_store %arg12[%swap3A_319, %swap3A_320], %swap3A_323 {strides = array<i32>} : memref<8x128xf32, #tpu.memory_space<vmem>>, vector<1x16xf32>,
    %swap3A_324 = arith.constant 6 : i32
    %swap3A_325 = arith.index_cast %swap3A_324 : i32 to index
    %swap3A_326 = arith.constant 96 : index
    %swap3A_327 = tpu.vector_load %arg12[%swap3A_325, %swap3A_326] {strides = array<i32>} : memref<8x128xf32, #tpu.memory_space<vmem>>, vector<1x16xf32>,
    %swap3A_328 = vector.shape_cast %swap3A_327 : vector<1x16xf32> to vector<16xf32>
    %swap3A_329 = vector.shape_cast %broadcast_in_dim3A_0 : vector<16xf32> to vector<1x16xf32>
    tpu.vector_store %arg12[%swap3A_325, %swap3A_326], %swap3A_329 {strides = array<i32>} : memref<8x128xf32, #tpu.memory_space<vmem>>, vector<1x16xf32>,
    %swap3A_330 = arith.constant 6 : i32
    %swap3A_331 = arith.index_cast %swap3A_330 : i32 to index
    %swap3A_332 = arith.constant 112 : index
    %swap3A_333 = tpu.vector_load %arg12[%swap3A_331, %swap3A_332] {strides = array<i32>} : memref<8x128xf32, #tpu.memory_space<vmem>>, vector<1x16xf32>,
    %swap3A_334 = vector.shape_cast %swap3A_333 : vector<1x16xf32> to vector<16xf32>
    %swap3A_335 = vector.shape_cast %broadcast_in_dim3A_0 : vector<16xf32> to vector<1x16xf32>
    tpu.vector_store %arg12[%swap3A_331, %swap3A_332], %swap3A_335 {strides = array<i32>} : memref<8x128xf32, #tpu.memory_space<vmem>>, vector<1x16xf32>,
    %swap3A_336 = arith.constant 7 : i32
    %swap3A_337 = arith.index_cast %swap3A_336 : i32 to index
    %swap3A_338 = arith.constant 0 : index
    %swap3A_339 = tpu.vector_load %arg12[%swap3A_337, %swap3A_338] {strides = array<i32>} : memref<8x128xf32, #tpu.memory_space<vmem>>, vector<1x16xf32>,
    %swap3A_340 = vector.shape_cast %swap3A_339 : vector<1x16xf32> to vector<16xf32>
    %swap3A_341 = vector.shape_cast %broadcast_in_dim3A_0 : vector<16xf32> to vector<1x16xf32>
    tpu.vector_store %arg12[%swap3A_337, %swap3A_338], %swap3A_341 {strides = array<i32>} : memref<8x128xf32, #tpu.memory_space<vmem>>, vector<1x16xf32>,
    %swap3A_342 = arith.constant 7 : i32
    %swap3A_343 = arith.index_cast %swap3A_342 : i32 to index
    %swap3A_344 = arith.constant 16 : index
    %swap3A_345 = tpu.vector_load %arg12[%swap3A_343, %swap3A_344] {strides = array<i32>} : memref<8x128xf32, #tpu.memory_space<vmem>>, vector<1x16xf32>,
    %swap3A_346 = vector.shape_cast %swap3A_345 : vector<1x16xf32> to vector<16xf32>
    %swap3A_347 = vector.shape_cast %broadcast_in_dim3A_0 : vector<16xf32> to vector<1x16xf32>
    tpu.vector_store %arg12[%swap3A_343, %swap3A_344], %swap3A_347 {strides = array<i32>} : memref<8x128xf32, #tpu.memory_space<vmem>>, vector<1x16xf32>,
    %swap3A_348 = arith.constant 7 : i32
    %swap3A_349 = arith.index_cast %swap3A_348 : i32 to index
    %swap3A_350 = arith.constant 32 : index
    %swap3A_351 = tpu.vector_load %arg12[%swap3A_349, %swap3A_350] {strides = array<i32>} : memref<8x128xf32, #tpu.memory_space<vmem>>, vector<1x16xf32>,
    %swap3A_352 = vector.shape_cast %swap3A_351 : vector<1x16xf32> to vector<16xf32>
    %swap3A_353 = vector.shape_cast %broadcast_in_dim3A_0 : vector<16xf32> to vector<1x16xf32>
    tpu.vector_store %arg12[%swap3A_349, %swap3A_350], %swap3A_353 {strides = array<i32>} : memref<8x128xf32, #tpu.memory_space<vmem>>, vector<1x16xf32>,
    %swap3A_354 = arith.constant 7 : i32
    %swap3A_355 = arith.index_cast %swap3A_354 : i32 to index
    %swap3A_356 = arith.constant 48 : index
    %swap3A_357 = tpu.vector_load %arg12[%swap3A_355, %swap3A_356] {strides = array<i32>} : memref<8x128xf32, #tpu.memory_space<vmem>>, vector<1x16xf32>,
    %swap3A_358 = vector.shape_cast %swap3A_357 : vector<1x16xf32> to vector<16xf32>
    %swap3A_359 = vector.shape_cast %broadcast_in_dim3A_0 : vector<16xf32> to vector<1x16xf32>
    tpu.vector_store %arg12[%swap3A_355, %swap3A_356], %swap3A_359 {strides = array<i32>} : memref<8x128xf32, #tpu.memory_space<vmem>>, vector<1x16xf32>,
    %swap3A_360 = arith.constant 7 : i32
    %swap3A_361 = arith.index_cast %swap3A_360 : i32 to index
    %swap3A_362 = arith.constant 64 : index
    %swap3A_363 = tpu.vector_load %arg12[%swap3A_361, %swap3A_362] {strides = array<i32>} : memref<8x128xf32, #tpu.memory_space<vmem>>, vector<1x16xf32>,
    %swap3A_364 = vector.shape_cast %swap3A_363 : vector<1x16xf32> to vector<16xf32>
    %swap3A_365 = vector.shape_cast %broadcast_in_dim3A_0 : vector<16xf32> to vector<1x16xf32>
    tpu.vector_store %arg12[%swap3A_361, %swap3A_362], %swap3A_365 {strides = array<i32>} : memref<8x128xf32, #tpu.memory_space<vmem>>, vector<1x16xf32>,
    %swap3A_366 = arith.constant 7 : i32
    %swap3A_367 = arith.index_cast %swap3A_366 : i32 to index
    %swap3A_368 = arith.constant 80 : index
    %swap3A_369 = tpu.vector_load %arg12[%swap3A_367, %swap3A_368] {strides = array<i32>} : memref<8x128xf32, #tpu.memory_space<vmem>>, vector<1x16xf32>,
    %swap3A_370 = vector.shape_cast %swap3A_369 : vector<1x16xf32> to vector<16xf32>
    %swap3A_371 = vector.shape_cast %broadcast_in_dim3A_0 : vector<16xf32> to vector<1x16xf32>
    tpu.vector_store %arg12[%swap3A_367, %swap3A_368], %swap3A_371 {strides = array<i32>} : memref<8x128xf32, #tpu.memory_space<vmem>>, vector<1x16xf32>,
    %swap3A_372 = arith.constant 7 : i32
    %swap3A_373 = arith.index_cast %swap3A_372 : i32 to index
    %swap3A_374 = arith.constant 96 : index
    %swap3A_375 = tpu.vector_load %arg12[%swap3A_373, %swap3A_374] {strides = array<i32>} : memref<8x128xf32, #tpu.memory_space<vmem>>, vector<1x16xf32>,
    %swap3A_376 = vector.shape_cast %swap3A_375 : vector<1x16xf32> to vector<16xf32>
    %swap3A_377 = vector.shape_cast %broadcast_in_dim3A_0 : vector<16xf32> to vector<1x16xf32>
    tpu.vector_store %arg12[%swap3A_373, %swap3A_374], %swap3A_377 {strides = array<i32>} : memref<8x128xf32, #tpu.memory_space<vmem>>, vector<1x16xf32>,
    %swap3A_378 = arith.constant 7 : i32
    %swap3A_379 = arith.index_cast %swap3A_378 : i32 to index
    %swap3A_380 = arith.constant 112 : index
    %swap3A_381 = tpu.vector_load %arg12[%swap3A_379, %swap3A_380] {strides = array<i32>} : memref<8x128xf32, #tpu.memory_space<vmem>>, vector<1x16xf32>,
    %swap3A_382 = vector.shape_cast %swap3A_381 : vector<1x16xf32> to vector<16xf32>
    %swap3A_383 = vector.shape_cast %broadcast_in_dim3A_0 : vector<16xf32> to vector<1x16xf32>
    tpu.vector_store %arg12[%swap3A_379, %swap3A_380], %swap3A_383 {strides = array<i32>} : memref<8x128xf32, #tpu.memory_space<vmem>>, vector<1x16xf32>,
    %broadcast_in_dim3A_384 = arith.constant 1.000000e+00 : f32
    %broadcast_in_dim3A_385 = vector.broadcast %broadcast_in_dim3A_384 : f32 to vector<16xf32>
    %swap3A_386 = arith.constant 0 : index
    %swap3A_387 = tpu.vector_load %arg11[%swap3A_386] {strides = array<i32>} : memref<32xf32, #tpu.memory_space<vmem>>, vector<16xf32>,
    %swap3A_388 = vector.shape_cast %swap3A_387 : vector<16xf32> to vector<16xf32>
    %swap3A_389 = vector.shape_cast %broadcast_in_dim3A_385 : vector<16xf32> to vector<16xf32>
    tpu.vector_store %arg11[%swap3A_386], %swap3A_389 {strides = array<i32>} : memref<32xf32, #tpu.memory_space<vmem>>, vector<16xf32>,
    %broadcast_in_dim3A_390 = arith.constant 1.000000e+00 : f32
    %broadcast_in_dim3A_391 = vector.broadcast %broadcast_in_dim3A_390 : f32 to vector<16xf32>
    %swap3A_392 = arith.constant 16 : index
    %swap3A_393 = tpu.vector_load %arg11[%swap3A_392] {strides = array<i32>} : memref<32xf32, #tpu.memory_space<vmem>>, vector<16xf32>,
    %swap3A_394 = vector.shape_cast %swap3A_393 : vector<16xf32> to vector<16xf32>
    %swap3A_395 = vector.shape_cast %broadcast_in_dim3A_391 : vector<16xf32> to vector<16xf32>
    tpu.vector_store %arg11[%swap3A_392], %swap3A_395 {strides = array<i32>} : memref<32xf32, #tpu.memory_space<vmem>>, vector<16xf32>,
    %scan3A = arith.constant 0 : i32
    %scan3A_396 = arith.constant 0 : i32
    %scan3A_397 = arith.constant 32 : i32
    %scan3A_398 = arith.addi %scan3A_396, %scan3A_397 : i32
    %scan3A_399 = arith.constant 1 : i32
    scf.for %scan3A_444 = %scan3A_396 to %scan3A_398 step %scan3A_399  : i32 {
      %mul3A_445 = arith.constant 256 : i32
      %mul3A_446 = arith.muli %arg1, %mul3A_445 : i32
      %mul3A_447 = arith.constant 8 : i32
      %mul3A_448 = arith.muli %scan3A_444, %mul3A_447 : i32
      %add3A_449 = arith.addi %mul3A_446, %mul3A_448 : i32
      "tpu.region"() ({
        %run_scoped3A = tpu.sem_alloc : memref<!tpu.dma_semaphore, #tpu.memory_space<semaphore_mem>>
        %dma_start3A_450 = arith.constant 0 : i32
        %dma_start3A_451 = tpu.memref_slice %arg15[%add3A_449, %dma_start3A_450] : memref<4096x128xf32, #tpu.memory_space<vmem_shared>> -> memref<8x128xf32, #tpu.memory_space<vmem_shared>>
        %dma_start3A_452 = arith.constant 0 : i32
        %dma_start3A_453 = tpu.memref_slice %arg15[%add3A_449, %dma_start3A_452] : memref<4096x128xf32, #tpu.memory_space<vmem_shared>> -> memref<8x128xf32, #tpu.memory_space<vmem_shared>>
        tpu.enqueue_dma source(%arg12 : memref<8x128xf32, #tpu.memory_space<vmem>>) target(%dma_start3A_453 : memref<8x128xf32, #tpu.memory_space<vmem_shared>>) target_semaphore(%run_scoped3A : memref<!tpu.dma_semaphore, #tpu.memory_space<semaphore_mem>>)
        %dma_wait3A_454 = arith.constant 0 : i32
        %dma_wait3A_455 = tpu.memref_slice %arg15[%add3A_449, %dma_wait3A_454] : memref<4096x128xf32, #tpu.memory_space<vmem_shared>> -> memref<8x128xf32, #tpu.memory_space<vmem_shared>>
        %dma_wait3A_456 = arith.constant 0 : i32
        %dma_wait3A_457 = tpu.memref_slice %arg15[%add3A_449, %dma_wait3A_456] : memref<4096x128xf32, #tpu.memory_space<vmem_shared>> -> memref<8x128xf32, #tpu.memory_space<vmem_shared>>
        tpu.wait_dma2 semaphore(%run_scoped3A : memref<!tpu.dma_semaphore, #tpu.memory_space<semaphore_mem>>) src(%arg12 : memref<8x128xf32, #tpu.memory_space<vmem>>) dst(%dma_wait3A_457 : memref<8x128xf32, #tpu.memory_space<vmem_shared>>)
        tpu.yield
      }) : () -> ()
    }
    %scan3A_400 = arith.constant 32 : i32
    %lt3A = arith.constant 4 : i32
    %lt3A_401 = arith.cmpi slt, %arg1, %lt3A : i32
    %convert_element_type3A = arith.extui %lt3A_401 : i1 to i32
    %cond3A = arith.constant 0 : i32
    %cond3A_402 = arith.cmpi ne, %convert_element_type3A, %cond3A : i32
    scf.if %cond3A_402 {
      %scan3A_444 = arith.constant 0 : i32
      %scan3A_445 = arith.constant 0 : i32
      %scan3A_446 = arith.constant 64 : i32
      %scan3A_447 = arith.addi %scan3A_445, %scan3A_446 : i32
      %scan3A_448 = arith.constant 1 : i32
      scf.for %scan3A_452 = %scan3A_445 to %scan3A_447 step %scan3A_448  : i32 {
        %mul3A_453 = arith.constant 16 : i32
        %mul3A_454 = arith.muli %scan3A_452, %mul3A_453 : i32
        %swap3A_455 = arith.index_cast %mul3A_454 : i32 to index
        %swap3A_456 = tpu.vector_load %arg13[%swap3A_455] {strides = array<i32>} : memref<1024xf32, #tpu.memory_space<vmem>>, vector<16xf32>,
        %swap3A_457 = vector.shape_cast %swap3A_456 : vector<16xf32> to vector<16xf32>
        %swap3A_458 = vector.shape_cast %broadcast_in_dim3A_0 : vector<16xf32> to vector<16xf32>
        tpu.vector_store %arg13[%swap3A_455], %swap3A_458 {strides = array<i32>} : memref<1024xf32, #tpu.memory_space<vmem>>, vector<16xf32>,
      }
      %scan3A_449 = arith.constant 64 : i32
      %mul3A_450 = arith.constant 1024 : i32
      %mul3A_451 = arith.muli %arg1, %mul3A_450 : i32
      "tpu.region"() ({
        %run_scoped3A = tpu.sem_alloc : memref<!tpu.dma_semaphore, #tpu.memory_space<semaphore_mem>>
        %dma_start3A_452 = tpu.memref_slice %arg16[%mul3A_451] : memref<4096xf32, #tpu.memory_space<vmem_shared>> -> memref<1024xf32, #tpu.memory_space<vmem_shared>>
        %dma_start3A_453 = tpu.memref_slice %arg16[%mul3A_451] : memref<4096xf32, #tpu.memory_space<vmem_shared>> -> memref<1024xf32, #tpu.memory_space<vmem_shared>>
        tpu.enqueue_dma source(%arg13 : memref<1024xf32, #tpu.memory_space<vmem>>) target(%dma_start3A_453 : memref<1024xf32, #tpu.memory_space<vmem_shared>>) target_semaphore(%run_scoped3A : memref<!tpu.dma_semaphore, #tpu.memory_space<semaphore_mem>>)
        %dma_wait3A_454 = tpu.memref_slice %arg16[%mul3A_451] : memref<4096xf32, #tpu.memory_space<vmem_shared>> -> memref<1024xf32, #tpu.memory_space<vmem_shared>>
        %dma_wait3A_455 = tpu.memref_slice %arg16[%mul3A_451] : memref<4096xf32, #tpu.memory_space<vmem_shared>> -> memref<1024xf32, #tpu.memory_space<vmem_shared>>
        tpu.wait_dma2 semaphore(%run_scoped3A : memref<!tpu.dma_semaphore, #tpu.memory_space<semaphore_mem>>) src(%arg13 : memref<1024xf32, #tpu.memory_space<vmem>>) dst(%dma_wait3A_455 : memref<1024xf32, #tpu.memory_space<vmem_shared>>)
        tpu.yield
      }) : () -> ()
    } else {
    }
    %mul3A = arith.constant 632 : i32
    %mul3A_403 = arith.muli %arg1, %mul3A : i32
    %mul3A_404 = arith.constant 632 : i32
    %mul3A_405 = arith.muli %arg1, %mul3A_404 : i32
    "tpu.region"() ({
      %run_scoped3A = tpu.sem_alloc : memref<!tpu.dma_semaphore, #tpu.memory_space<semaphore_mem>>
      %dma_start3A_444 = arith.constant 0 : i32
      %dma_start3A_445 = tpu.memref_slice %arg14[%mul3A_405, %dma_start3A_444] : memref<10112x128xf32, #tpu.memory_space<vmem_shared>> -> memref<632x128xf32, #tpu.memory_space<vmem_shared>>
      %dma_start3A_446 = arith.constant 0 : i32
      %dma_start3A_447 = tpu.memref_slice %arg2[%mul3A_403, %dma_start3A_446] : memref<10112x128xf32, #tpu.memory_space<hbm>> -> memref<632x128xf32, #tpu.memory_space<hbm>>
      tpu.enqueue_dma source(%dma_start3A_447 : memref<632x128xf32, #tpu.memory_space<hbm>>) target(%dma_start3A_445 : memref<632x128xf32, #tpu.memory_space<vmem_shared>>) target_semaphore(%run_scoped3A : memref<!tpu.dma_semaphore, #tpu.memory_space<semaphore_mem>>)
      %dma_wait3A_448 = arith.constant 0 : i32
      %dma_wait3A_449 = tpu.memref_slice %arg14[%mul3A_405, %dma_wait3A_448] : memref<10112x128xf32, #tpu.memory_space<vmem_shared>> -> memref<632x128xf32, #tpu.memory_space<vmem_shared>>
      %dma_wait3A_450 = arith.constant 0 : i32
      %dma_wait3A_451 = tpu.memref_slice %arg2[%mul3A_403, %dma_wait3A_450] : memref<10112x128xf32, #tpu.memory_space<hbm>> -> memref<632x128xf32, #tpu.memory_space<hbm>>
      tpu.wait_dma2 semaphore(%run_scoped3A : memref<!tpu.dma_semaphore, #tpu.memory_space<semaphore_mem>>) src(%dma_wait3A_451 : memref<632x128xf32, #tpu.memory_space<hbm>>) dst(%dma_wait3A_449 : memref<632x128xf32, #tpu.memory_space<vmem_shared>>)
      tpu.yield
    }) : () -> ()
    %barrier3A = arith.constant 0 : index
    tpu.barrier barrier_id(%barrier3A)
    %mul3A_406 = arith.constant 2 : i32
    %mul3A_407 = arith.muli %arg1, %mul3A_406 : i32
    %add3A = arith.addi %mul3A_407, %arg0 : i32
    %mul3A_408 = arith.constant 320 : i32
    %mul3A_409 = arith.muli %add3A, %mul3A_408 : i32
    "tpu.region"() ({
      %run_scoped3A = tpu.sem_alloc : memref<!tpu.dma_semaphore, #tpu.memory_space<semaphore_mem>>
      %dma_start3A_444 = arith.constant 0 : i32
      %dma_start3A_445 = arith.constant 0 : i32
      %dma_start3A_446 = tpu.memref_slice %arg7[%dma_start3A_444, %dma_start3A_445] : memref<16x32xi32, #tpu.memory_space<vmem>> -> memref<16x32xi32, #tpu.memory_space<vmem>>
      %dma_start3A_447 = arith.constant 0 : i32
      %dma_start3A_448 = tpu.memref_slice %arg3[%mul3A_409, %dma_start3A_447] : memref<10240x32xi32, #tpu.memory_space<hbm>> -> memref<16x32xi32, #tpu.memory_space<hbm>>
      %dma_start3A_449 = arith.constant 0 : i32
      %dma_start3A_450 = arith.constant 0 : i32
      %dma_start3A_451 = tpu.memref_slice %arg7[%dma_start3A_449, %dma_start3A_450] : memref<16x32xi32, #tpu.memory_space<vmem>> -> memref<16x32xi32, #tpu.memory_space<vmem>>
      %dma_start3A_452 = arith.constant 0 : i32
      %dma_start3A_453 = tpu.memref_slice %arg3[%mul3A_409, %dma_start3A_452] : memref<10240x32xi32, #tpu.memory_space<hbm>> -> memref<16x32xi32, #tpu.memory_space<hbm>>
      tpu.enqueue_dma source(%dma_start3A_453 : memref<16x32xi32, #tpu.memory_space<hbm>>) target(%dma_start3A_451 : memref<16x32xi32, #tpu.memory_space<vmem>>) target_semaphore(%run_scoped3A : memref<!tpu.dma_semaphore, #tpu.memory_space<semaphore_mem>>)
      %dma_wait3A_454 = arith.constant 0 : i32
      %dma_wait3A_455 = arith.constant 0 : i32
      %dma_wait3A_456 = tpu.memref_slice %arg7[%dma_wait3A_454, %dma_wait3A_455] : memref<16x32xi32, #tpu.memory_space<vmem>> -> memref<16x32xi32, #tpu.memory_space<vmem>>
      %dma_wait3A_457 = arith.constant 0 : i32
      %dma_wait3A_458 = tpu.memref_slice %arg3[%mul3A_409, %dma_wait3A_457] : memref<10240x32xi32, #tpu.memory_space<hbm>> -> memref<16x32xi32, #tpu.memory_space<hbm>>
      %dma_wait3A_459 = arith.constant 0 : i32
      %dma_wait3A_460 = arith.constant 0 : i32
      %dma_wait3A_461 = tpu.memref_slice %arg7[%dma_wait3A_459, %dma_wait3A_460] : memref<16x32xi32, #tpu.memory_space<vmem>> -> memref<16x32xi32, #tpu.memory_space<vmem>>
      %dma_wait3A_462 = arith.constant 0 : i32
      %dma_wait3A_463 = tpu.memref_slice %arg3[%mul3A_409, %dma_wait3A_462] : memref<10240x32xi32, #tpu.memory_space<hbm>> -> memref<16x32xi32, #tpu.memory_space<hbm>>
      tpu.wait_dma2 semaphore(%run_scoped3A : memref<!tpu.dma_semaphore, #tpu.memory_space<semaphore_mem>>) src(%dma_wait3A_463 : memref<16x32xi32, #tpu.memory_space<hbm>>) dst(%dma_wait3A_461 : memref<16x32xi32, #tpu.memory_space<vmem>>)
      tpu.yield
    }) : () -> ()
    "tpu.region"() ({
      %run_scoped3A = tpu.sem_alloc : memref<!tpu.dma_semaphore, #tpu.memory_space<semaphore_mem>>
      %dma_start3A_444 = arith.constant 0 : i32
      %dma_start3A_445 = arith.constant 0 : i32
      %dma_start3A_446 = tpu.memref_slice %arg8[%dma_start3A_444, %dma_start3A_445] : memref<16x32xi32, #tpu.memory_space<vmem>> -> memref<16x32xi32, #tpu.memory_space<vmem>>
      %dma_start3A_447 = arith.constant 0 : i32
      %dma_start3A_448 = tpu.memref_slice %arg4[%mul3A_409, %dma_start3A_447] : memref<10240x32xi32, #tpu.memory_space<hbm>> -> memref<16x32xi32, #tpu.memory_space<hbm>>
      %dma_start3A_449 = arith.constant 0 : i32
      %dma_start3A_450 = arith.constant 0 : i32
      %dma_start3A_451 = tpu.memref_slice %arg8[%dma_start3A_449, %dma_start3A_450] : memref<16x32xi32, #tpu.memory_space<vmem>> -> memref<16x32xi32, #tpu.memory_space<vmem>>
      %dma_start3A_452 = arith.constant 0 : i32
      %dma_start3A_453 = tpu.memref_slice %arg4[%mul3A_409, %dma_start3A_452] : memref<10240x32xi32, #tpu.memory_space<hbm>> -> memref<16x32xi32, #tpu.memory_space<hbm>>
      tpu.enqueue_dma source(%dma_start3A_453 : memref<16x32xi32, #tpu.memory_space<hbm>>) target(%dma_start3A_451 : memref<16x32xi32, #tpu.memory_space<vmem>>) target_semaphore(%run_scoped3A : memref<!tpu.dma_semaphore, #tpu.memory_space<semaphore_mem>>)
      %dma_wait3A_454 = arith.constant 0 : i32
      %dma_wait3A_455 = arith.constant 0 : i32
      %dma_wait3A_456 = tpu.memref_slice %arg8[%dma_wait3A_454, %dma_wait3A_455] : memref<16x32xi32, #tpu.memory_space<vmem>> -> memref<16x32xi32, #tpu.memory_space<vmem>>
      %dma_wait3A_457 = arith.constant 0 : i32
      %dma_wait3A_458 = tpu.memref_slice %arg4[%mul3A_409, %dma_wait3A_457] : memref<10240x32xi32, #tpu.memory_space<hbm>> -> memref<16x32xi32, #tpu.memory_space<hbm>>
      %dma_wait3A_459 = arith.constant 0 : i32
      %dma_wait3A_460 = arith.constant 0 : i32
      %dma_wait3A_461 = tpu.memref_slice %arg8[%dma_wait3A_459, %dma_wait3A_460] : memref<16x32xi32, #tpu.memory_space<vmem>> -> memref<16x32xi32, #tpu.memory_space<vmem>>
      %dma_wait3A_462 = arith.constant 0 : i32
      %dma_wait3A_463 = tpu.memref_slice %arg4[%mul3A_409, %dma_wait3A_462] : memref<10240x32xi32, #tpu.memory_space<hbm>> -> memref<16x32xi32, #tpu.memory_space<hbm>>
      tpu.wait_dma2 semaphore(%run_scoped3A : memref<!tpu.dma_semaphore, #tpu.memory_space<semaphore_mem>>) src(%dma_wait3A_463 : memref<16x32xi32, #tpu.memory_space<hbm>>) dst(%dma_wait3A_461 : memref<16x32xi32, #tpu.memory_space<vmem>>)
      tpu.yield
    }) : () -> ()
    %dma_start3A = arith.constant 0 : i32
    %dma_start3A_410 = arith.constant 0 : i32
    %dma_start3A_411 = tpu.memref_slice %arg7[%dma_start3A, %dma_start3A_410] : memref<16x32xi32, #tpu.memory_space<vmem>> -> memref<1x32xi32, #tpu.memory_space<vmem>>
    %dma_start3A_412 = tpu.memref_squeeze %dma_start3A_411 : memref<1x32xi32, #tpu.memory_space<vmem>> -> memref<32xi32, #tpu.memory_space<vmem>>
    %dma_start3A_413 = arith.constant 0 : i32
    %dma_start3A_414 = arith.constant 0 : i32
    %dma_start3A_415 = tpu.memref_slice %arg14[%dma_start3A_413, %dma_start3A_414] : memref<10112x128xf32, #tpu.memory_space<vmem_shared>> -> memref<10112x128xf32, #tpu.memory_space<vmem_shared>>
    tpu.enqueue_indirect_dma source(%dma_start3A_415 : memref<10112x128xf32, #tpu.memory_space<vmem_shared>>) target(%arg9 : memref<32x128xf32, #tpu.memory_space<vmem>>) offsets(%dma_start3A_412 : memref<32xi32, #tpu.memory_space<vmem>>) semaphore(%arg17 : memref<!tpu.dma_semaphore, #tpu.memory_space<semaphore_mem>>)
    %scan3A_416 = arith.constant 0 : i32
    %scan3A_417 = arith.constant 0 : i32
    %scan3A_418 = arith.constant 160 : i32
    %scan3A_419 = arith.addi %scan3A_417, %scan3A_418 : i32
    %scan3A_420 = arith.constant 1 : i32
    scf.for %scan3A_444 = %scan3A_417 to %scan3A_419 step %scan3A_420  : i32 {
      %mul3A_445 = arith.constant 2 : i32
      %mul3A_446 = arith.muli %mul3A_445, %scan3A_444 : i32
      %add3A_447 = arith.constant 1 : i32
      %add3A_448 = arith.addi %mul3A_446, %add3A_447 : i32
      %gt3A = arith.constant 0 : i32
      %gt3A_449 = arith.cmpi sgt, %scan3A_444, %gt3A : i32
      %jit3A = arith.constant 8 : i32
      %eq3A = arith.constant 0 : i32
      %eq3A_450 = arith.cmpi eq, %jit3A, %eq3A : i32
      %jit3A_451 = arith.constant 1 : i32
      %select_n3A = arith.select %eq3A_450, %jit3A_451, %jit3A : i32
      %rem3A = arith.remsi %mul3A_446, %select_n3A : i32
      %ne3A = arith.constant 0 : i32
      %ne3A_452 = arith.cmpi ne, %rem3A, %ne3A : i32
      %lt3A_453 = arith.constant 0 : i32
      %lt3A_454 = arith.cmpi slt, %rem3A, %lt3A_453 : i32
      %lt3A_455 = arith.constant 0 : i32
      %lt3A_456 = arith.cmpi slt, %select_n3A, %lt3A_455 : i32
      %ne3A_457 = arith.xori %lt3A_454, %lt3A_456 : i1
      %and3A = arith.andi %ne3A_457, %ne3A_452 : i1
      %add3A_458 = arith.addi %rem3A, %select_n3A : i32
      %select_n3A_459 = arith.select %and3A, %add3A_458, %rem3A : i32
      %ne3A_460 = arith.constant 0 : i32
      %ne3A_461 = arith.cmpi ne, %select_n3A_459, %ne3A_460 : i32
      %and3A_462 = arith.andi %gt3A_449, %ne3A_461 : i1
      %convert_element_type3A_463 = arith.extui %and3A_462 : i1 to i32
      %cond3A_464 = arith.constant 0 : i32
      %cond3A_465 = arith.cmpi ne, %convert_element_type3A_463, %cond3A_464 : i32
      scf.if %cond3A_465 {
        %sub3A = arith.constant 1 : i32
        %sub3A_694 = arith.subi %mul3A_446, %sub3A : i32
        %jit3A_695 = arith.constant 16 : i32
        %eq3A_696 = arith.constant 0 : i32
        %eq3A_697 = arith.cmpi eq, %jit3A_695, %eq3A_696 : i32
        %jit3A_698 = arith.constant 1 : i32
        %select_n3A_699 = arith.select %eq3A_697, %jit3A_698, %jit3A_695 : i32
        %rem3A_700 = arith.remsi %sub3A_694, %select_n3A_699 : i32
        %ne3A_701 = arith.constant 0 : i32
        %ne3A_702 = arith.cmpi ne, %rem3A_700, %ne3A_701 : i32
        %lt3A_703 = arith.constant 0 : i32
        %lt3A_704 = arith.cmpi slt, %rem3A_700, %lt3A_703 : i32
        %lt3A_705 = arith.constant 0 : i32
        %lt3A_706 = arith.cmpi slt, %select_n3A_699, %lt3A_705 : i32
        %ne3A_707 = arith.xori %lt3A_704, %lt3A_706 : i1
        %and3A_708 = arith.andi %ne3A_707, %ne3A_702 : i1
        %add3A_709 = arith.addi %rem3A_700, %select_n3A_699 : i32
        %select_n3A_710 = arith.select %and3A_708, %add3A_709, %rem3A_700 : i32
        %dma_wait3A_711 = arith.constant 0 : i32
        %dma_wait3A_712 = tpu.memref_slice %arg8[%select_n3A_710, %dma_wait3A_711] : memref<16x32xi32, #tpu.memory_space<vmem>> -> memref<1x32xi32, #tpu.memory_space<vmem>>
        %dma_wait3A_713 = tpu.memref_squeeze %dma_wait3A_712 : memref<1x32xi32, #tpu.memory_space<vmem>> -> memref<32xi32, #tpu.memory_space<vmem>>
        %dma_wait3A_714 = arith.constant 0 : i32
        %dma_wait3A_715 = arith.constant 0 : i32
        %dma_wait3A_716 = tpu.memref_slice %arg15[%dma_wait3A_714, %dma_wait3A_715] : memref<4096x128xf32, #tpu.memory_space<vmem_shared>> -> memref<4096x128xf32, #tpu.memory_space<vmem_shared>>
        tpu.wait_indirect_dma semaphore(%arg20 : memref<!tpu.dma_semaphore, #tpu.memory_space<semaphore_mem>>) src(%arg10 : memref<32x128xf32, #tpu.memory_space<vmem>>) dst(%dma_wait3A_716 : memref<4096x128xf32, #tpu.memory_space<vmem_shared>>)
        %sub3A_717 = arith.constant 1 : i32
        %sub3A_718 = arith.subi %mul3A_446, %sub3A_717 : i32
        %jit3A_719 = arith.constant 16 : i32
        %eq3A_720 = arith.constant 0 : i32
        %eq3A_721 = arith.cmpi eq, %jit3A_719, %eq3A_720 : i32
        %jit3A_722 = arith.constant 1 : i32
        %select_n3A_723 = arith.select %eq3A_721, %jit3A_722, %jit3A_719 : i32
        %rem3A_724 = arith.remsi %sub3A_718, %select_n3A_723 : i32
        %ne3A_725 = arith.constant 0 : i32
        %ne3A_726 = arith.cmpi ne, %rem3A_724, %ne3A_725 : i32
        %lt3A_727 = arith.constant 0 : i32
        %lt3A_728 = arith.cmpi slt, %rem3A_724, %lt3A_727 : i32
        %lt3A_729 = arith.constant 0 : i32
        %lt3A_730 = arith.cmpi slt, %select_n3A_723, %lt3A_729 : i32
        %ne3A_731 = arith.xori %lt3A_728, %lt3A_730 : i1
        %and3A_732 = arith.andi %ne3A_731, %ne3A_726 : i1
        %add3A_733 = arith.addi %rem3A_724, %select_n3A_723 : i32
        %select_n3A_734 = arith.select %and3A_732, %add3A_733, %rem3A_724 : i32
        %dma_wait3A_735 = arith.constant 0 : i32
        %dma_wait3A_736 = tpu.memref_slice %arg8[%select_n3A_734, %dma_wait3A_735] : memref<16x32xi32, #tpu.memory_space<vmem>> -> memref<1x32xi32, #tpu.memory_space<vmem>>
        %dma_wait3A_737 = tpu.memref_squeeze %dma_wait3A_736 : memref<1x32xi32, #tpu.memory_space<vmem>> -> memref<32xi32, #tpu.memory_space<vmem>>
        %dma_wait3A_738 = arith.constant 0 : i32
        %dma_wait3A_739 = tpu.memref_slice %arg16[%dma_wait3A_738] : memref<4096xf32, #tpu.memory_space<vmem_shared>> -> memref<4096xf32, #tpu.memory_space<vmem_shared>>
        tpu.wait_indirect_dma semaphore(%arg22 : memref<!tpu.dma_semaphore, #tpu.memory_space<semaphore_mem>>) src(%arg11 : memref<32xf32, #tpu.memory_space<vmem>>) dst(%dma_wait3A_739 : memref<4096xf32, #tpu.memory_space<vmem_shared>>)
      } else {
      }
      %jit3A_466 = arith.constant 16 : i32
      %eq3A_467 = arith.constant 0 : i32
      %eq3A_468 = arith.cmpi eq, %jit3A_466, %eq3A_467 : i32
      %jit3A_469 = arith.constant 1 : i32
      %select_n3A_470 = arith.select %eq3A_468, %jit3A_469, %jit3A_466 : i32
      %rem3A_471 = arith.remsi %mul3A_446, %select_n3A_470 : i32
      %ne3A_472 = arith.constant 0 : i32
      %ne3A_473 = arith.cmpi ne, %rem3A_471, %ne3A_472 : i32
      %lt3A_474 = arith.constant 0 : i32
      %lt3A_475 = arith.cmpi slt, %rem3A_471, %lt3A_474 : i32
      %lt3A_476 = arith.constant 0 : i32
      %lt3A_477 = arith.cmpi slt, %select_n3A_470, %lt3A_476 : i32
      %ne3A_478 = arith.xori %lt3A_475, %lt3A_477 : i1
      %and3A_479 = arith.andi %ne3A_478, %ne3A_473 : i1
      %add3A_480 = arith.addi %rem3A_471, %select_n3A_470 : i32
      %select_n3A_481 = arith.select %and3A_479, %add3A_480, %rem3A_471 : i32
      %dma_wait3A_482 = arith.constant 0 : i32
      %dma_wait3A_483 = tpu.memref_slice %arg7[%select_n3A_481, %dma_wait3A_482] : memref<16x32xi32, #tpu.memory_space<vmem>> -> memref<1x32xi32, #tpu.memory_space<vmem>>
      %dma_wait3A_484 = tpu.memref_squeeze %dma_wait3A_483 : memref<1x32xi32, #tpu.memory_space<vmem>> -> memref<32xi32, #tpu.memory_space<vmem>>
      %dma_wait3A_485 = arith.constant 0 : i32
      %dma_wait3A_486 = arith.constant 0 : i32
      %dma_wait3A_487 = tpu.memref_slice %arg14[%dma_wait3A_485, %dma_wait3A_486] : memref<10112x128xf32, #tpu.memory_space<vmem_shared>> -> memref<10112x128xf32, #tpu.memory_space<vmem_shared>>
      tpu.wait_indirect_dma semaphore(%arg17 : memref<!tpu.dma_semaphore, #tpu.memory_space<semaphore_mem>>) src(%dma_wait3A_487 : memref<10112x128xf32, #tpu.memory_space<vmem_shared>>) dst(%arg9 : memref<32x128xf32, #tpu.memory_space<vmem>>)
      %jit3A_488 = arith.constant 16 : i32
      %eq3A_489 = arith.constant 0 : i32
      %eq3A_490 = arith.cmpi eq, %jit3A_488, %eq3A_489 : i32
      %jit3A_491 = arith.constant 1 : i32
      %select_n3A_492 = arith.select %eq3A_490, %jit3A_491, %jit3A_488 : i32
      %rem3A_493 = arith.remsi %add3A_448, %select_n3A_492 : i32
      %ne3A_494 = arith.constant 0 : i32
      %ne3A_495 = arith.cmpi ne, %rem3A_493, %ne3A_494 : i32
      %lt3A_496 = arith.constant 0 : i32
      %lt3A_497 = arith.cmpi slt, %rem3A_493, %lt3A_496 : i32
      %lt3A_498 = arith.constant 0 : i32
      %lt3A_499 = arith.cmpi slt, %select_n3A_492, %lt3A_498 : i32
      %ne3A_500 = arith.xori %lt3A_497, %lt3A_499 : i1
      %and3A_501 = arith.andi %ne3A_500, %ne3A_495 : i1
      %add3A_502 = arith.addi %rem3A_493, %select_n3A_492 : i32
      %select_n3A_503 = arith.select %and3A_501, %add3A_502, %rem3A_493 : i32
      %dma_start3A_504 = arith.constant 0 : i32
      %dma_start3A_505 = tpu.memref_slice %arg7[%select_n3A_503, %dma_start3A_504] : memref<16x32xi32, #tpu.memory_space<vmem>> -> memref<1x32xi32, #tpu.memory_space<vmem>>
      %dma_start3A_506 = tpu.memref_squeeze %dma_start3A_505 : memref<1x32xi32, #tpu.memory_space<vmem>> -> memref<32xi32, #tpu.memory_space<vmem>>
      %dma_start3A_507 = arith.constant 0 : i32
      %dma_start3A_508 = arith.constant 0 : i32
      %dma_start3A_509 = tpu.memref_slice %arg14[%dma_start3A_507, %dma_start3A_508] : memref<10112x128xf32, #tpu.memory_space<vmem_shared>> -> memref<10112x128xf32, #tpu.memory_space<vmem_shared>>
      tpu.enqueue_indirect_dma source(%dma_start3A_509 : memref<10112x128xf32, #tpu.memory_space<vmem_shared>>) target(%arg10 : memref<32x128xf32, #tpu.memory_space<vmem>>) offsets(%dma_start3A_506 : memref<32xi32, #tpu.memory_space<vmem>>) semaphore(%arg18 : memref<!tpu.dma_semaphore, #tpu.memory_space<semaphore_mem>>)
      %jit3A_510 = arith.constant 16 : i32
      %eq3A_511 = arith.constant 0 : i32
      %eq3A_512 = arith.cmpi eq, %jit3A_510, %eq3A_511 : i32
      %jit3A_513 = arith.constant 1 : i32
      %select_n3A_514 = arith.select %eq3A_512, %jit3A_513, %jit3A_510 : i32
      %rem3A_515 = arith.remsi %mul3A_446, %select_n3A_514 : i32
      %ne3A_516 = arith.constant 0 : i32
      %ne3A_517 = arith.cmpi ne, %rem3A_515, %ne3A_516 : i32
      %lt3A_518 = arith.constant 0 : i32
      %lt3A_519 = arith.cmpi slt, %rem3A_515, %lt3A_518 : i32
      %lt3A_520 = arith.constant 0 : i32
      %lt3A_521 = arith.cmpi slt, %select_n3A_514, %lt3A_520 : i32
      %ne3A_522 = arith.xori %lt3A_519, %lt3A_521 : i1
      %and3A_523 = arith.andi %ne3A_522, %ne3A_517 : i1
      %add3A_524 = arith.addi %rem3A_515, %select_n3A_514 : i32
      %select_n3A_525 = arith.select %and3A_523, %add3A_524, %rem3A_515 : i32
      %dma_start3A_526 = arith.constant 0 : i32
      %dma_start3A_527 = tpu.memref_slice %arg8[%select_n3A_525, %dma_start3A_526] : memref<16x32xi32, #tpu.memory_space<vmem>> -> memref<1x32xi32, #tpu.memory_space<vmem>>
      %dma_start3A_528 = tpu.memref_squeeze %dma_start3A_527 : memref<1x32xi32, #tpu.memory_space<vmem>> -> memref<32xi32, #tpu.memory_space<vmem>>
      %dma_start3A_529 = arith.constant 0 : i32
      %dma_start3A_530 = arith.constant 0 : i32
      %dma_start3A_531 = tpu.memref_slice %arg15[%dma_start3A_529, %dma_start3A_530] : memref<4096x128xf32, #tpu.memory_space<vmem_shared>> -> memref<4096x128xf32, #tpu.memory_space<vmem_shared>>
      tpu.enqueue_indirect_dma source(%arg9 : memref<32x128xf32, #tpu.memory_space<vmem>>) target(%dma_start3A_531 : memref<4096x128xf32, #tpu.memory_space<vmem_shared>>) offsets(%dma_start3A_528 : memref<32xi32, #tpu.memory_space<vmem>>) semaphore(%arg19 : memref<!tpu.dma_semaphore, #tpu.memory_space<semaphore_mem>>) {add = true}
      %jit3A_532 = arith.constant 16 : i32
      %eq3A_533 = arith.constant 0 : i32
      %eq3A_534 = arith.cmpi eq, %jit3A_532, %eq3A_533 : i32
      %jit3A_535 = arith.constant 1 : i32
      %select_n3A_536 = arith.select %eq3A_534, %jit3A_535, %jit3A_532 : i32
      %rem3A_537 = arith.remsi %mul3A_446, %select_n3A_536 : i32
      %ne3A_538 = arith.constant 0 : i32
      %ne3A_539 = arith.cmpi ne, %rem3A_537, %ne3A_538 : i32
      %lt3A_540 = arith.constant 0 : i32
      %lt3A_541 = arith.cmpi slt, %rem3A_537, %lt3A_540 : i32
      %lt3A_542 = arith.constant 0 : i32
      %lt3A_543 = arith.cmpi slt, %select_n3A_536, %lt3A_542 : i32
      %ne3A_544 = arith.xori %lt3A_541, %lt3A_543 : i1
      %and3A_545 = arith.andi %ne3A_544, %ne3A_539 : i1
      %add3A_546 = arith.addi %rem3A_537, %select_n3A_536 : i32
      %select_n3A_547 = arith.select %and3A_545, %add3A_546, %rem3A_537 : i32
      %dma_start3A_548 = arith.constant 0 : i32
      %dma_start3A_549 = tpu.memref_slice %arg8[%select_n3A_547, %dma_start3A_548] : memref<16x32xi32, #tpu.memory_space<vmem>> -> memref<1x32xi32, #tpu.memory_space<vmem>>
      %dma_start3A_550 = tpu.memref_squeeze %dma_start3A_549 : memref<1x32xi32, #tpu.memory_space<vmem>> -> memref<32xi32, #tpu.memory_space<vmem>>
      %dma_start3A_551 = arith.constant 0 : i32
      %dma_start3A_552 = tpu.memref_slice %arg16[%dma_start3A_551] : memref<4096xf32, #tpu.memory_space<vmem_shared>> -> memref<4096xf32, #tpu.memory_space<vmem_shared>>
      tpu.enqueue_indirect_dma source(%arg11 : memref<32xf32, #tpu.memory_space<vmem>>) target(%dma_start3A_552 : memref<4096xf32, #tpu.memory_space<vmem_shared>>) offsets(%dma_start3A_550 : memref<32xi32, #tpu.memory_space<vmem>>) semaphore(%arg21 : memref<!tpu.dma_semaphore, #tpu.memory_space<semaphore_mem>>) {add = true}
      %jit3A_553 = arith.constant 16 : i32
      %eq3A_554 = arith.constant 0 : i32
      %eq3A_555 = arith.cmpi eq, %jit3A_553, %eq3A_554 : i32
      %jit3A_556 = arith.constant 1 : i32
      %select_n3A_557 = arith.select %eq3A_555, %jit3A_556, %jit3A_553 : i32
      %rem3A_558 = arith.remsi %add3A_448, %select_n3A_557 : i32
      %ne3A_559 = arith.constant 0 : i32
      %ne3A_560 = arith.cmpi ne, %rem3A_558, %ne3A_559 : i32
      %lt3A_561 = arith.constant 0 : i32
      %lt3A_562 = arith.cmpi slt, %rem3A_558, %lt3A_561 : i32
      %lt3A_563 = arith.constant 0 : i32
      %lt3A_564 = arith.cmpi slt, %select_n3A_557, %lt3A_563 : i32
      %ne3A_565 = arith.xori %lt3A_562, %lt3A_564 : i1
      %and3A_566 = arith.andi %ne3A_565, %ne3A_560 : i1
      %add3A_567 = arith.addi %rem3A_558, %select_n3A_557 : i32
      %select_n3A_568 = arith.select %and3A_566, %add3A_567, %rem3A_558 : i32
      %dma_wait3A_569 = arith.constant 0 : i32
      %dma_wait3A_570 = tpu.memref_slice %arg7[%select_n3A_568, %dma_wait3A_569] : memref<16x32xi32, #tpu.memory_space<vmem>> -> memref<1x32xi32, #tpu.memory_space<vmem>>
      %dma_wait3A_571 = tpu.memref_squeeze %dma_wait3A_570 : memref<1x32xi32, #tpu.memory_space<vmem>> -> memref<32xi32, #tpu.memory_space<vmem>>
      %dma_wait3A_572 = arith.constant 0 : i32
      %dma_wait3A_573 = arith.constant 0 : i32
      %dma_wait3A_574 = tpu.memref_slice %arg14[%dma_wait3A_572, %dma_wait3A_573] : memref<10112x128xf32, #tpu.memory_space<vmem_shared>> -> memref<10112x128xf32, #tpu.memory_space<vmem_shared>>
      tpu.wait_indirect_dma semaphore(%arg18 : memref<!tpu.dma_semaphore, #tpu.memory_space<semaphore_mem>>) src(%dma_wait3A_574 : memref<10112x128xf32, #tpu.memory_space<vmem_shared>>) dst(%arg10 : memref<32x128xf32, #tpu.memory_space<vmem>>)
      %jit3A_575 = arith.constant 16 : i32
      %eq3A_576 = arith.constant 0 : i32
      %eq3A_577 = arith.cmpi eq, %jit3A_575, %eq3A_576 : i32
      %jit3A_578 = arith.constant 1 : i32
      %select_n3A_579 = arith.select %eq3A_577, %jit3A_578, %jit3A_575 : i32
      %rem3A_580 = arith.remsi %mul3A_446, %select_n3A_579 : i32
      %ne3A_581 = arith.constant 0 : i32
      %ne3A_582 = arith.cmpi ne, %rem3A_580, %ne3A_581 : i32
      %lt3A_583 = arith.constant 0 : i32
      %lt3A_584 = arith.cmpi slt, %rem3A_580, %lt3A_583 : i32
      %lt3A_585 = arith.constant 0 : i32
      %lt3A_586 = arith.cmpi slt, %select_n3A_579, %lt3A_585 : i32
      %ne3A_587 = arith.xori %lt3A_584, %lt3A_586 : i1
      %and3A_588 = arith.andi %ne3A_587, %ne3A_582 : i1
      %add3A_589 = arith.addi %rem3A_580, %select_n3A_579 : i32
      %select_n3A_590 = arith.select %and3A_588, %add3A_589, %rem3A_580 : i32
      %dma_wait3A_591 = arith.constant 0 : i32
      %dma_wait3A_592 = tpu.memref_slice %arg8[%select_n3A_590, %dma_wait3A_591] : memref<16x32xi32, #tpu.memory_space<vmem>> -> memref<1x32xi32, #tpu.memory_space<vmem>>
      %dma_wait3A_593 = tpu.memref_squeeze %dma_wait3A_592 : memref<1x32xi32, #tpu.memory_space<vmem>> -> memref<32xi32, #tpu.memory_space<vmem>>
      %dma_wait3A_594 = arith.constant 0 : i32
      %dma_wait3A_595 = arith.constant 0 : i32
      %dma_wait3A_596 = tpu.memref_slice %arg15[%dma_wait3A_594, %dma_wait3A_595] : memref<4096x128xf32, #tpu.memory_space<vmem_shared>> -> memref<4096x128xf32, #tpu.memory_space<vmem_shared>>
      tpu.wait_indirect_dma semaphore(%arg19 : memref<!tpu.dma_semaphore, #tpu.memory_space<semaphore_mem>>) src(%arg9 : memref<32x128xf32, #tpu.memory_space<vmem>>) dst(%dma_wait3A_596 : memref<4096x128xf32, #tpu.memory_space<vmem_shared>>)
      %jit3A_597 = arith.constant 16 : i32
      %eq3A_598 = arith.constant 0 : i32
      %eq3A_599 = arith.cmpi eq, %jit3A_597, %eq3A_598 : i32
      %jit3A_600 = arith.constant 1 : i32
      %select_n3A_601 = arith.select %eq3A_599, %jit3A_600, %jit3A_597 : i32
      %rem3A_602 = arith.remsi %mul3A_446, %select_n3A_601 : i32
      %ne3A_603 = arith.constant 0 : i32
      %ne3A_604 = arith.cmpi ne, %rem3A_602, %ne3A_603 : i32
      %lt3A_605 = arith.constant 0 : i32
      %lt3A_606 = arith.cmpi slt, %rem3A_602, %lt3A_605 : i32
      %lt3A_607 = arith.constant 0 : i32
      %lt3A_608 = arith.cmpi slt, %select_n3A_601, %lt3A_607 : i32
      %ne3A_609 = arith.xori %lt3A_606, %lt3A_608 : i1
      %and3A_610 = arith.andi %ne3A_609, %ne3A_604 : i1
      %add3A_611 = arith.addi %rem3A_602, %select_n3A_601 : i32
      %select_n3A_612 = arith.select %and3A_610, %add3A_611, %rem3A_602 : i32
      %dma_wait3A_613 = arith.constant 0 : i32
      %dma_wait3A_614 = tpu.memref_slice %arg8[%select_n3A_612, %dma_wait3A_613] : memref<16x32xi32, #tpu.memory_space<vmem>> -> memref<1x32xi32, #tpu.memory_space<vmem>>
      %dma_wait3A_615 = tpu.memref_squeeze %dma_wait3A_614 : memref<1x32xi32, #tpu.memory_space<vmem>> -> memref<32xi32, #tpu.memory_space<vmem>>
      %dma_wait3A_616 = arith.constant 0 : i32
      %dma_wait3A_617 = tpu.memref_slice %arg16[%dma_wait3A_616] : memref<4096xf32, #tpu.memory_space<vmem_shared>> -> memref<4096xf32, #tpu.memory_space<vmem_shared>>
      tpu.wait_indirect_dma semaphore(%arg21 : memref<!tpu.dma_semaphore, #tpu.memory_space<semaphore_mem>>) src(%arg11 : memref<32xf32, #tpu.memory_space<vmem>>) dst(%dma_wait3A_617 : memref<4096xf32, #tpu.memory_space<vmem_shared>>)
      %jit3A_618 = arith.constant 16 : i32
      %eq3A_619 = arith.constant 0 : i32
      %eq3A_620 = arith.cmpi eq, %jit3A_618, %eq3A_619 : i32
      %jit3A_621 = arith.constant 1 : i32
      %select_n3A_622 = arith.select %eq3A_620, %jit3A_621, %jit3A_618 : i32
      %rem3A_623 = arith.remsi %add3A_448, %select_n3A_622 : i32
      %ne3A_624 = arith.constant 0 : i32
      %ne3A_625 = arith.cmpi ne, %rem3A_623, %ne3A_624 : i32
      %lt3A_626 = arith.constant 0 : i32
      %lt3A_627 = arith.cmpi slt, %rem3A_623, %lt3A_626 : i32
      %lt3A_628 = arith.constant 0 : i32
      %lt3A_629 = arith.cmpi slt, %select_n3A_622, %lt3A_628 : i32
      %ne3A_630 = arith.xori %lt3A_627, %lt3A_629 : i1
      %and3A_631 = arith.andi %ne3A_630, %ne3A_625 : i1
      %add3A_632 = arith.addi %rem3A_623, %select_n3A_622 : i32
      %select_n3A_633 = arith.select %and3A_631, %add3A_632, %rem3A_623 : i32
      %dma_start3A_634 = arith.constant 0 : i32
      %dma_start3A_635 = tpu.memref_slice %arg8[%select_n3A_633, %dma_start3A_634] : memref<16x32xi32, #tpu.memory_space<vmem>> -> memref<1x32xi32, #tpu.memory_space<vmem>>
      %dma_start3A_636 = tpu.memref_squeeze %dma_start3A_635 : memref<1x32xi32, #tpu.memory_space<vmem>> -> memref<32xi32, #tpu.memory_space<vmem>>
      %dma_start3A_637 = arith.constant 0 : i32
      %dma_start3A_638 = arith.constant 0 : i32
      %dma_start3A_639 = tpu.memref_slice %arg15[%dma_start3A_637, %dma_start3A_638] : memref<4096x128xf32, #tpu.memory_space<vmem_shared>> -> memref<4096x128xf32, #tpu.memory_space<vmem_shared>>
      tpu.enqueue_indirect_dma source(%arg10 : memref<32x128xf32, #tpu.memory_space<vmem>>) target(%dma_start3A_639 : memref<4096x128xf32, #tpu.memory_space<vmem_shared>>) offsets(%dma_start3A_636 : memref<32xi32, #tpu.memory_space<vmem>>) semaphore(%arg20 : memref<!tpu.dma_semaphore, #tpu.memory_space<semaphore_mem>>) {add = true}
      %jit3A_640 = arith.constant 16 : i32
      %eq3A_641 = arith.constant 0 : i32
      %eq3A_642 = arith.cmpi eq, %jit3A_640, %eq3A_641 : i32
      %jit3A_643 = arith.constant 1 : i32
      %select_n3A_644 = arith.select %eq3A_642, %jit3A_643, %jit3A_640 : i32
      %rem3A_645 = arith.remsi %add3A_448, %select_n3A_644 : i32
      %ne3A_646 = arith.constant 0 : i32
      %ne3A_647 = arith.cmpi ne, %rem3A_645, %ne3A_646 : i32
      %lt3A_648 = arith.constant 0 : i32
      %lt3A_649 = arith.cmpi slt, %rem3A_645, %lt3A_648 : i32
      %lt3A_650 = arith.constant 0 : i32
      %lt3A_651 = arith.cmpi slt, %select_n3A_644, %lt3A_650 : i32
      %ne3A_652 = arith.xori %lt3A_649, %lt3A_651 : i1
      %and3A_653 = arith.andi %ne3A_652, %ne3A_647 : i1
      %add3A_654 = arith.addi %rem3A_645, %select_n3A_644 : i32
      %select_n3A_655 = arith.select %and3A_653, %add3A_654, %rem3A_645 : i32
      %dma_start3A_656 = arith.constant 0 : i32
      %dma_start3A_657 = tpu.memref_slice %arg8[%select_n3A_655, %dma_start3A_656] : memref<16x32xi32, #tpu.memory_space<vmem>> -> memref<1x32xi32, #tpu.memory_space<vmem>>
      %dma_start3A_658 = tpu.memref_squeeze %dma_start3A_657 : memref<1x32xi32, #tpu.memory_space<vmem>> -> memref<32xi32, #tpu.memory_space<vmem>>
      %dma_start3A_659 = arith.constant 0 : i32
      %dma_start3A_660 = tpu.memref_slice %arg16[%dma_start3A_659] : memref<4096xf32, #tpu.memory_space<vmem_shared>> -> memref<4096xf32, #tpu.memory_space<vmem_shared>>
      tpu.enqueue_indirect_dma source(%arg11 : memref<32xf32, #tpu.memory_space<vmem>>) target(%dma_start3A_660 : memref<4096xf32, #tpu.memory_space<vmem_shared>>) offsets(%dma_start3A_658 : memref<32xi32, #tpu.memory_space<vmem>>) semaphore(%arg22 : memref<!tpu.dma_semaphore, #tpu.memory_space<semaphore_mem>>) {add = true}
      %add3A_661 = arith.constant 2 : i32
      %add3A_662 = arith.addi %mul3A_446, %add3A_661 : i32
      %jit3A_663 = arith.constant 8 : i32
      %eq3A_664 = arith.constant 0 : i32
      %eq3A_665 = arith.cmpi eq, %jit3A_663, %eq3A_664 : i32
      %jit3A_666 = arith.constant 1 : i32
      %select_n3A_667 = arith.select %eq3A_665, %jit3A_666, %jit3A_663 : i32
      %rem3A_668 = arith.remsi %add3A_662, %select_n3A_667 : i32
      %ne3A_669 = arith.constant 0 : i32
      %ne3A_670 = arith.cmpi ne, %rem3A_668, %ne3A_669 : i32
      %lt3A_671 = arith.constant 0 : i32
      %lt3A_672 = arith.cmpi slt, %rem3A_668, %lt3A_671 : i32
      %lt3A_673 = arith.constant 0 : i32
      %lt3A_674 = arith.cmpi slt, %select_n3A_667, %lt3A_673 : i32
      %ne3A_675 = arith.xori %lt3A_672, %lt3A_674 : i1
      %and3A_676 = arith.andi %ne3A_675, %ne3A_670 : i1
      %add3A_677 = arith.addi %rem3A_668, %select_n3A_667 : i32
      %select_n3A_678 = arith.select %and3A_676, %add3A_677, %rem3A_668 : i32
      %eq3A_679 = arith.constant 0 : i32
      %eq3A_680 = arith.cmpi eq, %select_n3A_678, %eq3A_679 : i32
      %lt3A_681 = arith.constant 320 : i32
      %lt3A_682 = arith.cmpi slt, %add3A_662, %lt3A_681 : i32
      %and3A_683 = arith.andi %eq3A_680, %lt3A_682 : i1
      %convert_element_type3A_684 = arith.extui %and3A_683 : i1 to i32
      %cond3A_685 = arith.constant 0 : i32
      %cond3A_686 = arith.cmpi ne, %convert_element_type3A_684, %cond3A_685 : i32
      scf.if %cond3A_686 {
        %jit3A_694 = arith.constant 16 : i32
        %eq3A_695 = arith.constant 0 : i32
        %eq3A_696 = arith.cmpi eq, %jit3A_694, %eq3A_695 : i32
        %jit3A_697 = arith.constant 1 : i32
        %select_n3A_698 = arith.select %eq3A_696, %jit3A_697, %jit3A_694 : i32
        %rem3A_699 = arith.remsi %add3A_448, %select_n3A_698 : i32
        %ne3A_700 = arith.constant 0 : i32
        %ne3A_701 = arith.cmpi ne, %rem3A_699, %ne3A_700 : i32
        %lt3A_702 = arith.constant 0 : i32
        %lt3A_703 = arith.cmpi slt, %rem3A_699, %lt3A_702 : i32
        %lt3A_704 = arith.constant 0 : i32
        %lt3A_705 = arith.cmpi slt, %select_n3A_698, %lt3A_704 : i32
        %ne3A_706 = arith.xori %lt3A_703, %lt3A_705 : i1
        %and3A_707 = arith.andi %ne3A_706, %ne3A_701 : i1
        %add3A_708 = arith.addi %rem3A_699, %select_n3A_698 : i32
        %select_n3A_709 = arith.select %and3A_707, %add3A_708, %rem3A_699 : i32
        %dma_wait3A_710 = arith.constant 0 : i32
        %dma_wait3A_711 = tpu.memref_slice %arg8[%select_n3A_709, %dma_wait3A_710] : memref<16x32xi32, #tpu.memory_space<vmem>> -> memref<1x32xi32, #tpu.memory_space<vmem>>
        %dma_wait3A_712 = tpu.memref_squeeze %dma_wait3A_711 : memref<1x32xi32, #tpu.memory_space<vmem>> -> memref<32xi32, #tpu.memory_space<vmem>>
        %dma_wait3A_713 = arith.constant 0 : i32
        %dma_wait3A_714 = arith.constant 0 : i32
        %dma_wait3A_715 = tpu.memref_slice %arg15[%dma_wait3A_713, %dma_wait3A_714] : memref<4096x128xf32, #tpu.memory_space<vmem_shared>> -> memref<4096x128xf32, #tpu.memory_space<vmem_shared>>
        tpu.wait_indirect_dma semaphore(%arg20 : memref<!tpu.dma_semaphore, #tpu.memory_space<semaphore_mem>>) src(%arg10 : memref<32x128xf32, #tpu.memory_space<vmem>>) dst(%dma_wait3A_715 : memref<4096x128xf32, #tpu.memory_space<vmem_shared>>)
        %jit3A_716 = arith.constant 16 : i32
        %eq3A_717 = arith.constant 0 : i32
        %eq3A_718 = arith.cmpi eq, %jit3A_716, %eq3A_717 : i32
        %jit3A_719 = arith.constant 1 : i32
        %select_n3A_720 = arith.select %eq3A_718, %jit3A_719, %jit3A_716 : i32
        %rem3A_721 = arith.remsi %add3A_448, %select_n3A_720 : i32
        %ne3A_722 = arith.constant 0 : i32
        %ne3A_723 = arith.cmpi ne, %rem3A_721, %ne3A_722 : i32
        %lt3A_724 = arith.constant 0 : i32
        %lt3A_725 = arith.cmpi slt, %rem3A_721, %lt3A_724 : i32
        %lt3A_726 = arith.constant 0 : i32
        %lt3A_727 = arith.cmpi slt, %select_n3A_720, %lt3A_726 : i32
        %ne3A_728 = arith.xori %lt3A_725, %lt3A_727 : i1
        %and3A_729 = arith.andi %ne3A_728, %ne3A_723 : i1
        %add3A_730 = arith.addi %rem3A_721, %select_n3A_720 : i32
        %select_n3A_731 = arith.select %and3A_729, %add3A_730, %rem3A_721 : i32
        %dma_wait3A_732 = arith.constant 0 : i32
        %dma_wait3A_733 = tpu.memref_slice %arg8[%select_n3A_731, %dma_wait3A_732] : memref<16x32xi32, #tpu.memory_space<vmem>> -> memref<1x32xi32, #tpu.memory_space<vmem>>
        %dma_wait3A_734 = tpu.memref_squeeze %dma_wait3A_733 : memref<1x32xi32, #tpu.memory_space<vmem>> -> memref<32xi32, #tpu.memory_space<vmem>>
        %dma_wait3A_735 = arith.constant 0 : i32
        %dma_wait3A_736 = tpu.memref_slice %arg16[%dma_wait3A_735] : memref<4096xf32, #tpu.memory_space<vmem_shared>> -> memref<4096xf32, #tpu.memory_space<vmem_shared>>
        tpu.wait_indirect_dma semaphore(%arg22 : memref<!tpu.dma_semaphore, #tpu.memory_space<semaphore_mem>>) src(%arg11 : memref<32xf32, #tpu.memory_space<vmem>>) dst(%dma_wait3A_736 : memref<4096xf32, #tpu.memory_space<vmem_shared>>)
        %ge3A = arith.constant 16 : i32
        %ge3A_737 = arith.cmpi sge, %add3A_662, %ge3A : i32
        %convert_element_type3A_738 = arith.extui %ge3A_737 : i1 to i32
        %cond3A_739 = arith.constant 0 : i32
        %cond3A_740 = arith.cmpi ne, %convert_element_type3A_738, %cond3A_739 : i32
        scf.if %cond3A_740 {
          %multiple_of3A = tpu.assume_multiple %add3A_662, 8 : i32
          %add3A_748 = arith.addi %mul3A_409, %multiple_of3A : i32
          %jit3A_749 = arith.constant 8 : i32
          %div3A = arith.divsi %add3A_662, %jit3A_749 : i32
          %sign3A = arith.constant 0 : i32
          %sign3A_750 = arith.cmpi sgt, %add3A_662, %sign3A : i32
          %sign3A_751 = arith.extui %sign3A_750 : i1 to i32
          %sign3A_752 = arith.constant 0 : i32
          %sign3A_753 = arith.cmpi slt, %add3A_662, %sign3A_752 : i32
          %sign3A_754 = arith.extui %sign3A_753 : i1 to i32
          %sign3A_755 = arith.subi %sign3A_751, %sign3A_754 : i32
          %sign3A_756 = arith.constant 0 : i32
          %sign3A_757 = arith.cmpi sgt, %jit3A_749, %sign3A_756 : i32
          %sign3A_758 = arith.extui %sign3A_757 : i1 to i32
          %sign3A_759 = arith.constant 0 : i32
          %sign3A_760 = arith.cmpi slt, %jit3A_749, %sign3A_759 : i32
          %sign3A_761 = arith.extui %sign3A_760 : i1 to i32
          %sign3A_762 = arith.subi %sign3A_758, %sign3A_761 : i32
          %ne3A_763 = arith.cmpi ne, %sign3A_755, %sign3A_762 : i32
          %rem3A_764 = arith.remsi %add3A_662, %jit3A_749 : i32
          %ne3A_765 = arith.constant 0 : i32
          %ne3A_766 = arith.cmpi ne, %rem3A_764, %ne3A_765 : i32
          %and3A_767 = arith.andi %ne3A_763, %ne3A_766 : i1
          %sub3A = arith.constant 1 : i32
          %sub3A_768 = arith.subi %div3A, %sub3A : i32
          %select_n3A_769 = arith.select %and3A_767, %sub3A_768, %div3A : i32
          %jit3A_770 = arith.constant 2 : i32
          %eq3A_771 = arith.constant 0 : i32
          %eq3A_772 = arith.cmpi eq, %jit3A_770, %eq3A_771 : i32
          %jit3A_773 = arith.constant 1 : i32
          %select_n3A_774 = arith.select %eq3A_772, %jit3A_773, %jit3A_770 : i32
          %rem3A_775 = arith.remsi %select_n3A_769, %select_n3A_774 : i32
          %ne3A_776 = arith.constant 0 : i32
          %ne3A_777 = arith.cmpi ne, %rem3A_775, %ne3A_776 : i32
          %lt3A_778 = arith.constant 0 : i32
          %lt3A_779 = arith.cmpi slt, %rem3A_775, %lt3A_778 : i32
          %lt3A_780 = arith.constant 0 : i32
          %lt3A_781 = arith.cmpi slt, %select_n3A_774, %lt3A_780 : i32
          %ne3A_782 = arith.xori %lt3A_779, %lt3A_781 : i1
          %and3A_783 = arith.andi %ne3A_782, %ne3A_777 : i1
          %add3A_784 = arith.addi %rem3A_775, %select_n3A_774 : i32
          %select_n3A_785 = arith.select %and3A_783, %add3A_784, %rem3A_775 : i32
          %mul3A_786 = arith.constant 8 : i32
          %mul3A_787 = arith.muli %select_n3A_785, %mul3A_786 : i32
          %dma_wait3A_788 = arith.constant 0 : i32
          %dma_wait3A_789 = tpu.memref_slice %arg7[%mul3A_787, %dma_wait3A_788] : memref<16x32xi32, #tpu.memory_space<vmem>> -> memref<8x32xi32, #tpu.memory_space<vmem>>
          %dma_wait3A_790 = arith.constant 0 : i32
          %dma_wait3A_791 = tpu.memref_slice %arg3[%add3A_748, %dma_wait3A_790] : memref<10240x32xi32, #tpu.memory_space<hbm>> -> memref<8x32xi32, #tpu.memory_space<hbm>>
          %dma_wait3A_792 = arith.constant 0 : i32
          %dma_wait3A_793 = tpu.memref_slice %arg7[%mul3A_787, %dma_wait3A_792] : memref<16x32xi32, #tpu.memory_space<vmem>> -> memref<8x32xi32, #tpu.memory_space<vmem>>
          %dma_wait3A_794 = arith.constant 0 : i32
          %dma_wait3A_795 = tpu.memref_slice %arg3[%add3A_748, %dma_wait3A_794] : memref<10240x32xi32, #tpu.memory_space<hbm>> -> memref<8x32xi32, #tpu.memory_space<hbm>>
          tpu.wait_dma2 semaphore(%arg23 : memref<!tpu.dma_semaphore, #tpu.memory_space<semaphore_mem>>) src(%dma_wait3A_795 : memref<8x32xi32, #tpu.memory_space<hbm>>) dst(%dma_wait3A_793 : memref<8x32xi32, #tpu.memory_space<vmem>>)
          %multiple_of3A_796 = tpu.assume_multiple %add3A_662, 8 : i32
          %add3A_797 = arith.addi %mul3A_409, %multiple_of3A_796 : i32
          %jit3A_798 = arith.constant 8 : i32
          %div3A_799 = arith.divsi %add3A_662, %jit3A_798 : i32
          %sign3A_800 = arith.constant 0 : i32
          %sign3A_801 = arith.cmpi sgt, %add3A_662, %sign3A_800 : i32
          %sign3A_802 = arith.extui %sign3A_801 : i1 to i32
          %sign3A_803 = arith.constant 0 : i32
          %sign3A_804 = arith.cmpi slt, %add3A_662, %sign3A_803 : i32
          %sign3A_805 = arith.extui %sign3A_804 : i1 to i32
          %sign3A_806 = arith.subi %sign3A_802, %sign3A_805 : i32
          %sign3A_807 = arith.constant 0 : i32
          %sign3A_808 = arith.cmpi sgt, %jit3A_798, %sign3A_807 : i32
          %sign3A_809 = arith.extui %sign3A_808 : i1 to i32
          %sign3A_810 = arith.constant 0 : i32
          %sign3A_811 = arith.cmpi slt, %jit3A_798, %sign3A_810 : i32
          %sign3A_812 = arith.extui %sign3A_811 : i1 to i32
          %sign3A_813 = arith.subi %sign3A_809, %sign3A_812 : i32
          %ne3A_814 = arith.cmpi ne, %sign3A_806, %sign3A_813 : i32
          %rem3A_815 = arith.remsi %add3A_662, %jit3A_798 : i32
          %ne3A_816 = arith.constant 0 : i32
          %ne3A_817 = arith.cmpi ne, %rem3A_815, %ne3A_816 : i32
          %and3A_818 = arith.andi %ne3A_814, %ne3A_817 : i1
          %sub3A_819 = arith.constant 1 : i32
          %sub3A_820 = arith.subi %div3A_799, %sub3A_819 : i32
          %select_n3A_821 = arith.select %and3A_818, %sub3A_820, %div3A_799 : i32
          %jit3A_822 = arith.constant 2 : i32
          %eq3A_823 = arith.constant 0 : i32
          %eq3A_824 = arith.cmpi eq, %jit3A_822, %eq3A_823 : i32
          %jit3A_825 = arith.constant 1 : i32
          %select_n3A_826 = arith.select %eq3A_824, %jit3A_825, %jit3A_822 : i32
          %rem3A_827 = arith.remsi %select_n3A_821, %select_n3A_826 : i32
          %ne3A_828 = arith.constant 0 : i32
          %ne3A_829 = arith.cmpi ne, %rem3A_827, %ne3A_828 : i32
          %lt3A_830 = arith.constant 0 : i32
          %lt3A_831 = arith.cmpi slt, %rem3A_827, %lt3A_830 : i32
          %lt3A_832 = arith.constant 0 : i32
          %lt3A_833 = arith.cmpi slt, %select_n3A_826, %lt3A_832 : i32
          %ne3A_834 = arith.xori %lt3A_831, %lt3A_833 : i1
          %and3A_835 = arith.andi %ne3A_834, %ne3A_829 : i1
          %add3A_836 = arith.addi %rem3A_827, %select_n3A_826 : i32
          %select_n3A_837 = arith.select %and3A_835, %add3A_836, %rem3A_827 : i32
          %mul3A_838 = arith.constant 8 : i32
          %mul3A_839 = arith.muli %select_n3A_837, %mul3A_838 : i32
          %dma_wait3A_840 = arith.constant 0 : i32
          %dma_wait3A_841 = tpu.memref_slice %arg8[%mul3A_839, %dma_wait3A_840] : memref<16x32xi32, #tpu.memory_space<vmem>> -> memref<8x32xi32, #tpu.memory_space<vmem>>
          %dma_wait3A_842 = arith.constant 0 : i32
          %dma_wait3A_843 = tpu.memref_slice %arg4[%add3A_797, %dma_wait3A_842] : memref<10240x32xi32, #tpu.memory_space<hbm>> -> memref<8x32xi32, #tpu.memory_space<hbm>>
          %dma_wait3A_844 = arith.constant 0 : i32
          %dma_wait3A_845 = tpu.memref_slice %arg8[%mul3A_839, %dma_wait3A_844] : memref<16x32xi32, #tpu.memory_space<vmem>> -> memref<8x32xi32, #tpu.memory_space<vmem>>
          %dma_wait3A_846 = arith.constant 0 : i32
          %dma_wait3A_847 = tpu.memref_slice %arg4[%add3A_797, %dma_wait3A_846] : memref<10240x32xi32, #tpu.memory_space<hbm>> -> memref<8x32xi32, #tpu.memory_space<hbm>>
          tpu.wait_dma2 semaphore(%arg23 : memref<!tpu.dma_semaphore, #tpu.memory_space<semaphore_mem>>) src(%dma_wait3A_847 : memref<8x32xi32, #tpu.memory_space<hbm>>) dst(%dma_wait3A_845 : memref<8x32xi32, #tpu.memory_space<vmem>>)
        } else {
        }
        %add3A_741 = arith.constant 8 : i32
        %add3A_742 = arith.addi %add3A_662, %add3A_741 : i32
        %lt3A_743 = arith.constant 320 : i32
        %lt3A_744 = arith.cmpi slt, %add3A_742, %lt3A_743 : i32
        %convert_element_type3A_745 = arith.extui %lt3A_744 : i1 to i32
        %cond3A_746 = arith.constant 0 : i32
        %cond3A_747 = arith.cmpi ne, %convert_element_type3A_745, %cond3A_746 : i32
        scf.if %cond3A_747 {
          %add3A_748 = arith.constant 8 : i32
          %add3A_749 = arith.addi %add3A_662, %add3A_748 : i32
          %multiple_of3A = tpu.assume_multiple %add3A_749, 8 : i32
          %add3A_750 = arith.addi %mul3A_409, %multiple_of3A : i32
          %jit3A_751 = arith.constant 8 : i32
          %div3A = arith.divsi %add3A_749, %jit3A_751 : i32
          %sign3A = arith.constant 0 : i32
          %sign3A_752 = arith.cmpi sgt, %add3A_749, %sign3A : i32
          %sign3A_753 = arith.extui %sign3A_752 : i1 to i32
          %sign3A_754 = arith.constant 0 : i32
          %sign3A_755 = arith.cmpi slt, %add3A_749, %sign3A_754 : i32
          %sign3A_756 = arith.extui %sign3A_755 : i1 to i32
          %sign3A_757 = arith.subi %sign3A_753, %sign3A_756 : i32
          %sign3A_758 = arith.constant 0 : i32
          %sign3A_759 = arith.cmpi sgt, %jit3A_751, %sign3A_758 : i32
          %sign3A_760 = arith.extui %sign3A_759 : i1 to i32
          %sign3A_761 = arith.constant 0 : i32
          %sign3A_762 = arith.cmpi slt, %jit3A_751, %sign3A_761 : i32
          %sign3A_763 = arith.extui %sign3A_762 : i1 to i32
          %sign3A_764 = arith.subi %sign3A_760, %sign3A_763 : i32
          %ne3A_765 = arith.cmpi ne, %sign3A_757, %sign3A_764 : i32
          %rem3A_766 = arith.remsi %add3A_749, %jit3A_751 : i32
          %ne3A_767 = arith.constant 0 : i32
          %ne3A_768 = arith.cmpi ne, %rem3A_766, %ne3A_767 : i32
          %and3A_769 = arith.andi %ne3A_765, %ne3A_768 : i1
          %sub3A = arith.constant 1 : i32
          %sub3A_770 = arith.subi %div3A, %sub3A : i32
          %select_n3A_771 = arith.select %and3A_769, %sub3A_770, %div3A : i32
          %jit3A_772 = arith.constant 2 : i32
          %eq3A_773 = arith.constant 0 : i32
          %eq3A_774 = arith.cmpi eq, %jit3A_772, %eq3A_773 : i32
          %jit3A_775 = arith.constant 1 : i32
          %select_n3A_776 = arith.select %eq3A_774, %jit3A_775, %jit3A_772 : i32
          %rem3A_777 = arith.remsi %select_n3A_771, %select_n3A_776 : i32
          %ne3A_778 = arith.constant 0 : i32
          %ne3A_779 = arith.cmpi ne, %rem3A_777, %ne3A_778 : i32
          %lt3A_780 = arith.constant 0 : i32
          %lt3A_781 = arith.cmpi slt, %rem3A_777, %lt3A_780 : i32
          %lt3A_782 = arith.constant 0 : i32
          %lt3A_783 = arith.cmpi slt, %select_n3A_776, %lt3A_782 : i32
          %ne3A_784 = arith.xori %lt3A_781, %lt3A_783 : i1
          %and3A_785 = arith.andi %ne3A_784, %ne3A_779 : i1
          %add3A_786 = arith.addi %rem3A_777, %select_n3A_776 : i32
          %select_n3A_787 = arith.select %and3A_785, %add3A_786, %rem3A_777 : i32
          %mul3A_788 = arith.constant 8 : i32
          %mul3A_789 = arith.muli %select_n3A_787, %mul3A_788 : i32
          %dma_start3A_790 = arith.constant 0 : i32
          %dma_start3A_791 = tpu.memref_slice %arg7[%mul3A_789, %dma_start3A_790] : memref<16x32xi32, #tpu.memory_space<vmem>> -> memref<8x32xi32, #tpu.memory_space<vmem>>
          %dma_start3A_792 = arith.constant 0 : i32
          %dma_start3A_793 = tpu.memref_slice %arg3[%add3A_750, %dma_start3A_792] : memref<10240x32xi32, #tpu.memory_space<hbm>> -> memref<8x32xi32, #tpu.memory_space<hbm>>
          %dma_start3A_794 = arith.constant 0 : i32
          %dma_start3A_795 = tpu.memref_slice %arg7[%mul3A_789, %dma_start3A_794] : memref<16x32xi32, #tpu.memory_space<vmem>> -> memref<8x32xi32, #tpu.memory_space<vmem>>
          %dma_start3A_796 = arith.constant 0 : i32
          %dma_start3A_797 = tpu.memref_slice %arg3[%add3A_750, %dma_start3A_796] : memref<10240x32xi32, #tpu.memory_space<hbm>> -> memref<8x32xi32, #tpu.memory_space<hbm>>
          tpu.enqueue_dma source(%dma_start3A_797 : memref<8x32xi32, #tpu.memory_space<hbm>>) target(%dma_start3A_795 : memref<8x32xi32, #tpu.memory_space<vmem>>) target_semaphore(%arg23 : memref<!tpu.dma_semaphore, #tpu.memory_space<semaphore_mem>>)
          %add3A_798 = arith.constant 8 : i32
          %add3A_799 = arith.addi %add3A_662, %add3A_798 : i32
          %multiple_of3A_800 = tpu.assume_multiple %add3A_799, 8 : i32
          %add3A_801 = arith.addi %mul3A_409, %multiple_of3A_800 : i32
          %jit3A_802 = arith.constant 8 : i32
          %div3A_803 = arith.divsi %add3A_799, %jit3A_802 : i32
          %sign3A_804 = arith.constant 0 : i32
          %sign3A_805 = arith.cmpi sgt, %add3A_799, %sign3A_804 : i32
          %sign3A_806 = arith.extui %sign3A_805 : i1 to i32
          %sign3A_807 = arith.constant 0 : i32
          %sign3A_808 = arith.cmpi slt, %add3A_799, %sign3A_807 : i32
          %sign3A_809 = arith.extui %sign3A_808 : i1 to i32
          %sign3A_810 = arith.subi %sign3A_806, %sign3A_809 : i32
          %sign3A_811 = arith.constant 0 : i32
          %sign3A_812 = arith.cmpi sgt, %jit3A_802, %sign3A_811 : i32
          %sign3A_813 = arith.extui %sign3A_812 : i1 to i32
          %sign3A_814 = arith.constant 0 : i32
          %sign3A_815 = arith.cmpi slt, %jit3A_802, %sign3A_814 : i32
          %sign3A_816 = arith.extui %sign3A_815 : i1 to i32
          %sign3A_817 = arith.subi %sign3A_813, %sign3A_816 : i32
          %ne3A_818 = arith.cmpi ne, %sign3A_810, %sign3A_817 : i32
          %rem3A_819 = arith.remsi %add3A_799, %jit3A_802 : i32
          %ne3A_820 = arith.constant 0 : i32
          %ne3A_821 = arith.cmpi ne, %rem3A_819, %ne3A_820 : i32
          %and3A_822 = arith.andi %ne3A_818, %ne3A_821 : i1
          %sub3A_823 = arith.constant 1 : i32
          %sub3A_824 = arith.subi %div3A_803, %sub3A_823 : i32
          %select_n3A_825 = arith.select %and3A_822, %sub3A_824, %div3A_803 : i32
          %jit3A_826 = arith.constant 2 : i32
          %eq3A_827 = arith.constant 0 : i32
          %eq3A_828 = arith.cmpi eq, %jit3A_826, %eq3A_827 : i32
          %jit3A_829 = arith.constant 1 : i32
          %select_n3A_830 = arith.select %eq3A_828, %jit3A_829, %jit3A_826 : i32
          %rem3A_831 = arith.remsi %select_n3A_825, %select_n3A_830 : i32
          %ne3A_832 = arith.constant 0 : i32
          %ne3A_833 = arith.cmpi ne, %rem3A_831, %ne3A_832 : i32
          %lt3A_834 = arith.constant 0 : i32
          %lt3A_835 = arith.cmpi slt, %rem3A_831, %lt3A_834 : i32
          %lt3A_836 = arith.constant 0 : i32
          %lt3A_837 = arith.cmpi slt, %select_n3A_830, %lt3A_836 : i32
          %ne3A_838 = arith.xori %lt3A_835, %lt3A_837 : i1
          %and3A_839 = arith.andi %ne3A_838, %ne3A_833 : i1
          %add3A_840 = arith.addi %rem3A_831, %select_n3A_830 : i32
          %select_n3A_841 = arith.select %and3A_839, %add3A_840, %rem3A_831 : i32
          %mul3A_842 = arith.constant 8 : i32
          %mul3A_843 = arith.muli %select_n3A_841, %mul3A_842 : i32
          %dma_start3A_844 = arith.constant 0 : i32
          %dma_start3A_845 = tpu.memref_slice %arg8[%mul3A_843, %dma_start3A_844] : memref<16x32xi32, #tpu.memory_space<vmem>> -> memref<8x32xi32, #tpu.memory_space<vmem>>
          %dma_start3A_846 = arith.constant 0 : i32
          %dma_start3A_847 = tpu.memref_slice %arg4[%add3A_801, %dma_start3A_846] : memref<10240x32xi32, #tpu.memory_space<hbm>> -> memref<8x32xi32, #tpu.memory_space<hbm>>
          %dma_start3A_848 = arith.constant 0 : i32
          %dma_start3A_849 = tpu.memref_slice %arg8[%mul3A_843, %dma_start3A_848] : memref<16x32xi32, #tpu.memory_space<vmem>> -> memref<8x32xi32, #tpu.memory_space<vmem>>
          %dma_start3A_850 = arith.constant 0 : i32
          %dma_start3A_851 = tpu.memref_slice %arg4[%add3A_801, %dma_start3A_850] : memref<10240x32xi32, #tpu.memory_space<hbm>> -> memref<8x32xi32, #tpu.memory_space<hbm>>
          tpu.enqueue_dma source(%dma_start3A_851 : memref<8x32xi32, #tpu.memory_space<hbm>>) target(%dma_start3A_849 : memref<8x32xi32, #tpu.memory_space<vmem>>) target_semaphore(%arg23 : memref<!tpu.dma_semaphore, #tpu.memory_space<semaphore_mem>>)
        } else {
        }
      } else {
      }
      %add3A_687 = arith.constant 1 : i32
      %add3A_688 = arith.addi %scan3A_444, %add3A_687 : i32
      %lt3A_689 = arith.constant 160 : i32
      %lt3A_690 = arith.cmpi slt, %add3A_688, %lt3A_689 : i32
      %convert_element_type3A_691 = arith.extui %lt3A_690 : i1 to i32
      %cond3A_692 = arith.constant 0 : i32
      %cond3A_693 = arith.cmpi ne, %convert_element_type3A_691, %cond3A_692 : i32
      scf.if %cond3A_693 {
        %jit3A_694 = arith.constant 16 : i32
        %eq3A_695 = arith.constant 0 : i32
        %eq3A_696 = arith.cmpi eq, %jit3A_694, %eq3A_695 : i32
        %jit3A_697 = arith.constant 1 : i32
        %select_n3A_698 = arith.select %eq3A_696, %jit3A_697, %jit3A_694 : i32
        %rem3A_699 = arith.remsi %add3A_662, %select_n3A_698 : i32
        %ne3A_700 = arith.constant 0 : i32
        %ne3A_701 = arith.cmpi ne, %rem3A_699, %ne3A_700 : i32
        %lt3A_702 = arith.constant 0 : i32
        %lt3A_703 = arith.cmpi slt, %rem3A_699, %lt3A_702 : i32
        %lt3A_704 = arith.constant 0 : i32
        %lt3A_705 = arith.cmpi slt, %select_n3A_698, %lt3A_704 : i32
        %ne3A_706 = arith.xori %lt3A_703, %lt3A_705 : i1
        %and3A_707 = arith.andi %ne3A_706, %ne3A_701 : i1
        %add3A_708 = arith.addi %rem3A_699, %select_n3A_698 : i32
        %select_n3A_709 = arith.select %and3A_707, %add3A_708, %rem3A_699 : i32
        %dma_start3A_710 = arith.constant 0 : i32
        %dma_start3A_711 = tpu.memref_slice %arg7[%select_n3A_709, %dma_start3A_710] : memref<16x32xi32, #tpu.memory_space<vmem>> -> memref<1x32xi32, #tpu.memory_space<vmem>>
        %dma_start3A_712 = tpu.memref_squeeze %dma_start3A_711 : memref<1x32xi32, #tpu.memory_space<vmem>> -> memref<32xi32, #tpu.memory_space<vmem>>
        %dma_start3A_713 = arith.constant 0 : i32
        %dma_start3A_714 = arith.constant 0 : i32
        %dma_start3A_715 = tpu.memref_slice %arg14[%dma_start3A_713, %dma_start3A_714] : memref<10112x128xf32, #tpu.memory_space<vmem_shared>> -> memref<10112x128xf32, #tpu.memory_space<vmem_shared>>
        tpu.enqueue_indirect_dma source(%dma_start3A_715 : memref<10112x128xf32, #tpu.memory_space<vmem_shared>>) target(%arg9 : memref<32x128xf32, #tpu.memory_space<vmem>>) offsets(%dma_start3A_712 : memref<32xi32, #tpu.memory_space<vmem>>) semaphore(%arg17 : memref<!tpu.dma_semaphore, #tpu.memory_space<semaphore_mem>>)
      } else {
      }
    }
    %scan3A_421 = arith.constant 160 : i32
    %dma_wait3A = arith.constant 15 : i32
    %dma_wait3A_422 = arith.constant 0 : i32
    %dma_wait3A_423 = tpu.memref_slice %arg8[%dma_wait3A, %dma_wait3A_422] : memref<16x32xi32, #tpu.memory_space<vmem>> -> memref<1x32xi32, #tpu.memory_space<vmem>>
    %dma_wait3A_424 = tpu.memref_squeeze %dma_wait3A_423 : memref<1x32xi32, #tpu.memory_space<vmem>> -> memref<32xi32, #tpu.memory_space<vmem>>
    %dma_wait3A_425 = arith.constant 0 : i32
    %dma_wait3A_426 = arith.constant 0 : i32
    %dma_wait3A_427 = tpu.memref_slice %arg15[%dma_wait3A_425, %dma_wait3A_426] : memref<4096x128xf32, #tpu.memory_space<vmem_shared>> -> memref<4096x128xf32, #tpu.memory_space<vmem_shared>>
    tpu.wait_indirect_dma semaphore(%arg20 : memref<!tpu.dma_semaphore, #tpu.memory_space<semaphore_mem>>) src(%arg10 : memref<32x128xf32, #tpu.memory_space<vmem>>) dst(%dma_wait3A_427 : memref<4096x128xf32, #tpu.memory_space<vmem_shared>>)
    %dma_wait3A_428 = arith.constant 15 : i32
    %dma_wait3A_429 = arith.constant 0 : i32
    %dma_wait3A_430 = tpu.memref_slice %arg8[%dma_wait3A_428, %dma_wait3A_429] : memref<16x32xi32, #tpu.memory_space<vmem>> -> memref<1x32xi32, #tpu.memory_space<vmem>>
    %dma_wait3A_431 = tpu.memref_squeeze %dma_wait3A_430 : memref<1x32xi32, #tpu.memory_space<vmem>> -> memref<32xi32, #tpu.memory_space<vmem>>
    %dma_wait3A_432 = arith.constant 0 : i32
    %dma_wait3A_433 = tpu.memref_slice %arg16[%dma_wait3A_432] : memref<4096xf32, #tpu.memory_space<vmem_shared>> -> memref<4096xf32, #tpu.memory_space<vmem_shared>>
    tpu.wait_indirect_dma semaphore(%arg22 : memref<!tpu.dma_semaphore, #tpu.memory_space<semaphore_mem>>) src(%arg11 : memref<32xf32, #tpu.memory_space<vmem>>) dst(%dma_wait3A_433 : memref<4096xf32, #tpu.memory_space<vmem_shared>>)
    %barrier3A_434 = arith.constant 0 : index
    tpu.barrier barrier_id(%barrier3A_434)
    %mul3A_435 = arith.constant 256 : i32
    %mul3A_436 = arith.muli %arg1, %mul3A_435 : i32
    %mul3A_437 = arith.constant 256 : i32
    %mul3A_438 = arith.muli %arg1, %mul3A_437 : i32
    "tpu.region"() ({
      %run_scoped3A = tpu.sem_alloc : memref<!tpu.dma_semaphore, #tpu.memory_space<semaphore_mem>>
      %dma_start3A_444 = arith.constant 0 : i32
      %dma_start3A_445 = tpu.memref_slice %arg5[%arg0, %mul3A_438, %dma_start3A_444] : memref<2x4096x128xf32, #tpu.memory_space<hbm>> -> memref<1x256x128xf32, #tpu.memory_space<hbm>>
      %dma_start3A_446 = tpu.memref_squeeze %dma_start3A_445 : memref<1x256x128xf32, #tpu.memory_space<hbm>> -> memref<256x128xf32, #tpu.memory_space<hbm>>
      %dma_start3A_447 = arith.constant 0 : i32
      %dma_start3A_448 = tpu.memref_slice %arg15[%mul3A_436, %dma_start3A_447] : memref<4096x128xf32, #tpu.memory_space<vmem_shared>> -> memref<256x128xf32, #tpu.memory_space<vmem_shared>>
      tpu.enqueue_dma source(%dma_start3A_448 : memref<256x128xf32, #tpu.memory_space<vmem_shared>>) target(%dma_start3A_446 : memref<256x128xf32, #tpu.memory_space<hbm>>) target_semaphore(%run_scoped3A : memref<!tpu.dma_semaphore, #tpu.memory_space<semaphore_mem>>)
      %dma_wait3A_449 = arith.constant 0 : i32
      %dma_wait3A_450 = tpu.memref_slice %arg5[%arg0, %mul3A_438, %dma_wait3A_449] : memref<2x4096x128xf32, #tpu.memory_space<hbm>> -> memref<1x256x128xf32, #tpu.memory_space<hbm>>
      %dma_wait3A_451 = tpu.memref_squeeze %dma_wait3A_450 : memref<1x256x128xf32, #tpu.memory_space<hbm>> -> memref<256x128xf32, #tpu.memory_space<hbm>>
      %dma_wait3A_452 = arith.constant 0 : i32
      %dma_wait3A_453 = tpu.memref_slice %arg15[%mul3A_436, %dma_wait3A_452] : memref<4096x128xf32, #tpu.memory_space<vmem_shared>> -> memref<256x128xf32, #tpu.memory_space<vmem_shared>>
      tpu.wait_dma2 semaphore(%run_scoped3A : memref<!tpu.dma_semaphore, #tpu.memory_space<semaphore_mem>>) src(%dma_wait3A_453 : memref<256x128xf32, #tpu.memory_space<vmem_shared>>) dst(%dma_wait3A_451 : memref<256x128xf32, #tpu.memory_space<hbm>>)
      tpu.yield
    }) : () -> ()
    %lt3A_439 = arith.constant 4 : i32
    %lt3A_440 = arith.cmpi slt, %arg1, %lt3A_439 : i32
    %convert_element_type3A_441 = arith.extui %lt3A_440 : i1 to i32
    %cond3A_442 = arith.constant 0 : i32
    %cond3A_443 = arith.cmpi ne, %convert_element_type3A_441, %cond3A_442 : i32
    scf.if %cond3A_443 {
      %mul3A_444 = arith.constant 1024 : i32
      %mul3A_445 = arith.muli %arg1, %mul3A_444 : i32
      "tpu.region"() ({
        %run_scoped3A = tpu.sem_alloc : memref<!tpu.dma_semaphore, #tpu.memory_space<semaphore_mem>>
        %dma_start3A_454 = tpu.memref_slice %arg16[%mul3A_445] : memref<4096xf32, #tpu.memory_space<vmem_shared>> -> memref<1024xf32, #tpu.memory_space<vmem_shared>>
        %dma_start3A_455 = tpu.memref_slice %arg16[%mul3A_445] : memref<4096xf32, #tpu.memory_space<vmem_shared>> -> memref<1024xf32, #tpu.memory_space<vmem_shared>>
        tpu.enqueue_dma source(%dma_start3A_455 : memref<1024xf32, #tpu.memory_space<vmem_shared>>) target(%arg13 : memref<1024xf32, #tpu.memory_space<vmem>>) target_semaphore(%run_scoped3A : memref<!tpu.dma_semaphore, #tpu.memory_space<semaphore_mem>>)
        %dma_wait3A_456 = tpu.memref_slice %arg16[%mul3A_445] : memref<4096xf32, #tpu.memory_space<vmem_shared>> -> memref<1024xf32, #tpu.memory_space<vmem_shared>>
        %dma_wait3A_457 = tpu.memref_slice %arg16[%mul3A_445] : memref<4096xf32, #tpu.memory_space<vmem_shared>> -> memref<1024xf32, #tpu.memory_space<vmem_shared>>
        tpu.wait_dma2 semaphore(%run_scoped3A : memref<!tpu.dma_semaphore, #tpu.memory_space<semaphore_mem>>) src(%dma_wait3A_457 : memref<1024xf32, #tpu.memory_space<vmem_shared>>) dst(%arg13 : memref<1024xf32, #tpu.memory_space<vmem>>)
        tpu.yield
      }) : () -> ()
      %scan3A_446 = arith.constant 0 : i32
      %scan3A_447 = arith.constant 0 : i32
      %scan3A_448 = arith.constant 64 : i32
      %scan3A_449 = arith.addi %scan3A_447, %scan3A_448 : i32
      %scan3A_450 = arith.constant 1 : i32
      scf.for %scan3A_454 = %scan3A_447 to %scan3A_449 step %scan3A_450  : i32 {
        %mul3A_455 = arith.constant 16 : i32
        %mul3A_456 = arith.muli %scan3A_454, %mul3A_455 : i32
        %get3A = arith.index_cast %mul3A_456 : i32 to index
        %get3A_457 = tpu.vector_load %arg13[%get3A] {strides = array<i32>} : memref<1024xf32, #tpu.memory_space<vmem>>, vector<16xf32>,
        %get3A_458 = vector.shape_cast %get3A_457 : vector<16xf32> to vector<16xf32>
        %shift_right_arithmetic3A = arith.constant 3 : i32
        %shift_right_arithmetic3A_459 = arith.shrsi %scan3A_454, %shift_right_arithmetic3A : i32
        %and3A = arith.constant 7 : i32
        %and3A_460 = arith.andi %scan3A_454, %and3A : i32
        %mul3A_461 = arith.constant 16 : i32
        %mul3A_462 = arith.muli %and3A_460, %mul3A_461 : i32
        %swap3A_463 = arith.index_cast %shift_right_arithmetic3A_459 : i32 to index
        %swap3A_464 = arith.index_cast %mul3A_462 : i32 to index
        %swap3A_465 = tpu.vector_load %arg12[%swap3A_463, %swap3A_464] {strides = array<i32>} : memref<8x128xf32, #tpu.memory_space<vmem>>, vector<1x16xf32>,
        %swap3A_466 = vector.shape_cast %swap3A_465 : vector<1x16xf32> to vector<16xf32>
        %swap3A_467 = vector.shape_cast %get3A_458 : vector<16xf32> to vector<1x16xf32>
        tpu.vector_store %arg12[%swap3A_463, %swap3A_464], %swap3A_467 {strides = array<i32>} : memref<8x128xf32, #tpu.memory_space<vmem>>, vector<1x16xf32>,
      }
      %scan3A_451 = arith.constant 64 : i32
      %mul3A_452 = arith.constant 8 : i32
      %mul3A_453 = arith.muli %arg1, %mul3A_452 : i32
      "tpu.region"() ({
        %run_scoped3A = tpu.sem_alloc : memref<!tpu.dma_semaphore, #tpu.memory_space<semaphore_mem>>
        %dma_start3A_454 = arith.constant 0 : i32
        %dma_start3A_455 = tpu.memref_slice %arg6[%arg0, %mul3A_453, %dma_start3A_454] : memref<2x32x128xf32, #tpu.memory_space<hbm>> -> memref<1x8x128xf32, #tpu.memory_space<hbm>>
        %dma_start3A_456 = tpu.memref_squeeze %dma_start3A_455 : memref<1x8x128xf32, #tpu.memory_space<hbm>> -> memref<8x128xf32, #tpu.memory_space<hbm>>
        %dma_start3A_457 = arith.constant 0 : i32
        %dma_start3A_458 = tpu.memref_slice %arg6[%arg0, %mul3A_453, %dma_start3A_457] : memref<2x32x128xf32, #tpu.memory_space<hbm>> -> memref<1x8x128xf32, #tpu.memory_space<hbm>>
        %dma_start3A_459 = tpu.memref_squeeze %dma_start3A_458 : memref<1x8x128xf32, #tpu.memory_space<hbm>> -> memref<8x128xf32, #tpu.memory_space<hbm>>
        tpu.enqueue_dma source(%arg12 : memref<8x128xf32, #tpu.memory_space<vmem>>) target(%dma_start3A_459 : memref<8x128xf32, #tpu.memory_space<hbm>>) target_semaphore(%run_scoped3A : memref<!tpu.dma_semaphore, #tpu.memory_space<semaphore_mem>>)
        %dma_wait3A_460 = arith.constant 0 : i32
        %dma_wait3A_461 = tpu.memref_slice %arg6[%arg0, %mul3A_453, %dma_wait3A_460] : memref<2x32x128xf32, #tpu.memory_space<hbm>> -> memref<1x8x128xf32, #tpu.memory_space<hbm>>
        %dma_wait3A_462 = tpu.memref_squeeze %dma_wait3A_461 : memref<1x8x128xf32, #tpu.memory_space<hbm>> -> memref<8x128xf32, #tpu.memory_space<hbm>>
        %dma_wait3A_463 = arith.constant 0 : i32
        %dma_wait3A_464 = tpu.memref_slice %arg6[%arg0, %mul3A_453, %dma_wait3A_463] : memref<2x32x128xf32, #tpu.memory_space<hbm>> -> memref<1x8x128xf32, #tpu.memory_space<hbm>>
        %dma_wait3A_465 = tpu.memref_squeeze %dma_wait3A_464 : memref<1x8x128xf32, #tpu.memory_space<hbm>> -> memref<8x128xf32, #tpu.memory_space<hbm>>
        tpu.wait_dma2 semaphore(%run_scoped3A : memref<!tpu.dma_semaphore, #tpu.memory_space<semaphore_mem>>) src(%arg12 : memref<8x128xf32, #tpu.memory_space<vmem>>) dst(%dma_wait3A_465 : memref<8x128xf32, #tpu.memory_space<hbm>>)
        tpu.yield
      }) : () -> ()
    } else {
    }
    return
  }
}

#map = affine_map<(d0, d1) -> (0, 0)>
#map1 = affine_map<(d0, d1) -> (0, 0, 0)>
module attributes {stable_mosaic.version = 14 : i64} {
  func.func @seg_kernel(%arg0: i32, %arg1: i32, %arg2: memref<4096x128xf32, #tpu.memory_space<hbm>>, %arg3: memref<1024x128xi32, #tpu.memory_space<hbm>>, %arg4: memref<1024x128xi32, #tpu.memory_space<hbm>>, %arg5: memref<2x1024x128xf32, #tpu.memory_space<hbm>>, %arg6: memref<2x8x128xf32, #tpu.memory_space<hbm>>, %arg7: memref<64x128xi32, #tpu.memory_space<vmem>>, %arg8: memref<64x128xi32, #tpu.memory_space<vmem>>, %arg9: memref<128x128xf32, #tpu.memory_space<vmem>>, %arg10: memref<128x128xf32, #tpu.memory_space<vmem>>, %arg11: memref<128xf32, #tpu.memory_space<vmem>>, %arg12: memref<8x128xf32, #tpu.memory_space<vmem>>, %arg13: memref<1024xf32, #tpu.memory_space<vmem>>, %arg14: memref<4096x128xf32, #tpu.memory_space<vmem_shared>>, %arg15: memref<1024x128xf32, #tpu.memory_space<vmem_shared>>, %arg16: memref<1024xf32, #tpu.memory_space<vmem_shared>>, %arg17: memref<!tpu.dma_semaphore, #tpu.memory_space<semaphore_mem>>, %arg18: memref<!tpu.dma_semaphore, #tpu.memory_space<semaphore_mem>>, %arg19: memref<!tpu.dma_semaphore, #tpu.memory_space<semaphore_mem>>, %arg20: memref<!tpu.dma_semaphore, #tpu.memory_space<semaphore_mem>>, %arg21: memref<!tpu.dma_semaphore, #tpu.memory_space<semaphore_mem>>, %arg22: memref<!tpu.dma_semaphore, #tpu.memory_space<semaphore_mem>>, %arg23: memref<!tpu.dma_semaphore, #tpu.memory_space<semaphore_mem>>) attributes {dimension_semantics = [#tpu.dimension_semantics<core_parallel>, #tpu.dimension_semantics<subcore_parallel>], iteration_bounds = array<i64: 2, 16>, scalar_prefetch = 0 : i64, scratch_operands = 17 : i64, tpu.core_type = #tpu.core_type<sc_vector_subcore>, window_params = [{transform_indices = #map}, {transform_indices = #map}, {transform_indices = #map}, {transform_indices = #map1}, {transform_indices = #map1}]} {
    %broadcast_in_dim3A = arith.constant 0.000000e+00 : f32
    %broadcast_in_dim3A_0 = vector.broadcast %broadcast_in_dim3A : f32 to vector<16xf32>
    %swap3A = arith.constant 0 : i32
    %swap3A_1 = arith.index_cast %swap3A : i32 to index
    %swap3A_2 = arith.constant 0 : index
    %swap3A_3 = tpu.vector_load %arg12[%swap3A_1, %swap3A_2] {strides = array<i32>} : memref<8x128xf32, #tpu.memory_space<vmem>>, vector<1x16xf32>,
    %swap3A_4 = vector.shape_cast %swap3A_3 : vector<1x16xf32> to vector<16xf32>
    %swap3A_5 = vector.shape_cast %broadcast_in_dim3A_0 : vector<16xf32> to vector<1x16xf32>
    tpu.vector_store %arg12[%swap3A_1, %swap3A_2], %swap3A_5 {strides = array<i32>} : memref<8x128xf32, #tpu.memory_space<vmem>>, vector<1x16xf32>,
    %swap3A_6 = arith.constant 0 : i32
    %swap3A_7 = arith.index_cast %swap3A_6 : i32 to index
    %swap3A_8 = arith.constant 16 : index
    %swap3A_9 = tpu.vector_load %arg12[%swap3A_7, %swap3A_8] {strides = array<i32>} : memref<8x128xf32, #tpu.memory_space<vmem>>, vector<1x16xf32>,
    %swap3A_10 = vector.shape_cast %swap3A_9 : vector<1x16xf32> to vector<16xf32>
    %swap3A_11 = vector.shape_cast %broadcast_in_dim3A_0 : vector<16xf32> to vector<1x16xf32>
    tpu.vector_store %arg12[%swap3A_7, %swap3A_8], %swap3A_11 {strides = array<i32>} : memref<8x128xf32, #tpu.memory_space<vmem>>, vector<1x16xf32>,
    %swap3A_12 = arith.constant 0 : i32
    %swap3A_13 = arith.index_cast %swap3A_12 : i32 to index
    %swap3A_14 = arith.constant 32 : index
    %swap3A_15 = tpu.vector_load %arg12[%swap3A_13, %swap3A_14] {strides = array<i32>} : memref<8x128xf32, #tpu.memory_space<vmem>>, vector<1x16xf32>,
    %swap3A_16 = vector.shape_cast %swap3A_15 : vector<1x16xf32> to vector<16xf32>
    %swap3A_17 = vector.shape_cast %broadcast_in_dim3A_0 : vector<16xf32> to vector<1x16xf32>
    tpu.vector_store %arg12[%swap3A_13, %swap3A_14], %swap3A_17 {strides = array<i32>} : memref<8x128xf32, #tpu.memory_space<vmem>>, vector<1x16xf32>,
    %swap3A_18 = arith.constant 0 : i32
    %swap3A_19 = arith.index_cast %swap3A_18 : i32 to index
    %swap3A_20 = arith.constant 48 : index
    %swap3A_21 = tpu.vector_load %arg12[%swap3A_19, %swap3A_20] {strides = array<i32>} : memref<8x128xf32, #tpu.memory_space<vmem>>, vector<1x16xf32>,
    %swap3A_22 = vector.shape_cast %swap3A_21 : vector<1x16xf32> to vector<16xf32>
    %swap3A_23 = vector.shape_cast %broadcast_in_dim3A_0 : vector<16xf32> to vector<1x16xf32>
    tpu.vector_store %arg12[%swap3A_19, %swap3A_20], %swap3A_23 {strides = array<i32>} : memref<8x128xf32, #tpu.memory_space<vmem>>, vector<1x16xf32>,
    %swap3A_24 = arith.constant 0 : i32
    %swap3A_25 = arith.index_cast %swap3A_24 : i32 to index
    %swap3A_26 = arith.constant 64 : index
    %swap3A_27 = tpu.vector_load %arg12[%swap3A_25, %swap3A_26] {strides = array<i32>} : memref<8x128xf32, #tpu.memory_space<vmem>>, vector<1x16xf32>,
    %swap3A_28 = vector.shape_cast %swap3A_27 : vector<1x16xf32> to vector<16xf32>
    %swap3A_29 = vector.shape_cast %broadcast_in_dim3A_0 : vector<16xf32> to vector<1x16xf32>
    tpu.vector_store %arg12[%swap3A_25, %swap3A_26], %swap3A_29 {strides = array<i32>} : memref<8x128xf32, #tpu.memory_space<vmem>>, vector<1x16xf32>,
    %swap3A_30 = arith.constant 0 : i32
    %swap3A_31 = arith.index_cast %swap3A_30 : i32 to index
    %swap3A_32 = arith.constant 80 : index
    %swap3A_33 = tpu.vector_load %arg12[%swap3A_31, %swap3A_32] {strides = array<i32>} : memref<8x128xf32, #tpu.memory_space<vmem>>, vector<1x16xf32>,
    %swap3A_34 = vector.shape_cast %swap3A_33 : vector<1x16xf32> to vector<16xf32>
    %swap3A_35 = vector.shape_cast %broadcast_in_dim3A_0 : vector<16xf32> to vector<1x16xf32>
    tpu.vector_store %arg12[%swap3A_31, %swap3A_32], %swap3A_35 {strides = array<i32>} : memref<8x128xf32, #tpu.memory_space<vmem>>, vector<1x16xf32>,
    %swap3A_36 = arith.constant 0 : i32
    %swap3A_37 = arith.index_cast %swap3A_36 : i32 to index
    %swap3A_38 = arith.constant 96 : index
    %swap3A_39 = tpu.vector_load %arg12[%swap3A_37, %swap3A_38] {strides = array<i32>} : memref<8x128xf32, #tpu.memory_space<vmem>>, vector<1x16xf32>,
    %swap3A_40 = vector.shape_cast %swap3A_39 : vector<1x16xf32> to vector<16xf32>
    %swap3A_41 = vector.shape_cast %broadcast_in_dim3A_0 : vector<16xf32> to vector<1x16xf32>
    tpu.vector_store %arg12[%swap3A_37, %swap3A_38], %swap3A_41 {strides = array<i32>} : memref<8x128xf32, #tpu.memory_space<vmem>>, vector<1x16xf32>,
    %swap3A_42 = arith.constant 0 : i32
    %swap3A_43 = arith.index_cast %swap3A_42 : i32 to index
    %swap3A_44 = arith.constant 112 : index
    %swap3A_45 = tpu.vector_load %arg12[%swap3A_43, %swap3A_44] {strides = array<i32>} : memref<8x128xf32, #tpu.memory_space<vmem>>, vector<1x16xf32>,
    %swap3A_46 = vector.shape_cast %swap3A_45 : vector<1x16xf32> to vector<16xf32>
    %swap3A_47 = vector.shape_cast %broadcast_in_dim3A_0 : vector<16xf32> to vector<1x16xf32>
    tpu.vector_store %arg12[%swap3A_43, %swap3A_44], %swap3A_47 {strides = array<i32>} : memref<8x128xf32, #tpu.memory_space<vmem>>, vector<1x16xf32>,
    %swap3A_48 = arith.constant 1 : i32
    %swap3A_49 = arith.index_cast %swap3A_48 : i32 to index
    %swap3A_50 = arith.constant 0 : index
    %swap3A_51 = tpu.vector_load %arg12[%swap3A_49, %swap3A_50] {strides = array<i32>} : memref<8x128xf32, #tpu.memory_space<vmem>>, vector<1x16xf32>,
    %swap3A_52 = vector.shape_cast %swap3A_51 : vector<1x16xf32> to vector<16xf32>
    %swap3A_53 = vector.shape_cast %broadcast_in_dim3A_0 : vector<16xf32> to vector<1x16xf32>
    tpu.vector_store %arg12[%swap3A_49, %swap3A_50], %swap3A_53 {strides = array<i32>} : memref<8x128xf32, #tpu.memory_space<vmem>>, vector<1x16xf32>,
    %swap3A_54 = arith.constant 1 : i32
    %swap3A_55 = arith.index_cast %swap3A_54 : i32 to index
    %swap3A_56 = arith.constant 16 : index
    %swap3A_57 = tpu.vector_load %arg12[%swap3A_55, %swap3A_56] {strides = array<i32>} : memref<8x128xf32, #tpu.memory_space<vmem>>, vector<1x16xf32>,
    %swap3A_58 = vector.shape_cast %swap3A_57 : vector<1x16xf32> to vector<16xf32>
    %swap3A_59 = vector.shape_cast %broadcast_in_dim3A_0 : vector<16xf32> to vector<1x16xf32>
    tpu.vector_store %arg12[%swap3A_55, %swap3A_56], %swap3A_59 {strides = array<i32>} : memref<8x128xf32, #tpu.memory_space<vmem>>, vector<1x16xf32>,
    %swap3A_60 = arith.constant 1 : i32
    %swap3A_61 = arith.index_cast %swap3A_60 : i32 to index
    %swap3A_62 = arith.constant 32 : index
    %swap3A_63 = tpu.vector_load %arg12[%swap3A_61, %swap3A_62] {strides = array<i32>} : memref<8x128xf32, #tpu.memory_space<vmem>>, vector<1x16xf32>,
    %swap3A_64 = vector.shape_cast %swap3A_63 : vector<1x16xf32> to vector<16xf32>
    %swap3A_65 = vector.shape_cast %broadcast_in_dim3A_0 : vector<16xf32> to vector<1x16xf32>
    tpu.vector_store %arg12[%swap3A_61, %swap3A_62], %swap3A_65 {strides = array<i32>} : memref<8x128xf32, #tpu.memory_space<vmem>>, vector<1x16xf32>,
    %swap3A_66 = arith.constant 1 : i32
    %swap3A_67 = arith.index_cast %swap3A_66 : i32 to index
    %swap3A_68 = arith.constant 48 : index
    %swap3A_69 = tpu.vector_load %arg12[%swap3A_67, %swap3A_68] {strides = array<i32>} : memref<8x128xf32, #tpu.memory_space<vmem>>, vector<1x16xf32>,
    %swap3A_70 = vector.shape_cast %swap3A_69 : vector<1x16xf32> to vector<16xf32>
    %swap3A_71 = vector.shape_cast %broadcast_in_dim3A_0 : vector<16xf32> to vector<1x16xf32>
    tpu.vector_store %arg12[%swap3A_67, %swap3A_68], %swap3A_71 {strides = array<i32>} : memref<8x128xf32, #tpu.memory_space<vmem>>, vector<1x16xf32>,
    %swap3A_72 = arith.constant 1 : i32
    %swap3A_73 = arith.index_cast %swap3A_72 : i32 to index
    %swap3A_74 = arith.constant 64 : index
    %swap3A_75 = tpu.vector_load %arg12[%swap3A_73, %swap3A_74] {strides = array<i32>} : memref<8x128xf32, #tpu.memory_space<vmem>>, vector<1x16xf32>,
    %swap3A_76 = vector.shape_cast %swap3A_75 : vector<1x16xf32> to vector<16xf32>
    %swap3A_77 = vector.shape_cast %broadcast_in_dim3A_0 : vector<16xf32> to vector<1x16xf32>
    tpu.vector_store %arg12[%swap3A_73, %swap3A_74], %swap3A_77 {strides = array<i32>} : memref<8x128xf32, #tpu.memory_space<vmem>>, vector<1x16xf32>,
    %swap3A_78 = arith.constant 1 : i32
    %swap3A_79 = arith.index_cast %swap3A_78 : i32 to index
    %swap3A_80 = arith.constant 80 : index
    %swap3A_81 = tpu.vector_load %arg12[%swap3A_79, %swap3A_80] {strides = array<i32>} : memref<8x128xf32, #tpu.memory_space<vmem>>, vector<1x16xf32>,
    %swap3A_82 = vector.shape_cast %swap3A_81 : vector<1x16xf32> to vector<16xf32>
    %swap3A_83 = vector.shape_cast %broadcast_in_dim3A_0 : vector<16xf32> to vector<1x16xf32>
    tpu.vector_store %arg12[%swap3A_79, %swap3A_80], %swap3A_83 {strides = array<i32>} : memref<8x128xf32, #tpu.memory_space<vmem>>, vector<1x16xf32>,
    %swap3A_84 = arith.constant 1 : i32
    %swap3A_85 = arith.index_cast %swap3A_84 : i32 to index
    %swap3A_86 = arith.constant 96 : index
    %swap3A_87 = tpu.vector_load %arg12[%swap3A_85, %swap3A_86] {strides = array<i32>} : memref<8x128xf32, #tpu.memory_space<vmem>>, vector<1x16xf32>,
    %swap3A_88 = vector.shape_cast %swap3A_87 : vector<1x16xf32> to vector<16xf32>
    %swap3A_89 = vector.shape_cast %broadcast_in_dim3A_0 : vector<16xf32> to vector<1x16xf32>
    tpu.vector_store %arg12[%swap3A_85, %swap3A_86], %swap3A_89 {strides = array<i32>} : memref<8x128xf32, #tpu.memory_space<vmem>>, vector<1x16xf32>,
    %swap3A_90 = arith.constant 1 : i32
    %swap3A_91 = arith.index_cast %swap3A_90 : i32 to index
    %swap3A_92 = arith.constant 112 : index
    %swap3A_93 = tpu.vector_load %arg12[%swap3A_91, %swap3A_92] {strides = array<i32>} : memref<8x128xf32, #tpu.memory_space<vmem>>, vector<1x16xf32>,
    %swap3A_94 = vector.shape_cast %swap3A_93 : vector<1x16xf32> to vector<16xf32>
    %swap3A_95 = vector.shape_cast %broadcast_in_dim3A_0 : vector<16xf32> to vector<1x16xf32>
    tpu.vector_store %arg12[%swap3A_91, %swap3A_92], %swap3A_95 {strides = array<i32>} : memref<8x128xf32, #tpu.memory_space<vmem>>, vector<1x16xf32>,
    %swap3A_96 = arith.constant 2 : i32
    %swap3A_97 = arith.index_cast %swap3A_96 : i32 to index
    %swap3A_98 = arith.constant 0 : index
    %swap3A_99 = tpu.vector_load %arg12[%swap3A_97, %swap3A_98] {strides = array<i32>} : memref<8x128xf32, #tpu.memory_space<vmem>>, vector<1x16xf32>,
    %swap3A_100 = vector.shape_cast %swap3A_99 : vector<1x16xf32> to vector<16xf32>
    %swap3A_101 = vector.shape_cast %broadcast_in_dim3A_0 : vector<16xf32> to vector<1x16xf32>
    tpu.vector_store %arg12[%swap3A_97, %swap3A_98], %swap3A_101 {strides = array<i32>} : memref<8x128xf32, #tpu.memory_space<vmem>>, vector<1x16xf32>,
    %swap3A_102 = arith.constant 2 : i32
    %swap3A_103 = arith.index_cast %swap3A_102 : i32 to index
    %swap3A_104 = arith.constant 16 : index
    %swap3A_105 = tpu.vector_load %arg12[%swap3A_103, %swap3A_104] {strides = array<i32>} : memref<8x128xf32, #tpu.memory_space<vmem>>, vector<1x16xf32>,
    %swap3A_106 = vector.shape_cast %swap3A_105 : vector<1x16xf32> to vector<16xf32>
    %swap3A_107 = vector.shape_cast %broadcast_in_dim3A_0 : vector<16xf32> to vector<1x16xf32>
    tpu.vector_store %arg12[%swap3A_103, %swap3A_104], %swap3A_107 {strides = array<i32>} : memref<8x128xf32, #tpu.memory_space<vmem>>, vector<1x16xf32>,
    %swap3A_108 = arith.constant 2 : i32
    %swap3A_109 = arith.index_cast %swap3A_108 : i32 to index
    %swap3A_110 = arith.constant 32 : index
    %swap3A_111 = tpu.vector_load %arg12[%swap3A_109, %swap3A_110] {strides = array<i32>} : memref<8x128xf32, #tpu.memory_space<vmem>>, vector<1x16xf32>,
    %swap3A_112 = vector.shape_cast %swap3A_111 : vector<1x16xf32> to vector<16xf32>
    %swap3A_113 = vector.shape_cast %broadcast_in_dim3A_0 : vector<16xf32> to vector<1x16xf32>
    tpu.vector_store %arg12[%swap3A_109, %swap3A_110], %swap3A_113 {strides = array<i32>} : memref<8x128xf32, #tpu.memory_space<vmem>>, vector<1x16xf32>,
    %swap3A_114 = arith.constant 2 : i32
    %swap3A_115 = arith.index_cast %swap3A_114 : i32 to index
    %swap3A_116 = arith.constant 48 : index
    %swap3A_117 = tpu.vector_load %arg12[%swap3A_115, %swap3A_116] {strides = array<i32>} : memref<8x128xf32, #tpu.memory_space<vmem>>, vector<1x16xf32>,
    %swap3A_118 = vector.shape_cast %swap3A_117 : vector<1x16xf32> to vector<16xf32>
    %swap3A_119 = vector.shape_cast %broadcast_in_dim3A_0 : vector<16xf32> to vector<1x16xf32>
    tpu.vector_store %arg12[%swap3A_115, %swap3A_116], %swap3A_119 {strides = array<i32>} : memref<8x128xf32, #tpu.memory_space<vmem>>, vector<1x16xf32>,
    %swap3A_120 = arith.constant 2 : i32
    %swap3A_121 = arith.index_cast %swap3A_120 : i32 to index
    %swap3A_122 = arith.constant 64 : index
    %swap3A_123 = tpu.vector_load %arg12[%swap3A_121, %swap3A_122] {strides = array<i32>} : memref<8x128xf32, #tpu.memory_space<vmem>>, vector<1x16xf32>,
    %swap3A_124 = vector.shape_cast %swap3A_123 : vector<1x16xf32> to vector<16xf32>
    %swap3A_125 = vector.shape_cast %broadcast_in_dim3A_0 : vector<16xf32> to vector<1x16xf32>
    tpu.vector_store %arg12[%swap3A_121, %swap3A_122], %swap3A_125 {strides = array<i32>} : memref<8x128xf32, #tpu.memory_space<vmem>>, vector<1x16xf32>,
    %swap3A_126 = arith.constant 2 : i32
    %swap3A_127 = arith.index_cast %swap3A_126 : i32 to index
    %swap3A_128 = arith.constant 80 : index
    %swap3A_129 = tpu.vector_load %arg12[%swap3A_127, %swap3A_128] {strides = array<i32>} : memref<8x128xf32, #tpu.memory_space<vmem>>, vector<1x16xf32>,
    %swap3A_130 = vector.shape_cast %swap3A_129 : vector<1x16xf32> to vector<16xf32>
    %swap3A_131 = vector.shape_cast %broadcast_in_dim3A_0 : vector<16xf32> to vector<1x16xf32>
    tpu.vector_store %arg12[%swap3A_127, %swap3A_128], %swap3A_131 {strides = array<i32>} : memref<8x128xf32, #tpu.memory_space<vmem>>, vector<1x16xf32>,
    %swap3A_132 = arith.constant 2 : i32
    %swap3A_133 = arith.index_cast %swap3A_132 : i32 to index
    %swap3A_134 = arith.constant 96 : index
    %swap3A_135 = tpu.vector_load %arg12[%swap3A_133, %swap3A_134] {strides = array<i32>} : memref<8x128xf32, #tpu.memory_space<vmem>>, vector<1x16xf32>,
    %swap3A_136 = vector.shape_cast %swap3A_135 : vector<1x16xf32> to vector<16xf32>
    %swap3A_137 = vector.shape_cast %broadcast_in_dim3A_0 : vector<16xf32> to vector<1x16xf32>
    tpu.vector_store %arg12[%swap3A_133, %swap3A_134], %swap3A_137 {strides = array<i32>} : memref<8x128xf32, #tpu.memory_space<vmem>>, vector<1x16xf32>,
    %swap3A_138 = arith.constant 2 : i32
    %swap3A_139 = arith.index_cast %swap3A_138 : i32 to index
    %swap3A_140 = arith.constant 112 : index
    %swap3A_141 = tpu.vector_load %arg12[%swap3A_139, %swap3A_140] {strides = array<i32>} : memref<8x128xf32, #tpu.memory_space<vmem>>, vector<1x16xf32>,
    %swap3A_142 = vector.shape_cast %swap3A_141 : vector<1x16xf32> to vector<16xf32>
    %swap3A_143 = vector.shape_cast %broadcast_in_dim3A_0 : vector<16xf32> to vector<1x16xf32>
    tpu.vector_store %arg12[%swap3A_139, %swap3A_140], %swap3A_143 {strides = array<i32>} : memref<8x128xf32, #tpu.memory_space<vmem>>, vector<1x16xf32>,
    %swap3A_144 = arith.constant 3 : i32
    %swap3A_145 = arith.index_cast %swap3A_144 : i32 to index
    %swap3A_146 = arith.constant 0 : index
    %swap3A_147 = tpu.vector_load %arg12[%swap3A_145, %swap3A_146] {strides = array<i32>} : memref<8x128xf32, #tpu.memory_space<vmem>>, vector<1x16xf32>,
    %swap3A_148 = vector.shape_cast %swap3A_147 : vector<1x16xf32> to vector<16xf32>
    %swap3A_149 = vector.shape_cast %broadcast_in_dim3A_0 : vector<16xf32> to vector<1x16xf32>
    tpu.vector_store %arg12[%swap3A_145, %swap3A_146], %swap3A_149 {strides = array<i32>} : memref<8x128xf32, #tpu.memory_space<vmem>>, vector<1x16xf32>,
    %swap3A_150 = arith.constant 3 : i32
    %swap3A_151 = arith.index_cast %swap3A_150 : i32 to index
    %swap3A_152 = arith.constant 16 : index
    %swap3A_153 = tpu.vector_load %arg12[%swap3A_151, %swap3A_152] {strides = array<i32>} : memref<8x128xf32, #tpu.memory_space<vmem>>, vector<1x16xf32>,
    %swap3A_154 = vector.shape_cast %swap3A_153 : vector<1x16xf32> to vector<16xf32>
    %swap3A_155 = vector.shape_cast %broadcast_in_dim3A_0 : vector<16xf32> to vector<1x16xf32>
    tpu.vector_store %arg12[%swap3A_151, %swap3A_152], %swap3A_155 {strides = array<i32>} : memref<8x128xf32, #tpu.memory_space<vmem>>, vector<1x16xf32>,
    %swap3A_156 = arith.constant 3 : i32
    %swap3A_157 = arith.index_cast %swap3A_156 : i32 to index
    %swap3A_158 = arith.constant 32 : index
    %swap3A_159 = tpu.vector_load %arg12[%swap3A_157, %swap3A_158] {strides = array<i32>} : memref<8x128xf32, #tpu.memory_space<vmem>>, vector<1x16xf32>,
    %swap3A_160 = vector.shape_cast %swap3A_159 : vector<1x16xf32> to vector<16xf32>
    %swap3A_161 = vector.shape_cast %broadcast_in_dim3A_0 : vector<16xf32> to vector<1x16xf32>
    tpu.vector_store %arg12[%swap3A_157, %swap3A_158], %swap3A_161 {strides = array<i32>} : memref<8x128xf32, #tpu.memory_space<vmem>>, vector<1x16xf32>,
    %swap3A_162 = arith.constant 3 : i32
    %swap3A_163 = arith.index_cast %swap3A_162 : i32 to index
    %swap3A_164 = arith.constant 48 : index
    %swap3A_165 = tpu.vector_load %arg12[%swap3A_163, %swap3A_164] {strides = array<i32>} : memref<8x128xf32, #tpu.memory_space<vmem>>, vector<1x16xf32>,
    %swap3A_166 = vector.shape_cast %swap3A_165 : vector<1x16xf32> to vector<16xf32>
    %swap3A_167 = vector.shape_cast %broadcast_in_dim3A_0 : vector<16xf32> to vector<1x16xf32>
    tpu.vector_store %arg12[%swap3A_163, %swap3A_164], %swap3A_167 {strides = array<i32>} : memref<8x128xf32, #tpu.memory_space<vmem>>, vector<1x16xf32>,
    %swap3A_168 = arith.constant 3 : i32
    %swap3A_169 = arith.index_cast %swap3A_168 : i32 to index
    %swap3A_170 = arith.constant 64 : index
    %swap3A_171 = tpu.vector_load %arg12[%swap3A_169, %swap3A_170] {strides = array<i32>} : memref<8x128xf32, #tpu.memory_space<vmem>>, vector<1x16xf32>,
    %swap3A_172 = vector.shape_cast %swap3A_171 : vector<1x16xf32> to vector<16xf32>
    %swap3A_173 = vector.shape_cast %broadcast_in_dim3A_0 : vector<16xf32> to vector<1x16xf32>
    tpu.vector_store %arg12[%swap3A_169, %swap3A_170], %swap3A_173 {strides = array<i32>} : memref<8x128xf32, #tpu.memory_space<vmem>>, vector<1x16xf32>,
    %swap3A_174 = arith.constant 3 : i32
    %swap3A_175 = arith.index_cast %swap3A_174 : i32 to index
    %swap3A_176 = arith.constant 80 : index
    %swap3A_177 = tpu.vector_load %arg12[%swap3A_175, %swap3A_176] {strides = array<i32>} : memref<8x128xf32, #tpu.memory_space<vmem>>, vector<1x16xf32>,
    %swap3A_178 = vector.shape_cast %swap3A_177 : vector<1x16xf32> to vector<16xf32>
    %swap3A_179 = vector.shape_cast %broadcast_in_dim3A_0 : vector<16xf32> to vector<1x16xf32>
    tpu.vector_store %arg12[%swap3A_175, %swap3A_176], %swap3A_179 {strides = array<i32>} : memref<8x128xf32, #tpu.memory_space<vmem>>, vector<1x16xf32>,
    %swap3A_180 = arith.constant 3 : i32
    %swap3A_181 = arith.index_cast %swap3A_180 : i32 to index
    %swap3A_182 = arith.constant 96 : index
    %swap3A_183 = tpu.vector_load %arg12[%swap3A_181, %swap3A_182] {strides = array<i32>} : memref<8x128xf32, #tpu.memory_space<vmem>>, vector<1x16xf32>,
    %swap3A_184 = vector.shape_cast %swap3A_183 : vector<1x16xf32> to vector<16xf32>
    %swap3A_185 = vector.shape_cast %broadcast_in_dim3A_0 : vector<16xf32> to vector<1x16xf32>
    tpu.vector_store %arg12[%swap3A_181, %swap3A_182], %swap3A_185 {strides = array<i32>} : memref<8x128xf32, #tpu.memory_space<vmem>>, vector<1x16xf32>,
    %swap3A_186 = arith.constant 3 : i32
    %swap3A_187 = arith.index_cast %swap3A_186 : i32 to index
    %swap3A_188 = arith.constant 112 : index
    %swap3A_189 = tpu.vector_load %arg12[%swap3A_187, %swap3A_188] {strides = array<i32>} : memref<8x128xf32, #tpu.memory_space<vmem>>, vector<1x16xf32>,
    %swap3A_190 = vector.shape_cast %swap3A_189 : vector<1x16xf32> to vector<16xf32>
    %swap3A_191 = vector.shape_cast %broadcast_in_dim3A_0 : vector<16xf32> to vector<1x16xf32>
    tpu.vector_store %arg12[%swap3A_187, %swap3A_188], %swap3A_191 {strides = array<i32>} : memref<8x128xf32, #tpu.memory_space<vmem>>, vector<1x16xf32>,
    %swap3A_192 = arith.constant 4 : i32
    %swap3A_193 = arith.index_cast %swap3A_192 : i32 to index
    %swap3A_194 = arith.constant 0 : index
    %swap3A_195 = tpu.vector_load %arg12[%swap3A_193, %swap3A_194] {strides = array<i32>} : memref<8x128xf32, #tpu.memory_space<vmem>>, vector<1x16xf32>,
    %swap3A_196 = vector.shape_cast %swap3A_195 : vector<1x16xf32> to vector<16xf32>
    %swap3A_197 = vector.shape_cast %broadcast_in_dim3A_0 : vector<16xf32> to vector<1x16xf32>
    tpu.vector_store %arg12[%swap3A_193, %swap3A_194], %swap3A_197 {strides = array<i32>} : memref<8x128xf32, #tpu.memory_space<vmem>>, vector<1x16xf32>,
    %swap3A_198 = arith.constant 4 : i32
    %swap3A_199 = arith.index_cast %swap3A_198 : i32 to index
    %swap3A_200 = arith.constant 16 : index
    %swap3A_201 = tpu.vector_load %arg12[%swap3A_199, %swap3A_200] {strides = array<i32>} : memref<8x128xf32, #tpu.memory_space<vmem>>, vector<1x16xf32>,
    %swap3A_202 = vector.shape_cast %swap3A_201 : vector<1x16xf32> to vector<16xf32>
    %swap3A_203 = vector.shape_cast %broadcast_in_dim3A_0 : vector<16xf32> to vector<1x16xf32>
    tpu.vector_store %arg12[%swap3A_199, %swap3A_200], %swap3A_203 {strides = array<i32>} : memref<8x128xf32, #tpu.memory_space<vmem>>, vector<1x16xf32>,
    %swap3A_204 = arith.constant 4 : i32
    %swap3A_205 = arith.index_cast %swap3A_204 : i32 to index
    %swap3A_206 = arith.constant 32 : index
    %swap3A_207 = tpu.vector_load %arg12[%swap3A_205, %swap3A_206] {strides = array<i32>} : memref<8x128xf32, #tpu.memory_space<vmem>>, vector<1x16xf32>,
    %swap3A_208 = vector.shape_cast %swap3A_207 : vector<1x16xf32> to vector<16xf32>
    %swap3A_209 = vector.shape_cast %broadcast_in_dim3A_0 : vector<16xf32> to vector<1x16xf32>
    tpu.vector_store %arg12[%swap3A_205, %swap3A_206], %swap3A_209 {strides = array<i32>} : memref<8x128xf32, #tpu.memory_space<vmem>>, vector<1x16xf32>,
    %swap3A_210 = arith.constant 4 : i32
    %swap3A_211 = arith.index_cast %swap3A_210 : i32 to index
    %swap3A_212 = arith.constant 48 : index
    %swap3A_213 = tpu.vector_load %arg12[%swap3A_211, %swap3A_212] {strides = array<i32>} : memref<8x128xf32, #tpu.memory_space<vmem>>, vector<1x16xf32>,
    %swap3A_214 = vector.shape_cast %swap3A_213 : vector<1x16xf32> to vector<16xf32>
    %swap3A_215 = vector.shape_cast %broadcast_in_dim3A_0 : vector<16xf32> to vector<1x16xf32>
    tpu.vector_store %arg12[%swap3A_211, %swap3A_212], %swap3A_215 {strides = array<i32>} : memref<8x128xf32, #tpu.memory_space<vmem>>, vector<1x16xf32>,
    %swap3A_216 = arith.constant 4 : i32
    %swap3A_217 = arith.index_cast %swap3A_216 : i32 to index
    %swap3A_218 = arith.constant 64 : index
    %swap3A_219 = tpu.vector_load %arg12[%swap3A_217, %swap3A_218] {strides = array<i32>} : memref<8x128xf32, #tpu.memory_space<vmem>>, vector<1x16xf32>,
    %swap3A_220 = vector.shape_cast %swap3A_219 : vector<1x16xf32> to vector<16xf32>
    %swap3A_221 = vector.shape_cast %broadcast_in_dim3A_0 : vector<16xf32> to vector<1x16xf32>
    tpu.vector_store %arg12[%swap3A_217, %swap3A_218], %swap3A_221 {strides = array<i32>} : memref<8x128xf32, #tpu.memory_space<vmem>>, vector<1x16xf32>,
    %swap3A_222 = arith.constant 4 : i32
    %swap3A_223 = arith.index_cast %swap3A_222 : i32 to index
    %swap3A_224 = arith.constant 80 : index
    %swap3A_225 = tpu.vector_load %arg12[%swap3A_223, %swap3A_224] {strides = array<i32>} : memref<8x128xf32, #tpu.memory_space<vmem>>, vector<1x16xf32>,
    %swap3A_226 = vector.shape_cast %swap3A_225 : vector<1x16xf32> to vector<16xf32>
    %swap3A_227 = vector.shape_cast %broadcast_in_dim3A_0 : vector<16xf32> to vector<1x16xf32>
    tpu.vector_store %arg12[%swap3A_223, %swap3A_224], %swap3A_227 {strides = array<i32>} : memref<8x128xf32, #tpu.memory_space<vmem>>, vector<1x16xf32>,
    %swap3A_228 = arith.constant 4 : i32
    %swap3A_229 = arith.index_cast %swap3A_228 : i32 to index
    %swap3A_230 = arith.constant 96 : index
    %swap3A_231 = tpu.vector_load %arg12[%swap3A_229, %swap3A_230] {strides = array<i32>} : memref<8x128xf32, #tpu.memory_space<vmem>>, vector<1x16xf32>,
    %swap3A_232 = vector.shape_cast %swap3A_231 : vector<1x16xf32> to vector<16xf32>
    %swap3A_233 = vector.shape_cast %broadcast_in_dim3A_0 : vector<16xf32> to vector<1x16xf32>
    tpu.vector_store %arg12[%swap3A_229, %swap3A_230], %swap3A_233 {strides = array<i32>} : memref<8x128xf32, #tpu.memory_space<vmem>>, vector<1x16xf32>,
    %swap3A_234 = arith.constant 4 : i32
    %swap3A_235 = arith.index_cast %swap3A_234 : i32 to index
    %swap3A_236 = arith.constant 112 : index
    %swap3A_237 = tpu.vector_load %arg12[%swap3A_235, %swap3A_236] {strides = array<i32>} : memref<8x128xf32, #tpu.memory_space<vmem>>, vector<1x16xf32>,
    %swap3A_238 = vector.shape_cast %swap3A_237 : vector<1x16xf32> to vector<16xf32>
    %swap3A_239 = vector.shape_cast %broadcast_in_dim3A_0 : vector<16xf32> to vector<1x16xf32>
    tpu.vector_store %arg12[%swap3A_235, %swap3A_236], %swap3A_239 {strides = array<i32>} : memref<8x128xf32, #tpu.memory_space<vmem>>, vector<1x16xf32>,
    %swap3A_240 = arith.constant 5 : i32
    %swap3A_241 = arith.index_cast %swap3A_240 : i32 to index
    %swap3A_242 = arith.constant 0 : index
    %swap3A_243 = tpu.vector_load %arg12[%swap3A_241, %swap3A_242] {strides = array<i32>} : memref<8x128xf32, #tpu.memory_space<vmem>>, vector<1x16xf32>,
    %swap3A_244 = vector.shape_cast %swap3A_243 : vector<1x16xf32> to vector<16xf32>
    %swap3A_245 = vector.shape_cast %broadcast_in_dim3A_0 : vector<16xf32> to vector<1x16xf32>
    tpu.vector_store %arg12[%swap3A_241, %swap3A_242], %swap3A_245 {strides = array<i32>} : memref<8x128xf32, #tpu.memory_space<vmem>>, vector<1x16xf32>,
    %swap3A_246 = arith.constant 5 : i32
    %swap3A_247 = arith.index_cast %swap3A_246 : i32 to index
    %swap3A_248 = arith.constant 16 : index
    %swap3A_249 = tpu.vector_load %arg12[%swap3A_247, %swap3A_248] {strides = array<i32>} : memref<8x128xf32, #tpu.memory_space<vmem>>, vector<1x16xf32>,
    %swap3A_250 = vector.shape_cast %swap3A_249 : vector<1x16xf32> to vector<16xf32>
    %swap3A_251 = vector.shape_cast %broadcast_in_dim3A_0 : vector<16xf32> to vector<1x16xf32>
    tpu.vector_store %arg12[%swap3A_247, %swap3A_248], %swap3A_251 {strides = array<i32>} : memref<8x128xf32, #tpu.memory_space<vmem>>, vector<1x16xf32>,
    %swap3A_252 = arith.constant 5 : i32
    %swap3A_253 = arith.index_cast %swap3A_252 : i32 to index
    %swap3A_254 = arith.constant 32 : index
    %swap3A_255 = tpu.vector_load %arg12[%swap3A_253, %swap3A_254] {strides = array<i32>} : memref<8x128xf32, #tpu.memory_space<vmem>>, vector<1x16xf32>,
    %swap3A_256 = vector.shape_cast %swap3A_255 : vector<1x16xf32> to vector<16xf32>
    %swap3A_257 = vector.shape_cast %broadcast_in_dim3A_0 : vector<16xf32> to vector<1x16xf32>
    tpu.vector_store %arg12[%swap3A_253, %swap3A_254], %swap3A_257 {strides = array<i32>} : memref<8x128xf32, #tpu.memory_space<vmem>>, vector<1x16xf32>,
    %swap3A_258 = arith.constant 5 : i32
    %swap3A_259 = arith.index_cast %swap3A_258 : i32 to index
    %swap3A_260 = arith.constant 48 : index
    %swap3A_261 = tpu.vector_load %arg12[%swap3A_259, %swap3A_260] {strides = array<i32>} : memref<8x128xf32, #tpu.memory_space<vmem>>, vector<1x16xf32>,
    %swap3A_262 = vector.shape_cast %swap3A_261 : vector<1x16xf32> to vector<16xf32>
    %swap3A_263 = vector.shape_cast %broadcast_in_dim3A_0 : vector<16xf32> to vector<1x16xf32>
    tpu.vector_store %arg12[%swap3A_259, %swap3A_260], %swap3A_263 {strides = array<i32>} : memref<8x128xf32, #tpu.memory_space<vmem>>, vector<1x16xf32>,
    %swap3A_264 = arith.constant 5 : i32
    %swap3A_265 = arith.index_cast %swap3A_264 : i32 to index
    %swap3A_266 = arith.constant 64 : index
    %swap3A_267 = tpu.vector_load %arg12[%swap3A_265, %swap3A_266] {strides = array<i32>} : memref<8x128xf32, #tpu.memory_space<vmem>>, vector<1x16xf32>,
    %swap3A_268 = vector.shape_cast %swap3A_267 : vector<1x16xf32> to vector<16xf32>
    %swap3A_269 = vector.shape_cast %broadcast_in_dim3A_0 : vector<16xf32> to vector<1x16xf32>
    tpu.vector_store %arg12[%swap3A_265, %swap3A_266], %swap3A_269 {strides = array<i32>} : memref<8x128xf32, #tpu.memory_space<vmem>>, vector<1x16xf32>,
    %swap3A_270 = arith.constant 5 : i32
    %swap3A_271 = arith.index_cast %swap3A_270 : i32 to index
    %swap3A_272 = arith.constant 80 : index
    %swap3A_273 = tpu.vector_load %arg12[%swap3A_271, %swap3A_272] {strides = array<i32>} : memref<8x128xf32, #tpu.memory_space<vmem>>, vector<1x16xf32>,
    %swap3A_274 = vector.shape_cast %swap3A_273 : vector<1x16xf32> to vector<16xf32>
    %swap3A_275 = vector.shape_cast %broadcast_in_dim3A_0 : vector<16xf32> to vector<1x16xf32>
    tpu.vector_store %arg12[%swap3A_271, %swap3A_272], %swap3A_275 {strides = array<i32>} : memref<8x128xf32, #tpu.memory_space<vmem>>, vector<1x16xf32>,
    %swap3A_276 = arith.constant 5 : i32
    %swap3A_277 = arith.index_cast %swap3A_276 : i32 to index
    %swap3A_278 = arith.constant 96 : index
    %swap3A_279 = tpu.vector_load %arg12[%swap3A_277, %swap3A_278] {strides = array<i32>} : memref<8x128xf32, #tpu.memory_space<vmem>>, vector<1x16xf32>,
    %swap3A_280 = vector.shape_cast %swap3A_279 : vector<1x16xf32> to vector<16xf32>
    %swap3A_281 = vector.shape_cast %broadcast_in_dim3A_0 : vector<16xf32> to vector<1x16xf32>
    tpu.vector_store %arg12[%swap3A_277, %swap3A_278], %swap3A_281 {strides = array<i32>} : memref<8x128xf32, #tpu.memory_space<vmem>>, vector<1x16xf32>,
    %swap3A_282 = arith.constant 5 : i32
    %swap3A_283 = arith.index_cast %swap3A_282 : i32 to index
    %swap3A_284 = arith.constant 112 : index
    %swap3A_285 = tpu.vector_load %arg12[%swap3A_283, %swap3A_284] {strides = array<i32>} : memref<8x128xf32, #tpu.memory_space<vmem>>, vector<1x16xf32>,
    %swap3A_286 = vector.shape_cast %swap3A_285 : vector<1x16xf32> to vector<16xf32>
    %swap3A_287 = vector.shape_cast %broadcast_in_dim3A_0 : vector<16xf32> to vector<1x16xf32>
    tpu.vector_store %arg12[%swap3A_283, %swap3A_284], %swap3A_287 {strides = array<i32>} : memref<8x128xf32, #tpu.memory_space<vmem>>, vector<1x16xf32>,
    %swap3A_288 = arith.constant 6 : i32
    %swap3A_289 = arith.index_cast %swap3A_288 : i32 to index
    %swap3A_290 = arith.constant 0 : index
    %swap3A_291 = tpu.vector_load %arg12[%swap3A_289, %swap3A_290] {strides = array<i32>} : memref<8x128xf32, #tpu.memory_space<vmem>>, vector<1x16xf32>,
    %swap3A_292 = vector.shape_cast %swap3A_291 : vector<1x16xf32> to vector<16xf32>
    %swap3A_293 = vector.shape_cast %broadcast_in_dim3A_0 : vector<16xf32> to vector<1x16xf32>
    tpu.vector_store %arg12[%swap3A_289, %swap3A_290], %swap3A_293 {strides = array<i32>} : memref<8x128xf32, #tpu.memory_space<vmem>>, vector<1x16xf32>,
    %swap3A_294 = arith.constant 6 : i32
    %swap3A_295 = arith.index_cast %swap3A_294 : i32 to index
    %swap3A_296 = arith.constant 16 : index
    %swap3A_297 = tpu.vector_load %arg12[%swap3A_295, %swap3A_296] {strides = array<i32>} : memref<8x128xf32, #tpu.memory_space<vmem>>, vector<1x16xf32>,
    %swap3A_298 = vector.shape_cast %swap3A_297 : vector<1x16xf32> to vector<16xf32>
    %swap3A_299 = vector.shape_cast %broadcast_in_dim3A_0 : vector<16xf32> to vector<1x16xf32>
    tpu.vector_store %arg12[%swap3A_295, %swap3A_296], %swap3A_299 {strides = array<i32>} : memref<8x128xf32, #tpu.memory_space<vmem>>, vector<1x16xf32>,
    %swap3A_300 = arith.constant 6 : i32
    %swap3A_301 = arith.index_cast %swap3A_300 : i32 to index
    %swap3A_302 = arith.constant 32 : index
    %swap3A_303 = tpu.vector_load %arg12[%swap3A_301, %swap3A_302] {strides = array<i32>} : memref<8x128xf32, #tpu.memory_space<vmem>>, vector<1x16xf32>,
    %swap3A_304 = vector.shape_cast %swap3A_303 : vector<1x16xf32> to vector<16xf32>
    %swap3A_305 = vector.shape_cast %broadcast_in_dim3A_0 : vector<16xf32> to vector<1x16xf32>
    tpu.vector_store %arg12[%swap3A_301, %swap3A_302], %swap3A_305 {strides = array<i32>} : memref<8x128xf32, #tpu.memory_space<vmem>>, vector<1x16xf32>,
    %swap3A_306 = arith.constant 6 : i32
    %swap3A_307 = arith.index_cast %swap3A_306 : i32 to index
    %swap3A_308 = arith.constant 48 : index
    %swap3A_309 = tpu.vector_load %arg12[%swap3A_307, %swap3A_308] {strides = array<i32>} : memref<8x128xf32, #tpu.memory_space<vmem>>, vector<1x16xf32>,
    %swap3A_310 = vector.shape_cast %swap3A_309 : vector<1x16xf32> to vector<16xf32>
    %swap3A_311 = vector.shape_cast %broadcast_in_dim3A_0 : vector<16xf32> to vector<1x16xf32>
    tpu.vector_store %arg12[%swap3A_307, %swap3A_308], %swap3A_311 {strides = array<i32>} : memref<8x128xf32, #tpu.memory_space<vmem>>, vector<1x16xf32>,
    %swap3A_312 = arith.constant 6 : i32
    %swap3A_313 = arith.index_cast %swap3A_312 : i32 to index
    %swap3A_314 = arith.constant 64 : index
    %swap3A_315 = tpu.vector_load %arg12[%swap3A_313, %swap3A_314] {strides = array<i32>} : memref<8x128xf32, #tpu.memory_space<vmem>>, vector<1x16xf32>,
    %swap3A_316 = vector.shape_cast %swap3A_315 : vector<1x16xf32> to vector<16xf32>
    %swap3A_317 = vector.shape_cast %broadcast_in_dim3A_0 : vector<16xf32> to vector<1x16xf32>
    tpu.vector_store %arg12[%swap3A_313, %swap3A_314], %swap3A_317 {strides = array<i32>} : memref<8x128xf32, #tpu.memory_space<vmem>>, vector<1x16xf32>,
    %swap3A_318 = arith.constant 6 : i32
    %swap3A_319 = arith.index_cast %swap3A_318 : i32 to index
    %swap3A_320 = arith.constant 80 : index
    %swap3A_321 = tpu.vector_load %arg12[%swap3A_319, %swap3A_320] {strides = array<i32>} : memref<8x128xf32, #tpu.memory_space<vmem>>, vector<1x16xf32>,
    %swap3A_322 = vector.shape_cast %swap3A_321 : vector<1x16xf32> to vector<16xf32>
    %swap3A_323 = vector.shape_cast %broadcast_in_dim3A_0 : vector<16xf32> to vector<1x16xf32>
    tpu.vector_store %arg12[%swap3A_319, %swap3A_320], %swap3A_323 {strides = array<i32>} : memref<8x128xf32, #tpu.memory_space<vmem>>, vector<1x16xf32>,
    %swap3A_324 = arith.constant 6 : i32
    %swap3A_325 = arith.index_cast %swap3A_324 : i32 to index
    %swap3A_326 = arith.constant 96 : index
    %swap3A_327 = tpu.vector_load %arg12[%swap3A_325, %swap3A_326] {strides = array<i32>} : memref<8x128xf32, #tpu.memory_space<vmem>>, vector<1x16xf32>,
    %swap3A_328 = vector.shape_cast %swap3A_327 : vector<1x16xf32> to vector<16xf32>
    %swap3A_329 = vector.shape_cast %broadcast_in_dim3A_0 : vector<16xf32> to vector<1x16xf32>
    tpu.vector_store %arg12[%swap3A_325, %swap3A_326], %swap3A_329 {strides = array<i32>} : memref<8x128xf32, #tpu.memory_space<vmem>>, vector<1x16xf32>,
    %swap3A_330 = arith.constant 6 : i32
    %swap3A_331 = arith.index_cast %swap3A_330 : i32 to index
    %swap3A_332 = arith.constant 112 : index
    %swap3A_333 = tpu.vector_load %arg12[%swap3A_331, %swap3A_332] {strides = array<i32>} : memref<8x128xf32, #tpu.memory_space<vmem>>, vector<1x16xf32>,
    %swap3A_334 = vector.shape_cast %swap3A_333 : vector<1x16xf32> to vector<16xf32>
    %swap3A_335 = vector.shape_cast %broadcast_in_dim3A_0 : vector<16xf32> to vector<1x16xf32>
    tpu.vector_store %arg12[%swap3A_331, %swap3A_332], %swap3A_335 {strides = array<i32>} : memref<8x128xf32, #tpu.memory_space<vmem>>, vector<1x16xf32>,
    %swap3A_336 = arith.constant 7 : i32
    %swap3A_337 = arith.index_cast %swap3A_336 : i32 to index
    %swap3A_338 = arith.constant 0 : index
    %swap3A_339 = tpu.vector_load %arg12[%swap3A_337, %swap3A_338] {strides = array<i32>} : memref<8x128xf32, #tpu.memory_space<vmem>>, vector<1x16xf32>,
    %swap3A_340 = vector.shape_cast %swap3A_339 : vector<1x16xf32> to vector<16xf32>
    %swap3A_341 = vector.shape_cast %broadcast_in_dim3A_0 : vector<16xf32> to vector<1x16xf32>
    tpu.vector_store %arg12[%swap3A_337, %swap3A_338], %swap3A_341 {strides = array<i32>} : memref<8x128xf32, #tpu.memory_space<vmem>>, vector<1x16xf32>,
    %swap3A_342 = arith.constant 7 : i32
    %swap3A_343 = arith.index_cast %swap3A_342 : i32 to index
    %swap3A_344 = arith.constant 16 : index
    %swap3A_345 = tpu.vector_load %arg12[%swap3A_343, %swap3A_344] {strides = array<i32>} : memref<8x128xf32, #tpu.memory_space<vmem>>, vector<1x16xf32>,
    %swap3A_346 = vector.shape_cast %swap3A_345 : vector<1x16xf32> to vector<16xf32>
    %swap3A_347 = vector.shape_cast %broadcast_in_dim3A_0 : vector<16xf32> to vector<1x16xf32>
    tpu.vector_store %arg12[%swap3A_343, %swap3A_344], %swap3A_347 {strides = array<i32>} : memref<8x128xf32, #tpu.memory_space<vmem>>, vector<1x16xf32>,
    %swap3A_348 = arith.constant 7 : i32
    %swap3A_349 = arith.index_cast %swap3A_348 : i32 to index
    %swap3A_350 = arith.constant 32 : index
    %swap3A_351 = tpu.vector_load %arg12[%swap3A_349, %swap3A_350] {strides = array<i32>} : memref<8x128xf32, #tpu.memory_space<vmem>>, vector<1x16xf32>,
    %swap3A_352 = vector.shape_cast %swap3A_351 : vector<1x16xf32> to vector<16xf32>
    %swap3A_353 = vector.shape_cast %broadcast_in_dim3A_0 : vector<16xf32> to vector<1x16xf32>
    tpu.vector_store %arg12[%swap3A_349, %swap3A_350], %swap3A_353 {strides = array<i32>} : memref<8x128xf32, #tpu.memory_space<vmem>>, vector<1x16xf32>,
    %swap3A_354 = arith.constant 7 : i32
    %swap3A_355 = arith.index_cast %swap3A_354 : i32 to index
    %swap3A_356 = arith.constant 48 : index
    %swap3A_357 = tpu.vector_load %arg12[%swap3A_355, %swap3A_356] {strides = array<i32>} : memref<8x128xf32, #tpu.memory_space<vmem>>, vector<1x16xf32>,
    %swap3A_358 = vector.shape_cast %swap3A_357 : vector<1x16xf32> to vector<16xf32>
    %swap3A_359 = vector.shape_cast %broadcast_in_dim3A_0 : vector<16xf32> to vector<1x16xf32>
    tpu.vector_store %arg12[%swap3A_355, %swap3A_356], %swap3A_359 {strides = array<i32>} : memref<8x128xf32, #tpu.memory_space<vmem>>, vector<1x16xf32>,
    %swap3A_360 = arith.constant 7 : i32
    %swap3A_361 = arith.index_cast %swap3A_360 : i32 to index
    %swap3A_362 = arith.constant 64 : index
    %swap3A_363 = tpu.vector_load %arg12[%swap3A_361, %swap3A_362] {strides = array<i32>} : memref<8x128xf32, #tpu.memory_space<vmem>>, vector<1x16xf32>,
    %swap3A_364 = vector.shape_cast %swap3A_363 : vector<1x16xf32> to vector<16xf32>
    %swap3A_365 = vector.shape_cast %broadcast_in_dim3A_0 : vector<16xf32> to vector<1x16xf32>
    tpu.vector_store %arg12[%swap3A_361, %swap3A_362], %swap3A_365 {strides = array<i32>} : memref<8x128xf32, #tpu.memory_space<vmem>>, vector<1x16xf32>,
    %swap3A_366 = arith.constant 7 : i32
    %swap3A_367 = arith.index_cast %swap3A_366 : i32 to index
    %swap3A_368 = arith.constant 80 : index
    %swap3A_369 = tpu.vector_load %arg12[%swap3A_367, %swap3A_368] {strides = array<i32>} : memref<8x128xf32, #tpu.memory_space<vmem>>, vector<1x16xf32>,
    %swap3A_370 = vector.shape_cast %swap3A_369 : vector<1x16xf32> to vector<16xf32>
    %swap3A_371 = vector.shape_cast %broadcast_in_dim3A_0 : vector<16xf32> to vector<1x16xf32>
    tpu.vector_store %arg12[%swap3A_367, %swap3A_368], %swap3A_371 {strides = array<i32>} : memref<8x128xf32, #tpu.memory_space<vmem>>, vector<1x16xf32>,
    %swap3A_372 = arith.constant 7 : i32
    %swap3A_373 = arith.index_cast %swap3A_372 : i32 to index
    %swap3A_374 = arith.constant 96 : index
    %swap3A_375 = tpu.vector_load %arg12[%swap3A_373, %swap3A_374] {strides = array<i32>} : memref<8x128xf32, #tpu.memory_space<vmem>>, vector<1x16xf32>,
    %swap3A_376 = vector.shape_cast %swap3A_375 : vector<1x16xf32> to vector<16xf32>
    %swap3A_377 = vector.shape_cast %broadcast_in_dim3A_0 : vector<16xf32> to vector<1x16xf32>
    tpu.vector_store %arg12[%swap3A_373, %swap3A_374], %swap3A_377 {strides = array<i32>} : memref<8x128xf32, #tpu.memory_space<vmem>>, vector<1x16xf32>,
    %swap3A_378 = arith.constant 7 : i32
    %swap3A_379 = arith.index_cast %swap3A_378 : i32 to index
    %swap3A_380 = arith.constant 112 : index
    %swap3A_381 = tpu.vector_load %arg12[%swap3A_379, %swap3A_380] {strides = array<i32>} : memref<8x128xf32, #tpu.memory_space<vmem>>, vector<1x16xf32>,
    %swap3A_382 = vector.shape_cast %swap3A_381 : vector<1x16xf32> to vector<16xf32>
    %swap3A_383 = vector.shape_cast %broadcast_in_dim3A_0 : vector<16xf32> to vector<1x16xf32>
    tpu.vector_store %arg12[%swap3A_379, %swap3A_380], %swap3A_383 {strides = array<i32>} : memref<8x128xf32, #tpu.memory_space<vmem>>, vector<1x16xf32>,
    %broadcast_in_dim3A_384 = arith.constant 1.000000e+00 : f32
    %broadcast_in_dim3A_385 = vector.broadcast %broadcast_in_dim3A_384 : f32 to vector<16xf32>
    %swap3A_386 = arith.constant 0 : index
    %swap3A_387 = tpu.vector_load %arg11[%swap3A_386] {strides = array<i32>} : memref<128xf32, #tpu.memory_space<vmem>>, vector<16xf32>,
    %swap3A_388 = vector.shape_cast %swap3A_387 : vector<16xf32> to vector<16xf32>
    %swap3A_389 = vector.shape_cast %broadcast_in_dim3A_385 : vector<16xf32> to vector<16xf32>
    tpu.vector_store %arg11[%swap3A_386], %swap3A_389 {strides = array<i32>} : memref<128xf32, #tpu.memory_space<vmem>>, vector<16xf32>,
    %broadcast_in_dim3A_390 = arith.constant 1.000000e+00 : f32
    %broadcast_in_dim3A_391 = vector.broadcast %broadcast_in_dim3A_390 : f32 to vector<16xf32>
    %swap3A_392 = arith.constant 16 : index
    %swap3A_393 = tpu.vector_load %arg11[%swap3A_392] {strides = array<i32>} : memref<128xf32, #tpu.memory_space<vmem>>, vector<16xf32>,
    %swap3A_394 = vector.shape_cast %swap3A_393 : vector<16xf32> to vector<16xf32>
    %swap3A_395 = vector.shape_cast %broadcast_in_dim3A_391 : vector<16xf32> to vector<16xf32>
    tpu.vector_store %arg11[%swap3A_392], %swap3A_395 {strides = array<i32>} : memref<128xf32, #tpu.memory_space<vmem>>, vector<16xf32>,
    %broadcast_in_dim3A_396 = arith.constant 1.000000e+00 : f32
    %broadcast_in_dim3A_397 = vector.broadcast %broadcast_in_dim3A_396 : f32 to vector<16xf32>
    %swap3A_398 = arith.constant 32 : index
    %swap3A_399 = tpu.vector_load %arg11[%swap3A_398] {strides = array<i32>} : memref<128xf32, #tpu.memory_space<vmem>>, vector<16xf32>,
    %swap3A_400 = vector.shape_cast %swap3A_399 : vector<16xf32> to vector<16xf32>
    %swap3A_401 = vector.shape_cast %broadcast_in_dim3A_397 : vector<16xf32> to vector<16xf32>
    tpu.vector_store %arg11[%swap3A_398], %swap3A_401 {strides = array<i32>} : memref<128xf32, #tpu.memory_space<vmem>>, vector<16xf32>,
    %broadcast_in_dim3A_402 = arith.constant 1.000000e+00 : f32
    %broadcast_in_dim3A_403 = vector.broadcast %broadcast_in_dim3A_402 : f32 to vector<16xf32>
    %swap3A_404 = arith.constant 48 : index
    %swap3A_405 = tpu.vector_load %arg11[%swap3A_404] {strides = array<i32>} : memref<128xf32, #tpu.memory_space<vmem>>, vector<16xf32>,
    %swap3A_406 = vector.shape_cast %swap3A_405 : vector<16xf32> to vector<16xf32>
    %swap3A_407 = vector.shape_cast %broadcast_in_dim3A_403 : vector<16xf32> to vector<16xf32>
    tpu.vector_store %arg11[%swap3A_404], %swap3A_407 {strides = array<i32>} : memref<128xf32, #tpu.memory_space<vmem>>, vector<16xf32>,
    %broadcast_in_dim3A_408 = arith.constant 1.000000e+00 : f32
    %broadcast_in_dim3A_409 = vector.broadcast %broadcast_in_dim3A_408 : f32 to vector<16xf32>
    %swap3A_410 = arith.constant 64 : index
    %swap3A_411 = tpu.vector_load %arg11[%swap3A_410] {strides = array<i32>} : memref<128xf32, #tpu.memory_space<vmem>>, vector<16xf32>,
    %swap3A_412 = vector.shape_cast %swap3A_411 : vector<16xf32> to vector<16xf32>
    %swap3A_413 = vector.shape_cast %broadcast_in_dim3A_409 : vector<16xf32> to vector<16xf32>
    tpu.vector_store %arg11[%swap3A_410], %swap3A_413 {strides = array<i32>} : memref<128xf32, #tpu.memory_space<vmem>>, vector<16xf32>,
    %broadcast_in_dim3A_414 = arith.constant 1.000000e+00 : f32
    %broadcast_in_dim3A_415 = vector.broadcast %broadcast_in_dim3A_414 : f32 to vector<16xf32>
    %swap3A_416 = arith.constant 80 : index
    %swap3A_417 = tpu.vector_load %arg11[%swap3A_416] {strides = array<i32>} : memref<128xf32, #tpu.memory_space<vmem>>, vector<16xf32>,
    %swap3A_418 = vector.shape_cast %swap3A_417 : vector<16xf32> to vector<16xf32>
    %swap3A_419 = vector.shape_cast %broadcast_in_dim3A_415 : vector<16xf32> to vector<16xf32>
    tpu.vector_store %arg11[%swap3A_416], %swap3A_419 {strides = array<i32>} : memref<128xf32, #tpu.memory_space<vmem>>, vector<16xf32>,
    %broadcast_in_dim3A_420 = arith.constant 1.000000e+00 : f32
    %broadcast_in_dim3A_421 = vector.broadcast %broadcast_in_dim3A_420 : f32 to vector<16xf32>
    %swap3A_422 = arith.constant 96 : index
    %swap3A_423 = tpu.vector_load %arg11[%swap3A_422] {strides = array<i32>} : memref<128xf32, #tpu.memory_space<vmem>>, vector<16xf32>,
    %swap3A_424 = vector.shape_cast %swap3A_423 : vector<16xf32> to vector<16xf32>
    %swap3A_425 = vector.shape_cast %broadcast_in_dim3A_421 : vector<16xf32> to vector<16xf32>
    tpu.vector_store %arg11[%swap3A_422], %swap3A_425 {strides = array<i32>} : memref<128xf32, #tpu.memory_space<vmem>>, vector<16xf32>,
    %broadcast_in_dim3A_426 = arith.constant 1.000000e+00 : f32
    %broadcast_in_dim3A_427 = vector.broadcast %broadcast_in_dim3A_426 : f32 to vector<16xf32>
    %swap3A_428 = arith.constant 112 : index
    %swap3A_429 = tpu.vector_load %arg11[%swap3A_428] {strides = array<i32>} : memref<128xf32, #tpu.memory_space<vmem>>, vector<16xf32>,
    %swap3A_430 = vector.shape_cast %swap3A_429 : vector<16xf32> to vector<16xf32>
    %swap3A_431 = vector.shape_cast %broadcast_in_dim3A_427 : vector<16xf32> to vector<16xf32>
    tpu.vector_store %arg11[%swap3A_428], %swap3A_431 {strides = array<i32>} : memref<128xf32, #tpu.memory_space<vmem>>, vector<16xf32>,
    %scan3A = arith.constant 0 : i32
    %scan3A_432 = arith.constant 0 : i32
    %scan3A_433 = arith.constant 8 : i32
    %scan3A_434 = arith.addi %scan3A_432, %scan3A_433 : i32
    %scan3A_435 = arith.constant 1 : i32
    scf.for %scan3A_480 = %scan3A_432 to %scan3A_434 step %scan3A_435  : i32 {
      %mul3A_481 = arith.constant 64 : i32
      %mul3A_482 = arith.muli %arg1, %mul3A_481 : i32
      %mul3A_483 = arith.constant 8 : i32
      %mul3A_484 = arith.muli %scan3A_480, %mul3A_483 : i32
      %add3A_485 = arith.addi %mul3A_482, %mul3A_484 : i32
      "tpu.region"() ({
        %run_scoped3A = tpu.sem_alloc : memref<!tpu.dma_semaphore, #tpu.memory_space<semaphore_mem>>
        %dma_start3A_486 = arith.constant 0 : i32
        %dma_start3A_487 = tpu.memref_slice %arg15[%add3A_485, %dma_start3A_486] : memref<1024x128xf32, #tpu.memory_space<vmem_shared>> -> memref<8x128xf32, #tpu.memory_space<vmem_shared>>
        %dma_start3A_488 = arith.constant 0 : i32
        %dma_start3A_489 = tpu.memref_slice %arg15[%add3A_485, %dma_start3A_488] : memref<1024x128xf32, #tpu.memory_space<vmem_shared>> -> memref<8x128xf32, #tpu.memory_space<vmem_shared>>
        tpu.enqueue_dma source(%arg12 : memref<8x128xf32, #tpu.memory_space<vmem>>) target(%dma_start3A_489 : memref<8x128xf32, #tpu.memory_space<vmem_shared>>) target_semaphore(%run_scoped3A : memref<!tpu.dma_semaphore, #tpu.memory_space<semaphore_mem>>)
        %dma_wait3A_490 = arith.constant 0 : i32
        %dma_wait3A_491 = tpu.memref_slice %arg15[%add3A_485, %dma_wait3A_490] : memref<1024x128xf32, #tpu.memory_space<vmem_shared>> -> memref<8x128xf32, #tpu.memory_space<vmem_shared>>
        %dma_wait3A_492 = arith.constant 0 : i32
        %dma_wait3A_493 = tpu.memref_slice %arg15[%add3A_485, %dma_wait3A_492] : memref<1024x128xf32, #tpu.memory_space<vmem_shared>> -> memref<8x128xf32, #tpu.memory_space<vmem_shared>>
        tpu.wait_dma2 semaphore(%run_scoped3A : memref<!tpu.dma_semaphore, #tpu.memory_space<semaphore_mem>>) src(%arg12 : memref<8x128xf32, #tpu.memory_space<vmem>>) dst(%dma_wait3A_493 : memref<8x128xf32, #tpu.memory_space<vmem_shared>>)
        tpu.yield
      }) : () -> ()
    }
    %scan3A_436 = arith.constant 8 : i32
    %lt3A = arith.constant 1 : i32
    %lt3A_437 = arith.cmpi slt, %arg1, %lt3A : i32
    %convert_element_type3A = arith.extui %lt3A_437 : i1 to i32
    %cond3A = arith.constant 0 : i32
    %cond3A_438 = arith.cmpi ne, %convert_element_type3A, %cond3A : i32
    scf.if %cond3A_438 {
      %scan3A_480 = arith.constant 0 : i32
      %scan3A_481 = arith.constant 0 : i32
      %scan3A_482 = arith.constant 64 : i32
      %scan3A_483 = arith.addi %scan3A_481, %scan3A_482 : i32
      %scan3A_484 = arith.constant 1 : i32
      scf.for %scan3A_488 = %scan3A_481 to %scan3A_483 step %scan3A_484  : i32 {
        %mul3A_489 = arith.constant 16 : i32
        %mul3A_490 = arith.muli %scan3A_488, %mul3A_489 : i32
        %swap3A_491 = arith.index_cast %mul3A_490 : i32 to index
        %swap3A_492 = tpu.vector_load %arg13[%swap3A_491] {strides = array<i32>} : memref<1024xf32, #tpu.memory_space<vmem>>, vector<16xf32>,
        %swap3A_493 = vector.shape_cast %swap3A_492 : vector<16xf32> to vector<16xf32>
        %swap3A_494 = vector.shape_cast %broadcast_in_dim3A_0 : vector<16xf32> to vector<16xf32>
        tpu.vector_store %arg13[%swap3A_491], %swap3A_494 {strides = array<i32>} : memref<1024xf32, #tpu.memory_space<vmem>>, vector<16xf32>,
      }
      %scan3A_485 = arith.constant 64 : i32
      %mul3A_486 = arith.constant 1024 : i32
      %mul3A_487 = arith.muli %arg1, %mul3A_486 : i32
      "tpu.region"() ({
        %run_scoped3A = tpu.sem_alloc : memref<!tpu.dma_semaphore, #tpu.memory_space<semaphore_mem>>
        %dma_start3A_488 = tpu.memref_slice %arg16[%mul3A_487] : memref<1024xf32, #tpu.memory_space<vmem_shared>> -> memref<1024xf32, #tpu.memory_space<vmem_shared>>
        %dma_start3A_489 = tpu.memref_slice %arg16[%mul3A_487] : memref<1024xf32, #tpu.memory_space<vmem_shared>> -> memref<1024xf32, #tpu.memory_space<vmem_shared>>
        tpu.enqueue_dma source(%arg13 : memref<1024xf32, #tpu.memory_space<vmem>>) target(%dma_start3A_489 : memref<1024xf32, #tpu.memory_space<vmem_shared>>) target_semaphore(%run_scoped3A : memref<!tpu.dma_semaphore, #tpu.memory_space<semaphore_mem>>)
        %dma_wait3A_490 = tpu.memref_slice %arg16[%mul3A_487] : memref<1024xf32, #tpu.memory_space<vmem_shared>> -> memref<1024xf32, #tpu.memory_space<vmem_shared>>
        %dma_wait3A_491 = tpu.memref_slice %arg16[%mul3A_487] : memref<1024xf32, #tpu.memory_space<vmem_shared>> -> memref<1024xf32, #tpu.memory_space<vmem_shared>>
        tpu.wait_dma2 semaphore(%run_scoped3A : memref<!tpu.dma_semaphore, #tpu.memory_space<semaphore_mem>>) src(%arg13 : memref<1024xf32, #tpu.memory_space<vmem>>) dst(%dma_wait3A_491 : memref<1024xf32, #tpu.memory_space<vmem_shared>>)
        tpu.yield
      }) : () -> ()
    } else {
    }
    %mul3A = arith.constant 256 : i32
    %mul3A_439 = arith.muli %arg1, %mul3A : i32
    %mul3A_440 = arith.constant 256 : i32
    %mul3A_441 = arith.muli %arg1, %mul3A_440 : i32
    "tpu.region"() ({
      %run_scoped3A = tpu.sem_alloc : memref<!tpu.dma_semaphore, #tpu.memory_space<semaphore_mem>>
      %dma_start3A_480 = arith.constant 0 : i32
      %dma_start3A_481 = tpu.memref_slice %arg14[%mul3A_441, %dma_start3A_480] : memref<4096x128xf32, #tpu.memory_space<vmem_shared>> -> memref<256x128xf32, #tpu.memory_space<vmem_shared>>
      %dma_start3A_482 = arith.constant 0 : i32
      %dma_start3A_483 = tpu.memref_slice %arg2[%mul3A_439, %dma_start3A_482] : memref<4096x128xf32, #tpu.memory_space<hbm>> -> memref<256x128xf32, #tpu.memory_space<hbm>>
      tpu.enqueue_dma source(%dma_start3A_483 : memref<256x128xf32, #tpu.memory_space<hbm>>) target(%dma_start3A_481 : memref<256x128xf32, #tpu.memory_space<vmem_shared>>) target_semaphore(%run_scoped3A : memref<!tpu.dma_semaphore, #tpu.memory_space<semaphore_mem>>)
      %dma_wait3A_484 = arith.constant 0 : i32
      %dma_wait3A_485 = tpu.memref_slice %arg14[%mul3A_441, %dma_wait3A_484] : memref<4096x128xf32, #tpu.memory_space<vmem_shared>> -> memref<256x128xf32, #tpu.memory_space<vmem_shared>>
      %dma_wait3A_486 = arith.constant 0 : i32
      %dma_wait3A_487 = tpu.memref_slice %arg2[%mul3A_439, %dma_wait3A_486] : memref<4096x128xf32, #tpu.memory_space<hbm>> -> memref<256x128xf32, #tpu.memory_space<hbm>>
      tpu.wait_dma2 semaphore(%run_scoped3A : memref<!tpu.dma_semaphore, #tpu.memory_space<semaphore_mem>>) src(%dma_wait3A_487 : memref<256x128xf32, #tpu.memory_space<hbm>>) dst(%dma_wait3A_485 : memref<256x128xf32, #tpu.memory_space<vmem_shared>>)
      tpu.yield
    }) : () -> ()
    %barrier3A = arith.constant 0 : index
    tpu.barrier barrier_id(%barrier3A)
    %mul3A_442 = arith.constant 2 : i32
    %mul3A_443 = arith.muli %arg1, %mul3A_442 : i32
    %add3A = arith.addi %mul3A_443, %arg0 : i32
    %mul3A_444 = arith.constant 32 : i32
    %mul3A_445 = arith.muli %add3A, %mul3A_444 : i32
    "tpu.region"() ({
      %run_scoped3A = tpu.sem_alloc : memref<!tpu.dma_semaphore, #tpu.memory_space<semaphore_mem>>
      %dma_start3A_480 = arith.constant 0 : i32
      %dma_start3A_481 = arith.constant 0 : i32
      %dma_start3A_482 = tpu.memref_slice %arg7[%dma_start3A_480, %dma_start3A_481] : memref<64x128xi32, #tpu.memory_space<vmem>> -> memref<32x128xi32, #tpu.memory_space<vmem>>
      %dma_start3A_483 = arith.constant 0 : i32
      %dma_start3A_484 = tpu.memref_slice %arg3[%mul3A_445, %dma_start3A_483] : memref<1024x128xi32, #tpu.memory_space<hbm>> -> memref<32x128xi32, #tpu.memory_space<hbm>>
      %dma_start3A_485 = arith.constant 0 : i32
      %dma_start3A_486 = arith.constant 0 : i32
      %dma_start3A_487 = tpu.memref_slice %arg7[%dma_start3A_485, %dma_start3A_486] : memref<64x128xi32, #tpu.memory_space<vmem>> -> memref<32x128xi32, #tpu.memory_space<vmem>>
      %dma_start3A_488 = arith.constant 0 : i32
      %dma_start3A_489 = tpu.memref_slice %arg3[%mul3A_445, %dma_start3A_488] : memref<1024x128xi32, #tpu.memory_space<hbm>> -> memref<32x128xi32, #tpu.memory_space<hbm>>
      tpu.enqueue_dma source(%dma_start3A_489 : memref<32x128xi32, #tpu.memory_space<hbm>>) target(%dma_start3A_487 : memref<32x128xi32, #tpu.memory_space<vmem>>) target_semaphore(%run_scoped3A : memref<!tpu.dma_semaphore, #tpu.memory_space<semaphore_mem>>)
      %dma_wait3A_490 = arith.constant 0 : i32
      %dma_wait3A_491 = arith.constant 0 : i32
      %dma_wait3A_492 = tpu.memref_slice %arg7[%dma_wait3A_490, %dma_wait3A_491] : memref<64x128xi32, #tpu.memory_space<vmem>> -> memref<32x128xi32, #tpu.memory_space<vmem>>
      %dma_wait3A_493 = arith.constant 0 : i32
      %dma_wait3A_494 = tpu.memref_slice %arg3[%mul3A_445, %dma_wait3A_493] : memref<1024x128xi32, #tpu.memory_space<hbm>> -> memref<32x128xi32, #tpu.memory_space<hbm>>
      %dma_wait3A_495 = arith.constant 0 : i32
      %dma_wait3A_496 = arith.constant 0 : i32
      %dma_wait3A_497 = tpu.memref_slice %arg7[%dma_wait3A_495, %dma_wait3A_496] : memref<64x128xi32, #tpu.memory_space<vmem>> -> memref<32x128xi32, #tpu.memory_space<vmem>>
      %dma_wait3A_498 = arith.constant 0 : i32
      %dma_wait3A_499 = tpu.memref_slice %arg3[%mul3A_445, %dma_wait3A_498] : memref<1024x128xi32, #tpu.memory_space<hbm>> -> memref<32x128xi32, #tpu.memory_space<hbm>>
      tpu.wait_dma2 semaphore(%run_scoped3A : memref<!tpu.dma_semaphore, #tpu.memory_space<semaphore_mem>>) src(%dma_wait3A_499 : memref<32x128xi32, #tpu.memory_space<hbm>>) dst(%dma_wait3A_497 : memref<32x128xi32, #tpu.memory_space<vmem>>)
      tpu.yield
    }) : () -> ()
    "tpu.region"() ({
      %run_scoped3A = tpu.sem_alloc : memref<!tpu.dma_semaphore, #tpu.memory_space<semaphore_mem>>
      %dma_start3A_480 = arith.constant 0 : i32
      %dma_start3A_481 = arith.constant 0 : i32
      %dma_start3A_482 = tpu.memref_slice %arg8[%dma_start3A_480, %dma_start3A_481] : memref<64x128xi32, #tpu.memory_space<vmem>> -> memref<32x128xi32, #tpu.memory_space<vmem>>
      %dma_start3A_483 = arith.constant 0 : i32
      %dma_start3A_484 = tpu.memref_slice %arg4[%mul3A_445, %dma_start3A_483] : memref<1024x128xi32, #tpu.memory_space<hbm>> -> memref<32x128xi32, #tpu.memory_space<hbm>>
      %dma_start3A_485 = arith.constant 0 : i32
      %dma_start3A_486 = arith.constant 0 : i32
      %dma_start3A_487 = tpu.memref_slice %arg8[%dma_start3A_485, %dma_start3A_486] : memref<64x128xi32, #tpu.memory_space<vmem>> -> memref<32x128xi32, #tpu.memory_space<vmem>>
      %dma_start3A_488 = arith.constant 0 : i32
      %dma_start3A_489 = tpu.memref_slice %arg4[%mul3A_445, %dma_start3A_488] : memref<1024x128xi32, #tpu.memory_space<hbm>> -> memref<32x128xi32, #tpu.memory_space<hbm>>
      tpu.enqueue_dma source(%dma_start3A_489 : memref<32x128xi32, #tpu.memory_space<hbm>>) target(%dma_start3A_487 : memref<32x128xi32, #tpu.memory_space<vmem>>) target_semaphore(%run_scoped3A : memref<!tpu.dma_semaphore, #tpu.memory_space<semaphore_mem>>)
      %dma_wait3A_490 = arith.constant 0 : i32
      %dma_wait3A_491 = arith.constant 0 : i32
      %dma_wait3A_492 = tpu.memref_slice %arg8[%dma_wait3A_490, %dma_wait3A_491] : memref<64x128xi32, #tpu.memory_space<vmem>> -> memref<32x128xi32, #tpu.memory_space<vmem>>
      %dma_wait3A_493 = arith.constant 0 : i32
      %dma_wait3A_494 = tpu.memref_slice %arg4[%mul3A_445, %dma_wait3A_493] : memref<1024x128xi32, #tpu.memory_space<hbm>> -> memref<32x128xi32, #tpu.memory_space<hbm>>
      %dma_wait3A_495 = arith.constant 0 : i32
      %dma_wait3A_496 = arith.constant 0 : i32
      %dma_wait3A_497 = tpu.memref_slice %arg8[%dma_wait3A_495, %dma_wait3A_496] : memref<64x128xi32, #tpu.memory_space<vmem>> -> memref<32x128xi32, #tpu.memory_space<vmem>>
      %dma_wait3A_498 = arith.constant 0 : i32
      %dma_wait3A_499 = tpu.memref_slice %arg4[%mul3A_445, %dma_wait3A_498] : memref<1024x128xi32, #tpu.memory_space<hbm>> -> memref<32x128xi32, #tpu.memory_space<hbm>>
      tpu.wait_dma2 semaphore(%run_scoped3A : memref<!tpu.dma_semaphore, #tpu.memory_space<semaphore_mem>>) src(%dma_wait3A_499 : memref<32x128xi32, #tpu.memory_space<hbm>>) dst(%dma_wait3A_497 : memref<32x128xi32, #tpu.memory_space<vmem>>)
      tpu.yield
    }) : () -> ()
    %dma_start3A = arith.constant 0 : i32
    %dma_start3A_446 = arith.constant 0 : i32
    %dma_start3A_447 = tpu.memref_slice %arg7[%dma_start3A, %dma_start3A_446] : memref<64x128xi32, #tpu.memory_space<vmem>> -> memref<1x128xi32, #tpu.memory_space<vmem>>
    %dma_start3A_448 = tpu.memref_squeeze %dma_start3A_447 : memref<1x128xi32, #tpu.memory_space<vmem>> -> memref<128xi32, #tpu.memory_space<vmem>>
    %dma_start3A_449 = arith.constant 0 : i32
    %dma_start3A_450 = arith.constant 0 : i32
    %dma_start3A_451 = tpu.memref_slice %arg14[%dma_start3A_449, %dma_start3A_450] : memref<4096x128xf32, #tpu.memory_space<vmem_shared>> -> memref<4096x128xf32, #tpu.memory_space<vmem_shared>>
    tpu.enqueue_indirect_dma source(%dma_start3A_451 : memref<4096x128xf32, #tpu.memory_space<vmem_shared>>) target(%arg9 : memref<128x128xf32, #tpu.memory_space<vmem>>) offsets(%dma_start3A_448 : memref<128xi32, #tpu.memory_space<vmem>>) semaphore(%arg17 : memref<!tpu.dma_semaphore, #tpu.memory_space<semaphore_mem>>)
    %scan3A_452 = arith.constant 0 : i32
    %scan3A_453 = arith.constant 0 : i32
    %scan3A_454 = arith.constant 16 : i32
    %scan3A_455 = arith.addi %scan3A_453, %scan3A_454 : i32
    %scan3A_456 = arith.constant 1 : i32
    scf.for %scan3A_480 = %scan3A_453 to %scan3A_455 step %scan3A_456  : i32 {
      %mul3A_481 = arith.constant 2 : i32
      %mul3A_482 = arith.muli %mul3A_481, %scan3A_480 : i32
      %add3A_483 = arith.constant 1 : i32
      %add3A_484 = arith.addi %mul3A_482, %add3A_483 : i32
      %gt3A = arith.constant 0 : i32
      %gt3A_485 = arith.cmpi sgt, %scan3A_480, %gt3A : i32
      %jit3A = arith.constant 32 : i32
      %eq3A = arith.constant 0 : i32
      %eq3A_486 = arith.cmpi eq, %jit3A, %eq3A : i32
      %jit3A_487 = arith.constant 1 : i32
      %select_n3A = arith.select %eq3A_486, %jit3A_487, %jit3A : i32
      %rem3A = arith.remsi %mul3A_482, %select_n3A : i32
      %ne3A = arith.constant 0 : i32
      %ne3A_488 = arith.cmpi ne, %rem3A, %ne3A : i32
      %lt3A_489 = arith.constant 0 : i32
      %lt3A_490 = arith.cmpi slt, %rem3A, %lt3A_489 : i32
      %lt3A_491 = arith.constant 0 : i32
      %lt3A_492 = arith.cmpi slt, %select_n3A, %lt3A_491 : i32
      %ne3A_493 = arith.xori %lt3A_490, %lt3A_492 : i1
      %and3A = arith.andi %ne3A_493, %ne3A_488 : i1
      %add3A_494 = arith.addi %rem3A, %select_n3A : i32
      %select_n3A_495 = arith.select %and3A, %add3A_494, %rem3A : i32
      %ne3A_496 = arith.constant 0 : i32
      %ne3A_497 = arith.cmpi ne, %select_n3A_495, %ne3A_496 : i32
      %and3A_498 = arith.andi %gt3A_485, %ne3A_497 : i1
      %convert_element_type3A_499 = arith.extui %and3A_498 : i1 to i32
      %cond3A_500 = arith.constant 0 : i32
      %cond3A_501 = arith.cmpi ne, %convert_element_type3A_499, %cond3A_500 : i32
      scf.if %cond3A_501 {
        %sub3A = arith.constant 1 : i32
        %sub3A_730 = arith.subi %mul3A_482, %sub3A : i32
        %jit3A_731 = arith.constant 64 : i32
        %eq3A_732 = arith.constant 0 : i32
        %eq3A_733 = arith.cmpi eq, %jit3A_731, %eq3A_732 : i32
        %jit3A_734 = arith.constant 1 : i32
        %select_n3A_735 = arith.select %eq3A_733, %jit3A_734, %jit3A_731 : i32
        %rem3A_736 = arith.remsi %sub3A_730, %select_n3A_735 : i32
        %ne3A_737 = arith.constant 0 : i32
        %ne3A_738 = arith.cmpi ne, %rem3A_736, %ne3A_737 : i32
        %lt3A_739 = arith.constant 0 : i32
        %lt3A_740 = arith.cmpi slt, %rem3A_736, %lt3A_739 : i32
        %lt3A_741 = arith.constant 0 : i32
        %lt3A_742 = arith.cmpi slt, %select_n3A_735, %lt3A_741 : i32
        %ne3A_743 = arith.xori %lt3A_740, %lt3A_742 : i1
        %and3A_744 = arith.andi %ne3A_743, %ne3A_738 : i1
        %add3A_745 = arith.addi %rem3A_736, %select_n3A_735 : i32
        %select_n3A_746 = arith.select %and3A_744, %add3A_745, %rem3A_736 : i32
        %dma_wait3A_747 = arith.constant 0 : i32
        %dma_wait3A_748 = tpu.memref_slice %arg8[%select_n3A_746, %dma_wait3A_747] : memref<64x128xi32, #tpu.memory_space<vmem>> -> memref<1x128xi32, #tpu.memory_space<vmem>>
        %dma_wait3A_749 = tpu.memref_squeeze %dma_wait3A_748 : memref<1x128xi32, #tpu.memory_space<vmem>> -> memref<128xi32, #tpu.memory_space<vmem>>
        %dma_wait3A_750 = arith.constant 0 : i32
        %dma_wait3A_751 = arith.constant 0 : i32
        %dma_wait3A_752 = tpu.memref_slice %arg15[%dma_wait3A_750, %dma_wait3A_751] : memref<1024x128xf32, #tpu.memory_space<vmem_shared>> -> memref<1024x128xf32, #tpu.memory_space<vmem_shared>>
        tpu.wait_indirect_dma semaphore(%arg20 : memref<!tpu.dma_semaphore, #tpu.memory_space<semaphore_mem>>) src(%arg10 : memref<128x128xf32, #tpu.memory_space<vmem>>) dst(%dma_wait3A_752 : memref<1024x128xf32, #tpu.memory_space<vmem_shared>>)
        %sub3A_753 = arith.constant 1 : i32
        %sub3A_754 = arith.subi %mul3A_482, %sub3A_753 : i32
        %jit3A_755 = arith.constant 64 : i32
        %eq3A_756 = arith.constant 0 : i32
        %eq3A_757 = arith.cmpi eq, %jit3A_755, %eq3A_756 : i32
        %jit3A_758 = arith.constant 1 : i32
        %select_n3A_759 = arith.select %eq3A_757, %jit3A_758, %jit3A_755 : i32
        %rem3A_760 = arith.remsi %sub3A_754, %select_n3A_759 : i32
        %ne3A_761 = arith.constant 0 : i32
        %ne3A_762 = arith.cmpi ne, %rem3A_760, %ne3A_761 : i32
        %lt3A_763 = arith.constant 0 : i32
        %lt3A_764 = arith.cmpi slt, %rem3A_760, %lt3A_763 : i32
        %lt3A_765 = arith.constant 0 : i32
        %lt3A_766 = arith.cmpi slt, %select_n3A_759, %lt3A_765 : i32
        %ne3A_767 = arith.xori %lt3A_764, %lt3A_766 : i1
        %and3A_768 = arith.andi %ne3A_767, %ne3A_762 : i1
        %add3A_769 = arith.addi %rem3A_760, %select_n3A_759 : i32
        %select_n3A_770 = arith.select %and3A_768, %add3A_769, %rem3A_760 : i32
        %dma_wait3A_771 = arith.constant 0 : i32
        %dma_wait3A_772 = tpu.memref_slice %arg8[%select_n3A_770, %dma_wait3A_771] : memref<64x128xi32, #tpu.memory_space<vmem>> -> memref<1x128xi32, #tpu.memory_space<vmem>>
        %dma_wait3A_773 = tpu.memref_squeeze %dma_wait3A_772 : memref<1x128xi32, #tpu.memory_space<vmem>> -> memref<128xi32, #tpu.memory_space<vmem>>
        %dma_wait3A_774 = arith.constant 0 : i32
        %dma_wait3A_775 = tpu.memref_slice %arg16[%dma_wait3A_774] : memref<1024xf32, #tpu.memory_space<vmem_shared>> -> memref<1024xf32, #tpu.memory_space<vmem_shared>>
        tpu.wait_indirect_dma semaphore(%arg22 : memref<!tpu.dma_semaphore, #tpu.memory_space<semaphore_mem>>) src(%arg11 : memref<128xf32, #tpu.memory_space<vmem>>) dst(%dma_wait3A_775 : memref<1024xf32, #tpu.memory_space<vmem_shared>>)
      } else {
      }
      %jit3A_502 = arith.constant 64 : i32
      %eq3A_503 = arith.constant 0 : i32
      %eq3A_504 = arith.cmpi eq, %jit3A_502, %eq3A_503 : i32
      %jit3A_505 = arith.constant 1 : i32
      %select_n3A_506 = arith.select %eq3A_504, %jit3A_505, %jit3A_502 : i32
      %rem3A_507 = arith.remsi %mul3A_482, %select_n3A_506 : i32
      %ne3A_508 = arith.constant 0 : i32
      %ne3A_509 = arith.cmpi ne, %rem3A_507, %ne3A_508 : i32
      %lt3A_510 = arith.constant 0 : i32
      %lt3A_511 = arith.cmpi slt, %rem3A_507, %lt3A_510 : i32
      %lt3A_512 = arith.constant 0 : i32
      %lt3A_513 = arith.cmpi slt, %select_n3A_506, %lt3A_512 : i32
      %ne3A_514 = arith.xori %lt3A_511, %lt3A_513 : i1
      %and3A_515 = arith.andi %ne3A_514, %ne3A_509 : i1
      %add3A_516 = arith.addi %rem3A_507, %select_n3A_506 : i32
      %select_n3A_517 = arith.select %and3A_515, %add3A_516, %rem3A_507 : i32
      %dma_wait3A_518 = arith.constant 0 : i32
      %dma_wait3A_519 = tpu.memref_slice %arg7[%select_n3A_517, %dma_wait3A_518] : memref<64x128xi32, #tpu.memory_space<vmem>> -> memref<1x128xi32, #tpu.memory_space<vmem>>
      %dma_wait3A_520 = tpu.memref_squeeze %dma_wait3A_519 : memref<1x128xi32, #tpu.memory_space<vmem>> -> memref<128xi32, #tpu.memory_space<vmem>>
      %dma_wait3A_521 = arith.constant 0 : i32
      %dma_wait3A_522 = arith.constant 0 : i32
      %dma_wait3A_523 = tpu.memref_slice %arg14[%dma_wait3A_521, %dma_wait3A_522] : memref<4096x128xf32, #tpu.memory_space<vmem_shared>> -> memref<4096x128xf32, #tpu.memory_space<vmem_shared>>
      tpu.wait_indirect_dma semaphore(%arg17 : memref<!tpu.dma_semaphore, #tpu.memory_space<semaphore_mem>>) src(%dma_wait3A_523 : memref<4096x128xf32, #tpu.memory_space<vmem_shared>>) dst(%arg9 : memref<128x128xf32, #tpu.memory_space<vmem>>)
      %jit3A_524 = arith.constant 64 : i32
      %eq3A_525 = arith.constant 0 : i32
      %eq3A_526 = arith.cmpi eq, %jit3A_524, %eq3A_525 : i32
      %jit3A_527 = arith.constant 1 : i32
      %select_n3A_528 = arith.select %eq3A_526, %jit3A_527, %jit3A_524 : i32
      %rem3A_529 = arith.remsi %add3A_484, %select_n3A_528 : i32
      %ne3A_530 = arith.constant 0 : i32
      %ne3A_531 = arith.cmpi ne, %rem3A_529, %ne3A_530 : i32
      %lt3A_532 = arith.constant 0 : i32
      %lt3A_533 = arith.cmpi slt, %rem3A_529, %lt3A_532 : i32
      %lt3A_534 = arith.constant 0 : i32
      %lt3A_535 = arith.cmpi slt, %select_n3A_528, %lt3A_534 : i32
      %ne3A_536 = arith.xori %lt3A_533, %lt3A_535 : i1
      %and3A_537 = arith.andi %ne3A_536, %ne3A_531 : i1
      %add3A_538 = arith.addi %rem3A_529, %select_n3A_528 : i32
      %select_n3A_539 = arith.select %and3A_537, %add3A_538, %rem3A_529 : i32
      %dma_start3A_540 = arith.constant 0 : i32
      %dma_start3A_541 = tpu.memref_slice %arg7[%select_n3A_539, %dma_start3A_540] : memref<64x128xi32, #tpu.memory_space<vmem>> -> memref<1x128xi32, #tpu.memory_space<vmem>>
      %dma_start3A_542 = tpu.memref_squeeze %dma_start3A_541 : memref<1x128xi32, #tpu.memory_space<vmem>> -> memref<128xi32, #tpu.memory_space<vmem>>
      %dma_start3A_543 = arith.constant 0 : i32
      %dma_start3A_544 = arith.constant 0 : i32
      %dma_start3A_545 = tpu.memref_slice %arg14[%dma_start3A_543, %dma_start3A_544] : memref<4096x128xf32, #tpu.memory_space<vmem_shared>> -> memref<4096x128xf32, #tpu.memory_space<vmem_shared>>
      tpu.enqueue_indirect_dma source(%dma_start3A_545 : memref<4096x128xf32, #tpu.memory_space<vmem_shared>>) target(%arg10 : memref<128x128xf32, #tpu.memory_space<vmem>>) offsets(%dma_start3A_542 : memref<128xi32, #tpu.memory_space<vmem>>) semaphore(%arg18 : memref<!tpu.dma_semaphore, #tpu.memory_space<semaphore_mem>>)
      %jit3A_546 = arith.constant 64 : i32
      %eq3A_547 = arith.constant 0 : i32
      %eq3A_548 = arith.cmpi eq, %jit3A_546, %eq3A_547 : i32
      %jit3A_549 = arith.constant 1 : i32
      %select_n3A_550 = arith.select %eq3A_548, %jit3A_549, %jit3A_546 : i32
      %rem3A_551 = arith.remsi %mul3A_482, %select_n3A_550 : i32
      %ne3A_552 = arith.constant 0 : i32
      %ne3A_553 = arith.cmpi ne, %rem3A_551, %ne3A_552 : i32
      %lt3A_554 = arith.constant 0 : i32
      %lt3A_555 = arith.cmpi slt, %rem3A_551, %lt3A_554 : i32
      %lt3A_556 = arith.constant 0 : i32
      %lt3A_557 = arith.cmpi slt, %select_n3A_550, %lt3A_556 : i32
      %ne3A_558 = arith.xori %lt3A_555, %lt3A_557 : i1
      %and3A_559 = arith.andi %ne3A_558, %ne3A_553 : i1
      %add3A_560 = arith.addi %rem3A_551, %select_n3A_550 : i32
      %select_n3A_561 = arith.select %and3A_559, %add3A_560, %rem3A_551 : i32
      %dma_start3A_562 = arith.constant 0 : i32
      %dma_start3A_563 = tpu.memref_slice %arg8[%select_n3A_561, %dma_start3A_562] : memref<64x128xi32, #tpu.memory_space<vmem>> -> memref<1x128xi32, #tpu.memory_space<vmem>>
      %dma_start3A_564 = tpu.memref_squeeze %dma_start3A_563 : memref<1x128xi32, #tpu.memory_space<vmem>> -> memref<128xi32, #tpu.memory_space<vmem>>
      %dma_start3A_565 = arith.constant 0 : i32
      %dma_start3A_566 = arith.constant 0 : i32
      %dma_start3A_567 = tpu.memref_slice %arg15[%dma_start3A_565, %dma_start3A_566] : memref<1024x128xf32, #tpu.memory_space<vmem_shared>> -> memref<1024x128xf32, #tpu.memory_space<vmem_shared>>
      tpu.enqueue_indirect_dma source(%arg9 : memref<128x128xf32, #tpu.memory_space<vmem>>) target(%dma_start3A_567 : memref<1024x128xf32, #tpu.memory_space<vmem_shared>>) offsets(%dma_start3A_564 : memref<128xi32, #tpu.memory_space<vmem>>) semaphore(%arg19 : memref<!tpu.dma_semaphore, #tpu.memory_space<semaphore_mem>>) {add = true}
      %jit3A_568 = arith.constant 64 : i32
      %eq3A_569 = arith.constant 0 : i32
      %eq3A_570 = arith.cmpi eq, %jit3A_568, %eq3A_569 : i32
      %jit3A_571 = arith.constant 1 : i32
      %select_n3A_572 = arith.select %eq3A_570, %jit3A_571, %jit3A_568 : i32
      %rem3A_573 = arith.remsi %mul3A_482, %select_n3A_572 : i32
      %ne3A_574 = arith.constant 0 : i32
      %ne3A_575 = arith.cmpi ne, %rem3A_573, %ne3A_574 : i32
      %lt3A_576 = arith.constant 0 : i32
      %lt3A_577 = arith.cmpi slt, %rem3A_573, %lt3A_576 : i32
      %lt3A_578 = arith.constant 0 : i32
      %lt3A_579 = arith.cmpi slt, %select_n3A_572, %lt3A_578 : i32
      %ne3A_580 = arith.xori %lt3A_577, %lt3A_579 : i1
      %and3A_581 = arith.andi %ne3A_580, %ne3A_575 : i1
      %add3A_582 = arith.addi %rem3A_573, %select_n3A_572 : i32
      %select_n3A_583 = arith.select %and3A_581, %add3A_582, %rem3A_573 : i32
      %dma_start3A_584 = arith.constant 0 : i32
      %dma_start3A_585 = tpu.memref_slice %arg8[%select_n3A_583, %dma_start3A_584] : memref<64x128xi32, #tpu.memory_space<vmem>> -> memref<1x128xi32, #tpu.memory_space<vmem>>
      %dma_start3A_586 = tpu.memref_squeeze %dma_start3A_585 : memref<1x128xi32, #tpu.memory_space<vmem>> -> memref<128xi32, #tpu.memory_space<vmem>>
      %dma_start3A_587 = arith.constant 0 : i32
      %dma_start3A_588 = tpu.memref_slice %arg16[%dma_start3A_587] : memref<1024xf32, #tpu.memory_space<vmem_shared>> -> memref<1024xf32, #tpu.memory_space<vmem_shared>>
      tpu.enqueue_indirect_dma source(%arg11 : memref<128xf32, #tpu.memory_space<vmem>>) target(%dma_start3A_588 : memref<1024xf32, #tpu.memory_space<vmem_shared>>) offsets(%dma_start3A_586 : memref<128xi32, #tpu.memory_space<vmem>>) semaphore(%arg21 : memref<!tpu.dma_semaphore, #tpu.memory_space<semaphore_mem>>) {add = true}
      %jit3A_589 = arith.constant 64 : i32
      %eq3A_590 = arith.constant 0 : i32
      %eq3A_591 = arith.cmpi eq, %jit3A_589, %eq3A_590 : i32
      %jit3A_592 = arith.constant 1 : i32
      %select_n3A_593 = arith.select %eq3A_591, %jit3A_592, %jit3A_589 : i32
      %rem3A_594 = arith.remsi %add3A_484, %select_n3A_593 : i32
      %ne3A_595 = arith.constant 0 : i32
      %ne3A_596 = arith.cmpi ne, %rem3A_594, %ne3A_595 : i32
      %lt3A_597 = arith.constant 0 : i32
      %lt3A_598 = arith.cmpi slt, %rem3A_594, %lt3A_597 : i32
      %lt3A_599 = arith.constant 0 : i32
      %lt3A_600 = arith.cmpi slt, %select_n3A_593, %lt3A_599 : i32
      %ne3A_601 = arith.xori %lt3A_598, %lt3A_600 : i1
      %and3A_602 = arith.andi %ne3A_601, %ne3A_596 : i1
      %add3A_603 = arith.addi %rem3A_594, %select_n3A_593 : i32
      %select_n3A_604 = arith.select %and3A_602, %add3A_603, %rem3A_594 : i32
      %dma_wait3A_605 = arith.constant 0 : i32
      %dma_wait3A_606 = tpu.memref_slice %arg7[%select_n3A_604, %dma_wait3A_605] : memref<64x128xi32, #tpu.memory_space<vmem>> -> memref<1x128xi32, #tpu.memory_space<vmem>>
      %dma_wait3A_607 = tpu.memref_squeeze %dma_wait3A_606 : memref<1x128xi32, #tpu.memory_space<vmem>> -> memref<128xi32, #tpu.memory_space<vmem>>
      %dma_wait3A_608 = arith.constant 0 : i32
      %dma_wait3A_609 = arith.constant 0 : i32
      %dma_wait3A_610 = tpu.memref_slice %arg14[%dma_wait3A_608, %dma_wait3A_609] : memref<4096x128xf32, #tpu.memory_space<vmem_shared>> -> memref<4096x128xf32, #tpu.memory_space<vmem_shared>>
      tpu.wait_indirect_dma semaphore(%arg18 : memref<!tpu.dma_semaphore, #tpu.memory_space<semaphore_mem>>) src(%dma_wait3A_610 : memref<4096x128xf32, #tpu.memory_space<vmem_shared>>) dst(%arg10 : memref<128x128xf32, #tpu.memory_space<vmem>>)
      %jit3A_611 = arith.constant 64 : i32
      %eq3A_612 = arith.constant 0 : i32
      %eq3A_613 = arith.cmpi eq, %jit3A_611, %eq3A_612 : i32
      %jit3A_614 = arith.constant 1 : i32
      %select_n3A_615 = arith.select %eq3A_613, %jit3A_614, %jit3A_611 : i32
      %rem3A_616 = arith.remsi %mul3A_482, %select_n3A_615 : i32
      %ne3A_617 = arith.constant 0 : i32
      %ne3A_618 = arith.cmpi ne, %rem3A_616, %ne3A_617 : i32
      %lt3A_619 = arith.constant 0 : i32
      %lt3A_620 = arith.cmpi slt, %rem3A_616, %lt3A_619 : i32
      %lt3A_621 = arith.constant 0 : i32
      %lt3A_622 = arith.cmpi slt, %select_n3A_615, %lt3A_621 : i32
      %ne3A_623 = arith.xori %lt3A_620, %lt3A_622 : i1
      %and3A_624 = arith.andi %ne3A_623, %ne3A_618 : i1
      %add3A_625 = arith.addi %rem3A_616, %select_n3A_615 : i32
      %select_n3A_626 = arith.select %and3A_624, %add3A_625, %rem3A_616 : i32
      %dma_wait3A_627 = arith.constant 0 : i32
      %dma_wait3A_628 = tpu.memref_slice %arg8[%select_n3A_626, %dma_wait3A_627] : memref<64x128xi32, #tpu.memory_space<vmem>> -> memref<1x128xi32, #tpu.memory_space<vmem>>
      %dma_wait3A_629 = tpu.memref_squeeze %dma_wait3A_628 : memref<1x128xi32, #tpu.memory_space<vmem>> -> memref<128xi32, #tpu.memory_space<vmem>>
      %dma_wait3A_630 = arith.constant 0 : i32
      %dma_wait3A_631 = arith.constant 0 : i32
      %dma_wait3A_632 = tpu.memref_slice %arg15[%dma_wait3A_630, %dma_wait3A_631] : memref<1024x128xf32, #tpu.memory_space<vmem_shared>> -> memref<1024x128xf32, #tpu.memory_space<vmem_shared>>
      tpu.wait_indirect_dma semaphore(%arg19 : memref<!tpu.dma_semaphore, #tpu.memory_space<semaphore_mem>>) src(%arg9 : memref<128x128xf32, #tpu.memory_space<vmem>>) dst(%dma_wait3A_632 : memref<1024x128xf32, #tpu.memory_space<vmem_shared>>)
      %jit3A_633 = arith.constant 64 : i32
      %eq3A_634 = arith.constant 0 : i32
      %eq3A_635 = arith.cmpi eq, %jit3A_633, %eq3A_634 : i32
      %jit3A_636 = arith.constant 1 : i32
      %select_n3A_637 = arith.select %eq3A_635, %jit3A_636, %jit3A_633 : i32
      %rem3A_638 = arith.remsi %mul3A_482, %select_n3A_637 : i32
      %ne3A_639 = arith.constant 0 : i32
      %ne3A_640 = arith.cmpi ne, %rem3A_638, %ne3A_639 : i32
      %lt3A_641 = arith.constant 0 : i32
      %lt3A_642 = arith.cmpi slt, %rem3A_638, %lt3A_641 : i32
      %lt3A_643 = arith.constant 0 : i32
      %lt3A_644 = arith.cmpi slt, %select_n3A_637, %lt3A_643 : i32
      %ne3A_645 = arith.xori %lt3A_642, %lt3A_644 : i1
      %and3A_646 = arith.andi %ne3A_645, %ne3A_640 : i1
      %add3A_647 = arith.addi %rem3A_638, %select_n3A_637 : i32
      %select_n3A_648 = arith.select %and3A_646, %add3A_647, %rem3A_638 : i32
      %dma_wait3A_649 = arith.constant 0 : i32
      %dma_wait3A_650 = tpu.memref_slice %arg8[%select_n3A_648, %dma_wait3A_649] : memref<64x128xi32, #tpu.memory_space<vmem>> -> memref<1x128xi32, #tpu.memory_space<vmem>>
      %dma_wait3A_651 = tpu.memref_squeeze %dma_wait3A_650 : memref<1x128xi32, #tpu.memory_space<vmem>> -> memref<128xi32, #tpu.memory_space<vmem>>
      %dma_wait3A_652 = arith.constant 0 : i32
      %dma_wait3A_653 = tpu.memref_slice %arg16[%dma_wait3A_652] : memref<1024xf32, #tpu.memory_space<vmem_shared>> -> memref<1024xf32, #tpu.memory_space<vmem_shared>>
      tpu.wait_indirect_dma semaphore(%arg21 : memref<!tpu.dma_semaphore, #tpu.memory_space<semaphore_mem>>) src(%arg11 : memref<128xf32, #tpu.memory_space<vmem>>) dst(%dma_wait3A_653 : memref<1024xf32, #tpu.memory_space<vmem_shared>>)
      %jit3A_654 = arith.constant 64 : i32
      %eq3A_655 = arith.constant 0 : i32
      %eq3A_656 = arith.cmpi eq, %jit3A_654, %eq3A_655 : i32
      %jit3A_657 = arith.constant 1 : i32
      %select_n3A_658 = arith.select %eq3A_656, %jit3A_657, %jit3A_654 : i32
      %rem3A_659 = arith.remsi %add3A_484, %select_n3A_658 : i32
      %ne3A_660 = arith.constant 0 : i32
      %ne3A_661 = arith.cmpi ne, %rem3A_659, %ne3A_660 : i32
      %lt3A_662 = arith.constant 0 : i32
      %lt3A_663 = arith.cmpi slt, %rem3A_659, %lt3A_662 : i32
      %lt3A_664 = arith.constant 0 : i32
      %lt3A_665 = arith.cmpi slt, %select_n3A_658, %lt3A_664 : i32
      %ne3A_666 = arith.xori %lt3A_663, %lt3A_665 : i1
      %and3A_667 = arith.andi %ne3A_666, %ne3A_661 : i1
      %add3A_668 = arith.addi %rem3A_659, %select_n3A_658 : i32
      %select_n3A_669 = arith.select %and3A_667, %add3A_668, %rem3A_659 : i32
      %dma_start3A_670 = arith.constant 0 : i32
      %dma_start3A_671 = tpu.memref_slice %arg8[%select_n3A_669, %dma_start3A_670] : memref<64x128xi32, #tpu.memory_space<vmem>> -> memref<1x128xi32, #tpu.memory_space<vmem>>
      %dma_start3A_672 = tpu.memref_squeeze %dma_start3A_671 : memref<1x128xi32, #tpu.memory_space<vmem>> -> memref<128xi32, #tpu.memory_space<vmem>>
      %dma_start3A_673 = arith.constant 0 : i32
      %dma_start3A_674 = arith.constant 0 : i32
      %dma_start3A_675 = tpu.memref_slice %arg15[%dma_start3A_673, %dma_start3A_674] : memref<1024x128xf32, #tpu.memory_space<vmem_shared>> -> memref<1024x128xf32, #tpu.memory_space<vmem_shared>>
      tpu.enqueue_indirect_dma source(%arg10 : memref<128x128xf32, #tpu.memory_space<vmem>>) target(%dma_start3A_675 : memref<1024x128xf32, #tpu.memory_space<vmem_shared>>) offsets(%dma_start3A_672 : memref<128xi32, #tpu.memory_space<vmem>>) semaphore(%arg20 : memref<!tpu.dma_semaphore, #tpu.memory_space<semaphore_mem>>) {add = true}
      %jit3A_676 = arith.constant 64 : i32
      %eq3A_677 = arith.constant 0 : i32
      %eq3A_678 = arith.cmpi eq, %jit3A_676, %eq3A_677 : i32
      %jit3A_679 = arith.constant 1 : i32
      %select_n3A_680 = arith.select %eq3A_678, %jit3A_679, %jit3A_676 : i32
      %rem3A_681 = arith.remsi %add3A_484, %select_n3A_680 : i32
      %ne3A_682 = arith.constant 0 : i32
      %ne3A_683 = arith.cmpi ne, %rem3A_681, %ne3A_682 : i32
      %lt3A_684 = arith.constant 0 : i32
      %lt3A_685 = arith.cmpi slt, %rem3A_681, %lt3A_684 : i32
      %lt3A_686 = arith.constant 0 : i32
      %lt3A_687 = arith.cmpi slt, %select_n3A_680, %lt3A_686 : i32
      %ne3A_688 = arith.xori %lt3A_685, %lt3A_687 : i1
      %and3A_689 = arith.andi %ne3A_688, %ne3A_683 : i1
      %add3A_690 = arith.addi %rem3A_681, %select_n3A_680 : i32
      %select_n3A_691 = arith.select %and3A_689, %add3A_690, %rem3A_681 : i32
      %dma_start3A_692 = arith.constant 0 : i32
      %dma_start3A_693 = tpu.memref_slice %arg8[%select_n3A_691, %dma_start3A_692] : memref<64x128xi32, #tpu.memory_space<vmem>> -> memref<1x128xi32, #tpu.memory_space<vmem>>
      %dma_start3A_694 = tpu.memref_squeeze %dma_start3A_693 : memref<1x128xi32, #tpu.memory_space<vmem>> -> memref<128xi32, #tpu.memory_space<vmem>>
      %dma_start3A_695 = arith.constant 0 : i32
      %dma_start3A_696 = tpu.memref_slice %arg16[%dma_start3A_695] : memref<1024xf32, #tpu.memory_space<vmem_shared>> -> memref<1024xf32, #tpu.memory_space<vmem_shared>>
      tpu.enqueue_indirect_dma source(%arg11 : memref<128xf32, #tpu.memory_space<vmem>>) target(%dma_start3A_696 : memref<1024xf32, #tpu.memory_space<vmem_shared>>) offsets(%dma_start3A_694 : memref<128xi32, #tpu.memory_space<vmem>>) semaphore(%arg22 : memref<!tpu.dma_semaphore, #tpu.memory_space<semaphore_mem>>) {add = true}
      %add3A_697 = arith.constant 2 : i32
      %add3A_698 = arith.addi %mul3A_482, %add3A_697 : i32
      %jit3A_699 = arith.constant 32 : i32
      %eq3A_700 = arith.constant 0 : i32
      %eq3A_701 = arith.cmpi eq, %jit3A_699, %eq3A_700 : i32
      %jit3A_702 = arith.constant 1 : i32
      %select_n3A_703 = arith.select %eq3A_701, %jit3A_702, %jit3A_699 : i32
      %rem3A_704 = arith.remsi %add3A_698, %select_n3A_703 : i32
      %ne3A_705 = arith.constant 0 : i32
      %ne3A_706 = arith.cmpi ne, %rem3A_704, %ne3A_705 : i32
      %lt3A_707 = arith.constant 0 : i32
      %lt3A_708 = arith.cmpi slt, %rem3A_704, %lt3A_707 : i32
      %lt3A_709 = arith.constant 0 : i32
      %lt3A_710 = arith.cmpi slt, %select_n3A_703, %lt3A_709 : i32
      %ne3A_711 = arith.xori %lt3A_708, %lt3A_710 : i1
      %and3A_712 = arith.andi %ne3A_711, %ne3A_706 : i1
      %add3A_713 = arith.addi %rem3A_704, %select_n3A_703 : i32
      %select_n3A_714 = arith.select %and3A_712, %add3A_713, %rem3A_704 : i32
      %eq3A_715 = arith.constant 0 : i32
      %eq3A_716 = arith.cmpi eq, %select_n3A_714, %eq3A_715 : i32
      %lt3A_717 = arith.constant 32 : i32
      %lt3A_718 = arith.cmpi slt, %add3A_698, %lt3A_717 : i32
      %and3A_719 = arith.andi %eq3A_716, %lt3A_718 : i1
      %convert_element_type3A_720 = arith.extui %and3A_719 : i1 to i32
      %cond3A_721 = arith.constant 0 : i32
      %cond3A_722 = arith.cmpi ne, %convert_element_type3A_720, %cond3A_721 : i32
      scf.if %cond3A_722 {
        %jit3A_730 = arith.constant 64 : i32
        %eq3A_731 = arith.constant 0 : i32
        %eq3A_732 = arith.cmpi eq, %jit3A_730, %eq3A_731 : i32
        %jit3A_733 = arith.constant 1 : i32
        %select_n3A_734 = arith.select %eq3A_732, %jit3A_733, %jit3A_730 : i32
        %rem3A_735 = arith.remsi %add3A_484, %select_n3A_734 : i32
        %ne3A_736 = arith.constant 0 : i32
        %ne3A_737 = arith.cmpi ne, %rem3A_735, %ne3A_736 : i32
        %lt3A_738 = arith.constant 0 : i32
        %lt3A_739 = arith.cmpi slt, %rem3A_735, %lt3A_738 : i32
        %lt3A_740 = arith.constant 0 : i32
        %lt3A_741 = arith.cmpi slt, %select_n3A_734, %lt3A_740 : i32
        %ne3A_742 = arith.xori %lt3A_739, %lt3A_741 : i1
        %and3A_743 = arith.andi %ne3A_742, %ne3A_737 : i1
        %add3A_744 = arith.addi %rem3A_735, %select_n3A_734 : i32
        %select_n3A_745 = arith.select %and3A_743, %add3A_744, %rem3A_735 : i32
        %dma_wait3A_746 = arith.constant 0 : i32
        %dma_wait3A_747 = tpu.memref_slice %arg8[%select_n3A_745, %dma_wait3A_746] : memref<64x128xi32, #tpu.memory_space<vmem>> -> memref<1x128xi32, #tpu.memory_space<vmem>>
        %dma_wait3A_748 = tpu.memref_squeeze %dma_wait3A_747 : memref<1x128xi32, #tpu.memory_space<vmem>> -> memref<128xi32, #tpu.memory_space<vmem>>
        %dma_wait3A_749 = arith.constant 0 : i32
        %dma_wait3A_750 = arith.constant 0 : i32
        %dma_wait3A_751 = tpu.memref_slice %arg15[%dma_wait3A_749, %dma_wait3A_750] : memref<1024x128xf32, #tpu.memory_space<vmem_shared>> -> memref<1024x128xf32, #tpu.memory_space<vmem_shared>>
        tpu.wait_indirect_dma semaphore(%arg20 : memref<!tpu.dma_semaphore, #tpu.memory_space<semaphore_mem>>) src(%arg10 : memref<128x128xf32, #tpu.memory_space<vmem>>) dst(%dma_wait3A_751 : memref<1024x128xf32, #tpu.memory_space<vmem_shared>>)
        %jit3A_752 = arith.constant 64 : i32
        %eq3A_753 = arith.constant 0 : i32
        %eq3A_754 = arith.cmpi eq, %jit3A_752, %eq3A_753 : i32
        %jit3A_755 = arith.constant 1 : i32
        %select_n3A_756 = arith.select %eq3A_754, %jit3A_755, %jit3A_752 : i32
        %rem3A_757 = arith.remsi %add3A_484, %select_n3A_756 : i32
        %ne3A_758 = arith.constant 0 : i32
        %ne3A_759 = arith.cmpi ne, %rem3A_757, %ne3A_758 : i32
        %lt3A_760 = arith.constant 0 : i32
        %lt3A_761 = arith.cmpi slt, %rem3A_757, %lt3A_760 : i32
        %lt3A_762 = arith.constant 0 : i32
        %lt3A_763 = arith.cmpi slt, %select_n3A_756, %lt3A_762 : i32
        %ne3A_764 = arith.xori %lt3A_761, %lt3A_763 : i1
        %and3A_765 = arith.andi %ne3A_764, %ne3A_759 : i1
        %add3A_766 = arith.addi %rem3A_757, %select_n3A_756 : i32
        %select_n3A_767 = arith.select %and3A_765, %add3A_766, %rem3A_757 : i32
        %dma_wait3A_768 = arith.constant 0 : i32
        %dma_wait3A_769 = tpu.memref_slice %arg8[%select_n3A_767, %dma_wait3A_768] : memref<64x128xi32, #tpu.memory_space<vmem>> -> memref<1x128xi32, #tpu.memory_space<vmem>>
        %dma_wait3A_770 = tpu.memref_squeeze %dma_wait3A_769 : memref<1x128xi32, #tpu.memory_space<vmem>> -> memref<128xi32, #tpu.memory_space<vmem>>
        %dma_wait3A_771 = arith.constant 0 : i32
        %dma_wait3A_772 = tpu.memref_slice %arg16[%dma_wait3A_771] : memref<1024xf32, #tpu.memory_space<vmem_shared>> -> memref<1024xf32, #tpu.memory_space<vmem_shared>>
        tpu.wait_indirect_dma semaphore(%arg22 : memref<!tpu.dma_semaphore, #tpu.memory_space<semaphore_mem>>) src(%arg11 : memref<128xf32, #tpu.memory_space<vmem>>) dst(%dma_wait3A_772 : memref<1024xf32, #tpu.memory_space<vmem_shared>>)
        %ge3A = arith.constant 64 : i32
        %ge3A_773 = arith.cmpi sge, %add3A_698, %ge3A : i32
        %convert_element_type3A_774 = arith.extui %ge3A_773 : i1 to i32
        %cond3A_775 = arith.constant 0 : i32
        %cond3A_776 = arith.cmpi ne, %convert_element_type3A_774, %cond3A_775 : i32
        scf.if %cond3A_776 {
          %multiple_of3A = tpu.assume_multiple %add3A_698, 32 : i32
          %add3A_784 = arith.addi %mul3A_445, %multiple_of3A : i32
          %jit3A_785 = arith.constant 32 : i32
          %div3A = arith.divsi %add3A_698, %jit3A_785 : i32
          %sign3A = arith.constant 0 : i32
          %sign3A_786 = arith.cmpi sgt, %add3A_698, %sign3A : i32
          %sign3A_787 = arith.extui %sign3A_786 : i1 to i32
          %sign3A_788 = arith.constant 0 : i32
          %sign3A_789 = arith.cmpi slt, %add3A_698, %sign3A_788 : i32
          %sign3A_790 = arith.extui %sign3A_789 : i1 to i32
          %sign3A_791 = arith.subi %sign3A_787, %sign3A_790 : i32
          %sign3A_792 = arith.constant 0 : i32
          %sign3A_793 = arith.cmpi sgt, %jit3A_785, %sign3A_792 : i32
          %sign3A_794 = arith.extui %sign3A_793 : i1 to i32
          %sign3A_795 = arith.constant 0 : i32
          %sign3A_796 = arith.cmpi slt, %jit3A_785, %sign3A_795 : i32
          %sign3A_797 = arith.extui %sign3A_796 : i1 to i32
          %sign3A_798 = arith.subi %sign3A_794, %sign3A_797 : i32
          %ne3A_799 = arith.cmpi ne, %sign3A_791, %sign3A_798 : i32
          %rem3A_800 = arith.remsi %add3A_698, %jit3A_785 : i32
          %ne3A_801 = arith.constant 0 : i32
          %ne3A_802 = arith.cmpi ne, %rem3A_800, %ne3A_801 : i32
          %and3A_803 = arith.andi %ne3A_799, %ne3A_802 : i1
          %sub3A = arith.constant 1 : i32
          %sub3A_804 = arith.subi %div3A, %sub3A : i32
          %select_n3A_805 = arith.select %and3A_803, %sub3A_804, %div3A : i32
          %jit3A_806 = arith.constant 2 : i32
          %eq3A_807 = arith.constant 0 : i32
          %eq3A_808 = arith.cmpi eq, %jit3A_806, %eq3A_807 : i32
          %jit3A_809 = arith.constant 1 : i32
          %select_n3A_810 = arith.select %eq3A_808, %jit3A_809, %jit3A_806 : i32
          %rem3A_811 = arith.remsi %select_n3A_805, %select_n3A_810 : i32
          %ne3A_812 = arith.constant 0 : i32
          %ne3A_813 = arith.cmpi ne, %rem3A_811, %ne3A_812 : i32
          %lt3A_814 = arith.constant 0 : i32
          %lt3A_815 = arith.cmpi slt, %rem3A_811, %lt3A_814 : i32
          %lt3A_816 = arith.constant 0 : i32
          %lt3A_817 = arith.cmpi slt, %select_n3A_810, %lt3A_816 : i32
          %ne3A_818 = arith.xori %lt3A_815, %lt3A_817 : i1
          %and3A_819 = arith.andi %ne3A_818, %ne3A_813 : i1
          %add3A_820 = arith.addi %rem3A_811, %select_n3A_810 : i32
          %select_n3A_821 = arith.select %and3A_819, %add3A_820, %rem3A_811 : i32
          %mul3A_822 = arith.constant 32 : i32
          %mul3A_823 = arith.muli %select_n3A_821, %mul3A_822 : i32
          %dma_wait3A_824 = arith.constant 0 : i32
          %dma_wait3A_825 = tpu.memref_slice %arg7[%mul3A_823, %dma_wait3A_824] : memref<64x128xi32, #tpu.memory_space<vmem>> -> memref<32x128xi32, #tpu.memory_space<vmem>>
          %dma_wait3A_826 = arith.constant 0 : i32
          %dma_wait3A_827 = tpu.memref_slice %arg3[%add3A_784, %dma_wait3A_826] : memref<1024x128xi32, #tpu.memory_space<hbm>> -> memref<32x128xi32, #tpu.memory_space<hbm>>
          %dma_wait3A_828 = arith.constant 0 : i32
          %dma_wait3A_829 = tpu.memref_slice %arg7[%mul3A_823, %dma_wait3A_828] : memref<64x128xi32, #tpu.memory_space<vmem>> -> memref<32x128xi32, #tpu.memory_space<vmem>>
          %dma_wait3A_830 = arith.constant 0 : i32
          %dma_wait3A_831 = tpu.memref_slice %arg3[%add3A_784, %dma_wait3A_830] : memref<1024x128xi32, #tpu.memory_space<hbm>> -> memref<32x128xi32, #tpu.memory_space<hbm>>
          tpu.wait_dma2 semaphore(%arg23 : memref<!tpu.dma_semaphore, #tpu.memory_space<semaphore_mem>>) src(%dma_wait3A_831 : memref<32x128xi32, #tpu.memory_space<hbm>>) dst(%dma_wait3A_829 : memref<32x128xi32, #tpu.memory_space<vmem>>)
          %multiple_of3A_832 = tpu.assume_multiple %add3A_698, 32 : i32
          %add3A_833 = arith.addi %mul3A_445, %multiple_of3A_832 : i32
          %jit3A_834 = arith.constant 32 : i32
          %div3A_835 = arith.divsi %add3A_698, %jit3A_834 : i32
          %sign3A_836 = arith.constant 0 : i32
          %sign3A_837 = arith.cmpi sgt, %add3A_698, %sign3A_836 : i32
          %sign3A_838 = arith.extui %sign3A_837 : i1 to i32
          %sign3A_839 = arith.constant 0 : i32
          %sign3A_840 = arith.cmpi slt, %add3A_698, %sign3A_839 : i32
          %sign3A_841 = arith.extui %sign3A_840 : i1 to i32
          %sign3A_842 = arith.subi %sign3A_838, %sign3A_841 : i32
          %sign3A_843 = arith.constant 0 : i32
          %sign3A_844 = arith.cmpi sgt, %jit3A_834, %sign3A_843 : i32
          %sign3A_845 = arith.extui %sign3A_844 : i1 to i32
          %sign3A_846 = arith.constant 0 : i32
          %sign3A_847 = arith.cmpi slt, %jit3A_834, %sign3A_846 : i32
          %sign3A_848 = arith.extui %sign3A_847 : i1 to i32
          %sign3A_849 = arith.subi %sign3A_845, %sign3A_848 : i32
          %ne3A_850 = arith.cmpi ne, %sign3A_842, %sign3A_849 : i32
          %rem3A_851 = arith.remsi %add3A_698, %jit3A_834 : i32
          %ne3A_852 = arith.constant 0 : i32
          %ne3A_853 = arith.cmpi ne, %rem3A_851, %ne3A_852 : i32
          %and3A_854 = arith.andi %ne3A_850, %ne3A_853 : i1
          %sub3A_855 = arith.constant 1 : i32
          %sub3A_856 = arith.subi %div3A_835, %sub3A_855 : i32
          %select_n3A_857 = arith.select %and3A_854, %sub3A_856, %div3A_835 : i32
          %jit3A_858 = arith.constant 2 : i32
          %eq3A_859 = arith.constant 0 : i32
          %eq3A_860 = arith.cmpi eq, %jit3A_858, %eq3A_859 : i32
          %jit3A_861 = arith.constant 1 : i32
          %select_n3A_862 = arith.select %eq3A_860, %jit3A_861, %jit3A_858 : i32
          %rem3A_863 = arith.remsi %select_n3A_857, %select_n3A_862 : i32
          %ne3A_864 = arith.constant 0 : i32
          %ne3A_865 = arith.cmpi ne, %rem3A_863, %ne3A_864 : i32
          %lt3A_866 = arith.constant 0 : i32
          %lt3A_867 = arith.cmpi slt, %rem3A_863, %lt3A_866 : i32
          %lt3A_868 = arith.constant 0 : i32
          %lt3A_869 = arith.cmpi slt, %select_n3A_862, %lt3A_868 : i32
          %ne3A_870 = arith.xori %lt3A_867, %lt3A_869 : i1
          %and3A_871 = arith.andi %ne3A_870, %ne3A_865 : i1
          %add3A_872 = arith.addi %rem3A_863, %select_n3A_862 : i32
          %select_n3A_873 = arith.select %and3A_871, %add3A_872, %rem3A_863 : i32
          %mul3A_874 = arith.constant 32 : i32
          %mul3A_875 = arith.muli %select_n3A_873, %mul3A_874 : i32
          %dma_wait3A_876 = arith.constant 0 : i32
          %dma_wait3A_877 = tpu.memref_slice %arg8[%mul3A_875, %dma_wait3A_876] : memref<64x128xi32, #tpu.memory_space<vmem>> -> memref<32x128xi32, #tpu.memory_space<vmem>>
          %dma_wait3A_878 = arith.constant 0 : i32
          %dma_wait3A_879 = tpu.memref_slice %arg4[%add3A_833, %dma_wait3A_878] : memref<1024x128xi32, #tpu.memory_space<hbm>> -> memref<32x128xi32, #tpu.memory_space<hbm>>
          %dma_wait3A_880 = arith.constant 0 : i32
          %dma_wait3A_881 = tpu.memref_slice %arg8[%mul3A_875, %dma_wait3A_880] : memref<64x128xi32, #tpu.memory_space<vmem>> -> memref<32x128xi32, #tpu.memory_space<vmem>>
          %dma_wait3A_882 = arith.constant 0 : i32
          %dma_wait3A_883 = tpu.memref_slice %arg4[%add3A_833, %dma_wait3A_882] : memref<1024x128xi32, #tpu.memory_space<hbm>> -> memref<32x128xi32, #tpu.memory_space<hbm>>
          tpu.wait_dma2 semaphore(%arg23 : memref<!tpu.dma_semaphore, #tpu.memory_space<semaphore_mem>>) src(%dma_wait3A_883 : memref<32x128xi32, #tpu.memory_space<hbm>>) dst(%dma_wait3A_881 : memref<32x128xi32, #tpu.memory_space<vmem>>)
        } else {
        }
        %add3A_777 = arith.constant 32 : i32
        %add3A_778 = arith.addi %add3A_698, %add3A_777 : i32
        %lt3A_779 = arith.constant 32 : i32
        %lt3A_780 = arith.cmpi slt, %add3A_778, %lt3A_779 : i32
        %convert_element_type3A_781 = arith.extui %lt3A_780 : i1 to i32
        %cond3A_782 = arith.constant 0 : i32
        %cond3A_783 = arith.cmpi ne, %convert_element_type3A_781, %cond3A_782 : i32
        scf.if %cond3A_783 {
          %add3A_784 = arith.constant 32 : i32
          %add3A_785 = arith.addi %add3A_698, %add3A_784 : i32
          %multiple_of3A = tpu.assume_multiple %add3A_785, 32 : i32
          %add3A_786 = arith.addi %mul3A_445, %multiple_of3A : i32
          %jit3A_787 = arith.constant 32 : i32
          %div3A = arith.divsi %add3A_785, %jit3A_787 : i32
          %sign3A = arith.constant 0 : i32
          %sign3A_788 = arith.cmpi sgt, %add3A_785, %sign3A : i32
          %sign3A_789 = arith.extui %sign3A_788 : i1 to i32
          %sign3A_790 = arith.constant 0 : i32
          %sign3A_791 = arith.cmpi slt, %add3A_785, %sign3A_790 : i32
          %sign3A_792 = arith.extui %sign3A_791 : i1 to i32
          %sign3A_793 = arith.subi %sign3A_789, %sign3A_792 : i32
          %sign3A_794 = arith.constant 0 : i32
          %sign3A_795 = arith.cmpi sgt, %jit3A_787, %sign3A_794 : i32
          %sign3A_796 = arith.extui %sign3A_795 : i1 to i32
          %sign3A_797 = arith.constant 0 : i32
          %sign3A_798 = arith.cmpi slt, %jit3A_787, %sign3A_797 : i32
          %sign3A_799 = arith.extui %sign3A_798 : i1 to i32
          %sign3A_800 = arith.subi %sign3A_796, %sign3A_799 : i32
          %ne3A_801 = arith.cmpi ne, %sign3A_793, %sign3A_800 : i32
          %rem3A_802 = arith.remsi %add3A_785, %jit3A_787 : i32
          %ne3A_803 = arith.constant 0 : i32
          %ne3A_804 = arith.cmpi ne, %rem3A_802, %ne3A_803 : i32
          %and3A_805 = arith.andi %ne3A_801, %ne3A_804 : i1
          %sub3A = arith.constant 1 : i32
          %sub3A_806 = arith.subi %div3A, %sub3A : i32
          %select_n3A_807 = arith.select %and3A_805, %sub3A_806, %div3A : i32
          %jit3A_808 = arith.constant 2 : i32
          %eq3A_809 = arith.constant 0 : i32
          %eq3A_810 = arith.cmpi eq, %jit3A_808, %eq3A_809 : i32
          %jit3A_811 = arith.constant 1 : i32
          %select_n3A_812 = arith.select %eq3A_810, %jit3A_811, %jit3A_808 : i32
          %rem3A_813 = arith.remsi %select_n3A_807, %select_n3A_812 : i32
          %ne3A_814 = arith.constant 0 : i32
          %ne3A_815 = arith.cmpi ne, %rem3A_813, %ne3A_814 : i32
          %lt3A_816 = arith.constant 0 : i32
          %lt3A_817 = arith.cmpi slt, %rem3A_813, %lt3A_816 : i32
          %lt3A_818 = arith.constant 0 : i32
          %lt3A_819 = arith.cmpi slt, %select_n3A_812, %lt3A_818 : i32
          %ne3A_820 = arith.xori %lt3A_817, %lt3A_819 : i1
          %and3A_821 = arith.andi %ne3A_820, %ne3A_815 : i1
          %add3A_822 = arith.addi %rem3A_813, %select_n3A_812 : i32
          %select_n3A_823 = arith.select %and3A_821, %add3A_822, %rem3A_813 : i32
          %mul3A_824 = arith.constant 32 : i32
          %mul3A_825 = arith.muli %select_n3A_823, %mul3A_824 : i32
          %dma_start3A_826 = arith.constant 0 : i32
          %dma_start3A_827 = tpu.memref_slice %arg7[%mul3A_825, %dma_start3A_826] : memref<64x128xi32, #tpu.memory_space<vmem>> -> memref<32x128xi32, #tpu.memory_space<vmem>>
          %dma_start3A_828 = arith.constant 0 : i32
          %dma_start3A_829 = tpu.memref_slice %arg3[%add3A_786, %dma_start3A_828] : memref<1024x128xi32, #tpu.memory_space<hbm>> -> memref<32x128xi32, #tpu.memory_space<hbm>>
          %dma_start3A_830 = arith.constant 0 : i32
          %dma_start3A_831 = tpu.memref_slice %arg7[%mul3A_825, %dma_start3A_830] : memref<64x128xi32, #tpu.memory_space<vmem>> -> memref<32x128xi32, #tpu.memory_space<vmem>>
          %dma_start3A_832 = arith.constant 0 : i32
          %dma_start3A_833 = tpu.memref_slice %arg3[%add3A_786, %dma_start3A_832] : memref<1024x128xi32, #tpu.memory_space<hbm>> -> memref<32x128xi32, #tpu.memory_space<hbm>>
          tpu.enqueue_dma source(%dma_start3A_833 : memref<32x128xi32, #tpu.memory_space<hbm>>) target(%dma_start3A_831 : memref<32x128xi32, #tpu.memory_space<vmem>>) target_semaphore(%arg23 : memref<!tpu.dma_semaphore, #tpu.memory_space<semaphore_mem>>)
          %add3A_834 = arith.constant 32 : i32
          %add3A_835 = arith.addi %add3A_698, %add3A_834 : i32
          %multiple_of3A_836 = tpu.assume_multiple %add3A_835, 32 : i32
          %add3A_837 = arith.addi %mul3A_445, %multiple_of3A_836 : i32
          %jit3A_838 = arith.constant 32 : i32
          %div3A_839 = arith.divsi %add3A_835, %jit3A_838 : i32
          %sign3A_840 = arith.constant 0 : i32
          %sign3A_841 = arith.cmpi sgt, %add3A_835, %sign3A_840 : i32
          %sign3A_842 = arith.extui %sign3A_841 : i1 to i32
          %sign3A_843 = arith.constant 0 : i32
          %sign3A_844 = arith.cmpi slt, %add3A_835, %sign3A_843 : i32
          %sign3A_845 = arith.extui %sign3A_844 : i1 to i32
          %sign3A_846 = arith.subi %sign3A_842, %sign3A_845 : i32
          %sign3A_847 = arith.constant 0 : i32
          %sign3A_848 = arith.cmpi sgt, %jit3A_838, %sign3A_847 : i32
          %sign3A_849 = arith.extui %sign3A_848 : i1 to i32
          %sign3A_850 = arith.constant 0 : i32
          %sign3A_851 = arith.cmpi slt, %jit3A_838, %sign3A_850 : i32
          %sign3A_852 = arith.extui %sign3A_851 : i1 to i32
          %sign3A_853 = arith.subi %sign3A_849, %sign3A_852 : i32
          %ne3A_854 = arith.cmpi ne, %sign3A_846, %sign3A_853 : i32
          %rem3A_855 = arith.remsi %add3A_835, %jit3A_838 : i32
          %ne3A_856 = arith.constant 0 : i32
          %ne3A_857 = arith.cmpi ne, %rem3A_855, %ne3A_856 : i32
          %and3A_858 = arith.andi %ne3A_854, %ne3A_857 : i1
          %sub3A_859 = arith.constant 1 : i32
          %sub3A_860 = arith.subi %div3A_839, %sub3A_859 : i32
          %select_n3A_861 = arith.select %and3A_858, %sub3A_860, %div3A_839 : i32
          %jit3A_862 = arith.constant 2 : i32
          %eq3A_863 = arith.constant 0 : i32
          %eq3A_864 = arith.cmpi eq, %jit3A_862, %eq3A_863 : i32
          %jit3A_865 = arith.constant 1 : i32
          %select_n3A_866 = arith.select %eq3A_864, %jit3A_865, %jit3A_862 : i32
          %rem3A_867 = arith.remsi %select_n3A_861, %select_n3A_866 : i32
          %ne3A_868 = arith.constant 0 : i32
          %ne3A_869 = arith.cmpi ne, %rem3A_867, %ne3A_868 : i32
          %lt3A_870 = arith.constant 0 : i32
          %lt3A_871 = arith.cmpi slt, %rem3A_867, %lt3A_870 : i32
          %lt3A_872 = arith.constant 0 : i32
          %lt3A_873 = arith.cmpi slt, %select_n3A_866, %lt3A_872 : i32
          %ne3A_874 = arith.xori %lt3A_871, %lt3A_873 : i1
          %and3A_875 = arith.andi %ne3A_874, %ne3A_869 : i1
          %add3A_876 = arith.addi %rem3A_867, %select_n3A_866 : i32
          %select_n3A_877 = arith.select %and3A_875, %add3A_876, %rem3A_867 : i32
          %mul3A_878 = arith.constant 32 : i32
          %mul3A_879 = arith.muli %select_n3A_877, %mul3A_878 : i32
          %dma_start3A_880 = arith.constant 0 : i32
          %dma_start3A_881 = tpu.memref_slice %arg8[%mul3A_879, %dma_start3A_880] : memref<64x128xi32, #tpu.memory_space<vmem>> -> memref<32x128xi32, #tpu.memory_space<vmem>>
          %dma_start3A_882 = arith.constant 0 : i32
          %dma_start3A_883 = tpu.memref_slice %arg4[%add3A_837, %dma_start3A_882] : memref<1024x128xi32, #tpu.memory_space<hbm>> -> memref<32x128xi32, #tpu.memory_space<hbm>>
          %dma_start3A_884 = arith.constant 0 : i32
          %dma_start3A_885 = tpu.memref_slice %arg8[%mul3A_879, %dma_start3A_884] : memref<64x128xi32, #tpu.memory_space<vmem>> -> memref<32x128xi32, #tpu.memory_space<vmem>>
          %dma_start3A_886 = arith.constant 0 : i32
          %dma_start3A_887 = tpu.memref_slice %arg4[%add3A_837, %dma_start3A_886] : memref<1024x128xi32, #tpu.memory_space<hbm>> -> memref<32x128xi32, #tpu.memory_space<hbm>>
          tpu.enqueue_dma source(%dma_start3A_887 : memref<32x128xi32, #tpu.memory_space<hbm>>) target(%dma_start3A_885 : memref<32x128xi32, #tpu.memory_space<vmem>>) target_semaphore(%arg23 : memref<!tpu.dma_semaphore, #tpu.memory_space<semaphore_mem>>)
        } else {
        }
      } else {
      }
      %add3A_723 = arith.constant 1 : i32
      %add3A_724 = arith.addi %scan3A_480, %add3A_723 : i32
      %lt3A_725 = arith.constant 16 : i32
      %lt3A_726 = arith.cmpi slt, %add3A_724, %lt3A_725 : i32
      %convert_element_type3A_727 = arith.extui %lt3A_726 : i1 to i32
      %cond3A_728 = arith.constant 0 : i32
      %cond3A_729 = arith.cmpi ne, %convert_element_type3A_727, %cond3A_728 : i32
      scf.if %cond3A_729 {
        %jit3A_730 = arith.constant 64 : i32
        %eq3A_731 = arith.constant 0 : i32
        %eq3A_732 = arith.cmpi eq, %jit3A_730, %eq3A_731 : i32
        %jit3A_733 = arith.constant 1 : i32
        %select_n3A_734 = arith.select %eq3A_732, %jit3A_733, %jit3A_730 : i32
        %rem3A_735 = arith.remsi %add3A_698, %select_n3A_734 : i32
        %ne3A_736 = arith.constant 0 : i32
        %ne3A_737 = arith.cmpi ne, %rem3A_735, %ne3A_736 : i32
        %lt3A_738 = arith.constant 0 : i32
        %lt3A_739 = arith.cmpi slt, %rem3A_735, %lt3A_738 : i32
        %lt3A_740 = arith.constant 0 : i32
        %lt3A_741 = arith.cmpi slt, %select_n3A_734, %lt3A_740 : i32
        %ne3A_742 = arith.xori %lt3A_739, %lt3A_741 : i1
        %and3A_743 = arith.andi %ne3A_742, %ne3A_737 : i1
        %add3A_744 = arith.addi %rem3A_735, %select_n3A_734 : i32
        %select_n3A_745 = arith.select %and3A_743, %add3A_744, %rem3A_735 : i32
        %dma_start3A_746 = arith.constant 0 : i32
        %dma_start3A_747 = tpu.memref_slice %arg7[%select_n3A_745, %dma_start3A_746] : memref<64x128xi32, #tpu.memory_space<vmem>> -> memref<1x128xi32, #tpu.memory_space<vmem>>
        %dma_start3A_748 = tpu.memref_squeeze %dma_start3A_747 : memref<1x128xi32, #tpu.memory_space<vmem>> -> memref<128xi32, #tpu.memory_space<vmem>>
        %dma_start3A_749 = arith.constant 0 : i32
        %dma_start3A_750 = arith.constant 0 : i32
        %dma_start3A_751 = tpu.memref_slice %arg14[%dma_start3A_749, %dma_start3A_750] : memref<4096x128xf32, #tpu.memory_space<vmem_shared>> -> memref<4096x128xf32, #tpu.memory_space<vmem_shared>>
        tpu.enqueue_indirect_dma source(%dma_start3A_751 : memref<4096x128xf32, #tpu.memory_space<vmem_shared>>) target(%arg9 : memref<128x128xf32, #tpu.memory_space<vmem>>) offsets(%dma_start3A_748 : memref<128xi32, #tpu.memory_space<vmem>>) semaphore(%arg17 : memref<!tpu.dma_semaphore, #tpu.memory_space<semaphore_mem>>)
      } else {
      }
    }
    %scan3A_457 = arith.constant 16 : i32
    %dma_wait3A = arith.constant 31 : i32
    %dma_wait3A_458 = arith.constant 0 : i32
    %dma_wait3A_459 = tpu.memref_slice %arg8[%dma_wait3A, %dma_wait3A_458] : memref<64x128xi32, #tpu.memory_space<vmem>> -> memref<1x128xi32, #tpu.memory_space<vmem>>
    %dma_wait3A_460 = tpu.memref_squeeze %dma_wait3A_459 : memref<1x128xi32, #tpu.memory_space<vmem>> -> memref<128xi32, #tpu.memory_space<vmem>>
    %dma_wait3A_461 = arith.constant 0 : i32
    %dma_wait3A_462 = arith.constant 0 : i32
    %dma_wait3A_463 = tpu.memref_slice %arg15[%dma_wait3A_461, %dma_wait3A_462] : memref<1024x128xf32, #tpu.memory_space<vmem_shared>> -> memref<1024x128xf32, #tpu.memory_space<vmem_shared>>
    tpu.wait_indirect_dma semaphore(%arg20 : memref<!tpu.dma_semaphore, #tpu.memory_space<semaphore_mem>>) src(%arg10 : memref<128x128xf32, #tpu.memory_space<vmem>>) dst(%dma_wait3A_463 : memref<1024x128xf32, #tpu.memory_space<vmem_shared>>)
    %dma_wait3A_464 = arith.constant 31 : i32
    %dma_wait3A_465 = arith.constant 0 : i32
    %dma_wait3A_466 = tpu.memref_slice %arg8[%dma_wait3A_464, %dma_wait3A_465] : memref<64x128xi32, #tpu.memory_space<vmem>> -> memref<1x128xi32, #tpu.memory_space<vmem>>
    %dma_wait3A_467 = tpu.memref_squeeze %dma_wait3A_466 : memref<1x128xi32, #tpu.memory_space<vmem>> -> memref<128xi32, #tpu.memory_space<vmem>>
    %dma_wait3A_468 = arith.constant 0 : i32
    %dma_wait3A_469 = tpu.memref_slice %arg16[%dma_wait3A_468] : memref<1024xf32, #tpu.memory_space<vmem_shared>> -> memref<1024xf32, #tpu.memory_space<vmem_shared>>
    tpu.wait_indirect_dma semaphore(%arg22 : memref<!tpu.dma_semaphore, #tpu.memory_space<semaphore_mem>>) src(%arg11 : memref<128xf32, #tpu.memory_space<vmem>>) dst(%dma_wait3A_469 : memref<1024xf32, #tpu.memory_space<vmem_shared>>)
    %barrier3A_470 = arith.constant 0 : index
    tpu.barrier barrier_id(%barrier3A_470)
    %mul3A_471 = arith.constant 64 : i32
    %mul3A_472 = arith.muli %arg1, %mul3A_471 : i32
    %mul3A_473 = arith.constant 64 : i32
    %mul3A_474 = arith.muli %arg1, %mul3A_473 : i32
    "tpu.region"() ({
      %run_scoped3A = tpu.sem_alloc : memref<!tpu.dma_semaphore, #tpu.memory_space<semaphore_mem>>
      %dma_start3A_480 = arith.constant 0 : i32
      %dma_start3A_481 = tpu.memref_slice %arg5[%arg0, %mul3A_474, %dma_start3A_480] : memref<2x1024x128xf32, #tpu.memory_space<hbm>> -> memref<1x64x128xf32, #tpu.memory_space<hbm>>
      %dma_start3A_482 = tpu.memref_squeeze %dma_start3A_481 : memref<1x64x128xf32, #tpu.memory_space<hbm>> -> memref<64x128xf32, #tpu.memory_space<hbm>>
      %dma_start3A_483 = arith.constant 0 : i32
      %dma_start3A_484 = tpu.memref_slice %arg15[%mul3A_472, %dma_start3A_483] : memref<1024x128xf32, #tpu.memory_space<vmem_shared>> -> memref<64x128xf32, #tpu.memory_space<vmem_shared>>
      tpu.enqueue_dma source(%dma_start3A_484 : memref<64x128xf32, #tpu.memory_space<vmem_shared>>) target(%dma_start3A_482 : memref<64x128xf32, #tpu.memory_space<hbm>>) target_semaphore(%run_scoped3A : memref<!tpu.dma_semaphore, #tpu.memory_space<semaphore_mem>>)
      %dma_wait3A_485 = arith.constant 0 : i32
      %dma_wait3A_486 = tpu.memref_slice %arg5[%arg0, %mul3A_474, %dma_wait3A_485] : memref<2x1024x128xf32, #tpu.memory_space<hbm>> -> memref<1x64x128xf32, #tpu.memory_space<hbm>>
      %dma_wait3A_487 = tpu.memref_squeeze %dma_wait3A_486 : memref<1x64x128xf32, #tpu.memory_space<hbm>> -> memref<64x128xf32, #tpu.memory_space<hbm>>
      %dma_wait3A_488 = arith.constant 0 : i32
      %dma_wait3A_489 = tpu.memref_slice %arg15[%mul3A_472, %dma_wait3A_488] : memref<1024x128xf32, #tpu.memory_space<vmem_shared>> -> memref<64x128xf32, #tpu.memory_space<vmem_shared>>
      tpu.wait_dma2 semaphore(%run_scoped3A : memref<!tpu.dma_semaphore, #tpu.memory_space<semaphore_mem>>) src(%dma_wait3A_489 : memref<64x128xf32, #tpu.memory_space<vmem_shared>>) dst(%dma_wait3A_487 : memref<64x128xf32, #tpu.memory_space<hbm>>)
      tpu.yield
    }) : () -> ()
    %lt3A_475 = arith.constant 1 : i32
    %lt3A_476 = arith.cmpi slt, %arg1, %lt3A_475 : i32
    %convert_element_type3A_477 = arith.extui %lt3A_476 : i1 to i32
    %cond3A_478 = arith.constant 0 : i32
    %cond3A_479 = arith.cmpi ne, %convert_element_type3A_477, %cond3A_478 : i32
    scf.if %cond3A_479 {
      %mul3A_480 = arith.constant 1024 : i32
      %mul3A_481 = arith.muli %arg1, %mul3A_480 : i32
      "tpu.region"() ({
        %run_scoped3A = tpu.sem_alloc : memref<!tpu.dma_semaphore, #tpu.memory_space<semaphore_mem>>
        %dma_start3A_490 = tpu.memref_slice %arg16[%mul3A_481] : memref<1024xf32, #tpu.memory_space<vmem_shared>> -> memref<1024xf32, #tpu.memory_space<vmem_shared>>
        %dma_start3A_491 = tpu.memref_slice %arg16[%mul3A_481] : memref<1024xf32, #tpu.memory_space<vmem_shared>> -> memref<1024xf32, #tpu.memory_space<vmem_shared>>
        tpu.enqueue_dma source(%dma_start3A_491 : memref<1024xf32, #tpu.memory_space<vmem_shared>>) target(%arg13 : memref<1024xf32, #tpu.memory_space<vmem>>) target_semaphore(%run_scoped3A : memref<!tpu.dma_semaphore, #tpu.memory_space<semaphore_mem>>)
        %dma_wait3A_492 = tpu.memref_slice %arg16[%mul3A_481] : memref<1024xf32, #tpu.memory_space<vmem_shared>> -> memref<1024xf32, #tpu.memory_space<vmem_shared>>
        %dma_wait3A_493 = tpu.memref_slice %arg16[%mul3A_481] : memref<1024xf32, #tpu.memory_space<vmem_shared>> -> memref<1024xf32, #tpu.memory_space<vmem_shared>>
        tpu.wait_dma2 semaphore(%run_scoped3A : memref<!tpu.dma_semaphore, #tpu.memory_space<semaphore_mem>>) src(%dma_wait3A_493 : memref<1024xf32, #tpu.memory_space<vmem_shared>>) dst(%arg13 : memref<1024xf32, #tpu.memory_space<vmem>>)
        tpu.yield
      }) : () -> ()
      %scan3A_482 = arith.constant 0 : i32
      %scan3A_483 = arith.constant 0 : i32
      %scan3A_484 = arith.constant 64 : i32
      %scan3A_485 = arith.addi %scan3A_483, %scan3A_484 : i32
      %scan3A_486 = arith.constant 1 : i32
      scf.for %scan3A_490 = %scan3A_483 to %scan3A_485 step %scan3A_486  : i32 {
        %mul3A_491 = arith.constant 16 : i32
        %mul3A_492 = arith.muli %scan3A_490, %mul3A_491 : i32
        %get3A = arith.index_cast %mul3A_492 : i32 to index
        %get3A_493 = tpu.vector_load %arg13[%get3A] {strides = array<i32>} : memref<1024xf32, #tpu.memory_space<vmem>>, vector<16xf32>,
        %get3A_494 = vector.shape_cast %get3A_493 : vector<16xf32> to vector<16xf32>
        %shift_right_arithmetic3A = arith.constant 3 : i32
        %shift_right_arithmetic3A_495 = arith.shrsi %scan3A_490, %shift_right_arithmetic3A : i32
        %and3A = arith.constant 7 : i32
        %and3A_496 = arith.andi %scan3A_490, %and3A : i32
        %mul3A_497 = arith.constant 16 : i32
        %mul3A_498 = arith.muli %and3A_496, %mul3A_497 : i32
        %swap3A_499 = arith.index_cast %shift_right_arithmetic3A_495 : i32 to index
        %swap3A_500 = arith.index_cast %mul3A_498 : i32 to index
        %swap3A_501 = tpu.vector_load %arg12[%swap3A_499, %swap3A_500] {strides = array<i32>} : memref<8x128xf32, #tpu.memory_space<vmem>>, vector<1x16xf32>,
        %swap3A_502 = vector.shape_cast %swap3A_501 : vector<1x16xf32> to vector<16xf32>
        %swap3A_503 = vector.shape_cast %get3A_494 : vector<16xf32> to vector<1x16xf32>
        tpu.vector_store %arg12[%swap3A_499, %swap3A_500], %swap3A_503 {strides = array<i32>} : memref<8x128xf32, #tpu.memory_space<vmem>>, vector<1x16xf32>,
      }
      %scan3A_487 = arith.constant 64 : i32
      %mul3A_488 = arith.constant 8 : i32
      %mul3A_489 = arith.muli %arg1, %mul3A_488 : i32
      "tpu.region"() ({
        %run_scoped3A = tpu.sem_alloc : memref<!tpu.dma_semaphore, #tpu.memory_space<semaphore_mem>>
        %dma_start3A_490 = arith.constant 0 : i32
        %dma_start3A_491 = tpu.memref_slice %arg6[%arg0, %mul3A_489, %dma_start3A_490] : memref<2x8x128xf32, #tpu.memory_space<hbm>> -> memref<1x8x128xf32, #tpu.memory_space<hbm>>
        %dma_start3A_492 = tpu.memref_squeeze %dma_start3A_491 : memref<1x8x128xf32, #tpu.memory_space<hbm>> -> memref<8x128xf32, #tpu.memory_space<hbm>>
        %dma_start3A_493 = arith.constant 0 : i32
        %dma_start3A_494 = tpu.memref_slice %arg6[%arg0, %mul3A_489, %dma_start3A_493] : memref<2x8x128xf32, #tpu.memory_space<hbm>> -> memref<1x8x128xf32, #tpu.memory_space<hbm>>
        %dma_start3A_495 = tpu.memref_squeeze %dma_start3A_494 : memref<1x8x128xf32, #tpu.memory_space<hbm>> -> memref<8x128xf32, #tpu.memory_space<hbm>>
        tpu.enqueue_dma source(%arg12 : memref<8x128xf32, #tpu.memory_space<vmem>>) target(%dma_start3A_495 : memref<8x128xf32, #tpu.memory_space<hbm>>) target_semaphore(%run_scoped3A : memref<!tpu.dma_semaphore, #tpu.memory_space<semaphore_mem>>)
        %dma_wait3A_496 = arith.constant 0 : i32
        %dma_wait3A_497 = tpu.memref_slice %arg6[%arg0, %mul3A_489, %dma_wait3A_496] : memref<2x8x128xf32, #tpu.memory_space<hbm>> -> memref<1x8x128xf32, #tpu.memory_space<hbm>>
        %dma_wait3A_498 = tpu.memref_squeeze %dma_wait3A_497 : memref<1x8x128xf32, #tpu.memory_space<hbm>> -> memref<8x128xf32, #tpu.memory_space<hbm>>
        %dma_wait3A_499 = arith.constant 0 : i32
        %dma_wait3A_500 = tpu.memref_slice %arg6[%arg0, %mul3A_489, %dma_wait3A_499] : memref<2x8x128xf32, #tpu.memory_space<hbm>> -> memref<1x8x128xf32, #tpu.memory_space<hbm>>
        %dma_wait3A_501 = tpu.memref_squeeze %dma_wait3A_500 : memref<1x8x128xf32, #tpu.memory_space<hbm>> -> memref<8x128xf32, #tpu.memory_space<hbm>>
        tpu.wait_dma2 semaphore(%run_scoped3A : memref<!tpu.dma_semaphore, #tpu.memory_space<semaphore_mem>>) src(%arg12 : memref<8x128xf32, #tpu.memory_space<vmem>>) dst(%dma_wait3A_501 : memref<8x128xf32, #tpu.memory_space<hbm>>)
        tpu.yield
      }) : () -> ()
    } else {
    }
    return
  }
}

module attributes {stable_mosaic.version = 14 : i64} {
  func.func @_sage_tc1(%arg0: memref<4096x128xf32, #tpu.memory_space<vmem>>, %arg1: memref<2x4096x128xf32, #tpu.memory_space<vmem>>, %arg2: memref<2x4096x1xf32, #tpu.memory_space<vmem>>, %arg3: memref<128x128xf32, #tpu.memory_space<vmem>>, %arg4: memref<128x128xf32, #tpu.memory_space<vmem>>, %arg5: memref<1x128xf32, #tpu.memory_space<vmem>>, %arg6: memref<4096x128xf32, #tpu.memory_space<vmem>>) attributes {dimension_semantics = [], scalar_prefetch = 0 : i64, scratch_operands = 0 : i64, tpu.core_type = #tpu.core_type<tc>} {
    %get3A = arith.constant 0 : index
    %get3A_0 = arith.constant 0 : index
    %get3A_1 = arith.constant 0 : index
    %get3A_2 = vector.load %arg1[%get3A, %get3A_0, %get3A_1] : memref<2x4096x128xf32, #tpu.memory_space<vmem>>, vector<1x4096x128xf32>
    %get3A_3 = vector.shape_cast %get3A_2 : vector<1x4096x128xf32> to vector<4096x128xf32>
    %get3A_4 = arith.constant 1 : index
    %get3A_5 = arith.constant 0 : index
    %get3A_6 = arith.constant 0 : index
    %get3A_7 = vector.load %arg1[%get3A_4, %get3A_5, %get3A_6] : memref<2x4096x128xf32, #tpu.memory_space<vmem>>, vector<1x4096x128xf32>
    %get3A_8 = vector.shape_cast %get3A_7 : vector<1x4096x128xf32> to vector<4096x128xf32>
    %add3A = arith.addf %get3A_3, %get3A_8 : vector<4096x128xf32>
    %get3A_9 = arith.constant 0 : index
    %get3A_10 = arith.constant 0 : index
    %get3A_11 = arith.constant 0 : index
    %get3A_12 = vector.load %arg2[%get3A_9, %get3A_10, %get3A_11] : memref<2x4096x1xf32, #tpu.memory_space<vmem>>, vector<1x4096x1xf32>
    %get3A_13 = vector.shape_cast %get3A_12 : vector<1x4096x1xf32> to vector<4096x1xf32>
    %get3A_14 = arith.constant 1 : index
    %get3A_15 = arith.constant 0 : index
    %get3A_16 = arith.constant 0 : index
    %get3A_17 = vector.load %arg2[%get3A_14, %get3A_15, %get3A_16] : memref<2x4096x1xf32, #tpu.memory_space<vmem>>, vector<1x4096x1xf32>
    %get3A_18 = vector.shape_cast %get3A_17 : vector<1x4096x1xf32> to vector<4096x1xf32>
    %add3A_19 = arith.addf %get3A_13, %get3A_18 : vector<4096x1xf32>
    %max3A = arith.constant 1.000000e+00 : f32
    %max3A_20 = vector.broadcast %max3A : f32 to vector<4096x1xf32>
    %max3A_21 = arith.maximumf %add3A_19, %max3A_20 : vector<4096x1xf32>
    %div3A = arith.constant 1.000000e+00 : f32
    %div3A_22 = vector.broadcast %div3A : f32 to vector<4096x1xf32>
    %div3A_23 = arith.divf %div3A_22, %max3A_21 : vector<4096x1xf32>
    %mul3A = vector.broadcast %div3A_23 : vector<4096x1xf32> to vector<4096x128xf32>
    %mul3A_24 = arith.mulf %add3A, %mul3A : vector<4096x128xf32>
    %get3A_25 = arith.constant 0 : index
    %get3A_26 = arith.constant 0 : index
    %get3A_27 = vector.load %arg0[%get3A_25, %get3A_26] : memref<4096x128xf32, #tpu.memory_space<vmem>>, vector<4096x128xf32>
    %get3A_28 = arith.constant 0 : index
    %get3A_29 = arith.constant 0 : index
    %get3A_30 = vector.load %arg3[%get3A_28, %get3A_29] : memref<128x128xf32, #tpu.memory_space<vmem>>, vector<128x128xf32>
    %dot_general3A = arith.constant dense<0.000000e+00> : vector<4096x128xf32>
    %dot_general3A_31 = tpu.matmul %get3A_27, %get3A_30, %dot_general3A {dimension_numbers = #tpu.dot_dimension_numbers<[1], [0], [0], [1], [0, 0, 1, 1], [], []>, transpose_lhs_hint = false} : vector<4096x128xf32>, vector<128x128xf32>, vector<4096x128xf32> -> vector<4096x128xf32>
    %get3A_32 = arith.constant 0 : index
    %get3A_33 = arith.constant 0 : index
    %get3A_34 = vector.load %arg4[%get3A_32, %get3A_33] : memref<128x128xf32, #tpu.memory_space<vmem>>, vector<128x128xf32>
    %dot_general3A_35 = arith.constant dense<0.000000e+00> : vector<4096x128xf32>
    %dot_general3A_36 = tpu.matmul %mul3A_24, %get3A_34, %dot_general3A_35 {dimension_numbers = #tpu.dot_dimension_numbers<[1], [0], [0], [1], [0, 0, 1, 1], [], []>, transpose_lhs_hint = false} : vector<4096x128xf32>, vector<128x128xf32>, vector<4096x128xf32> -> vector<4096x128xf32>
    %add3A_37 = arith.addf %dot_general3A_31, %dot_general3A_36 : vector<4096x128xf32>
    %get3A_38 = arith.constant 0 : index
    %get3A_39 = arith.constant 0 : index
    %get3A_40 = vector.load %arg5[%get3A_38, %get3A_39] : memref<1x128xf32, #tpu.memory_space<vmem>>, vector<1x128xf32>
    %add3A_41 = vector.broadcast %get3A_40 : vector<1x128xf32> to vector<4096x128xf32>
    %add3A_42 = arith.addf %add3A_37, %add3A_41 : vector<4096x128xf32>
    %max3A_43 = arith.constant 0.000000e+00 : f32
    %max3A_44 = vector.broadcast %max3A_43 : f32 to vector<4096x128xf32>
    %max3A_45 = arith.maximumf %add3A_42, %max3A_44 : vector<4096x128xf32>
    %swap3A = arith.constant 0 : index
    %swap3A_46 = arith.constant 0 : index
    %swap3A_47 = vector.load %arg6[%swap3A, %swap3A_46] : memref<4096x128xf32, #tpu.memory_space<vmem>>, vector<4096x128xf32>
    tpu.vector_store %arg6[%swap3A, %swap3A_46], %max3A_45 {strides = array<i32>} : memref<4096x128xf32, #tpu.memory_space<vmem>>, vector<4096x128xf32>,
    return
  }
}

module attributes {stable_mosaic.version = 14 : i64} {
  func.func @_sage_tc2(%arg0: memref<1024x128xf32, #tpu.memory_space<vmem>>, %arg1: memref<2x1024x128xf32, #tpu.memory_space<vmem>>, %arg2: memref<2x1024x1xf32, #tpu.memory_space<vmem>>, %arg3: memref<128x128xf32, #tpu.memory_space<vmem>>, %arg4: memref<128x128xf32, #tpu.memory_space<vmem>>, %arg5: memref<1x128xf32, #tpu.memory_space<vmem>>, %arg6: memref<128x16xf32, #tpu.memory_space<vmem>>, %arg7: memref<1x16xf32, #tpu.memory_space<vmem>>, %arg8: memref<1024x16xf32, #tpu.memory_space<vmem>>) attributes {dimension_semantics = [], scalar_prefetch = 0 : i64, scratch_operands = 0 : i64, tpu.core_type = #tpu.core_type<tc>} {
    %get3A = arith.constant 0 : index
    %get3A_0 = arith.constant 0 : index
    %get3A_1 = arith.constant 0 : index
    %get3A_2 = vector.load %arg1[%get3A, %get3A_0, %get3A_1] : memref<2x1024x128xf32, #tpu.memory_space<vmem>>, vector<1x1024x128xf32>
    %get3A_3 = vector.shape_cast %get3A_2 : vector<1x1024x128xf32> to vector<1024x128xf32>
    %get3A_4 = arith.constant 1 : index
    %get3A_5 = arith.constant 0 : index
    %get3A_6 = arith.constant 0 : index
    %get3A_7 = vector.load %arg1[%get3A_4, %get3A_5, %get3A_6] : memref<2x1024x128xf32, #tpu.memory_space<vmem>>, vector<1x1024x128xf32>
    %get3A_8 = vector.shape_cast %get3A_7 : vector<1x1024x128xf32> to vector<1024x128xf32>
    %add3A = arith.addf %get3A_3, %get3A_8 : vector<1024x128xf32>
    %get3A_9 = arith.constant 0 : index
    %get3A_10 = arith.constant 0 : index
    %get3A_11 = arith.constant 0 : index
    %get3A_12 = vector.load %arg2[%get3A_9, %get3A_10, %get3A_11] : memref<2x1024x1xf32, #tpu.memory_space<vmem>>, vector<1x1024x1xf32>
    %get3A_13 = vector.shape_cast %get3A_12 : vector<1x1024x1xf32> to vector<1024x1xf32>
    %get3A_14 = arith.constant 1 : index
    %get3A_15 = arith.constant 0 : index
    %get3A_16 = arith.constant 0 : index
    %get3A_17 = vector.load %arg2[%get3A_14, %get3A_15, %get3A_16] : memref<2x1024x1xf32, #tpu.memory_space<vmem>>, vector<1x1024x1xf32>
    %get3A_18 = vector.shape_cast %get3A_17 : vector<1x1024x1xf32> to vector<1024x1xf32>
    %add3A_19 = arith.addf %get3A_13, %get3A_18 : vector<1024x1xf32>
    %max3A = arith.constant 1.000000e+00 : f32
    %max3A_20 = vector.broadcast %max3A : f32 to vector<1024x1xf32>
    %max3A_21 = arith.maximumf %add3A_19, %max3A_20 : vector<1024x1xf32>
    %div3A = arith.constant 1.000000e+00 : f32
    %div3A_22 = vector.broadcast %div3A : f32 to vector<1024x1xf32>
    %div3A_23 = arith.divf %div3A_22, %max3A_21 : vector<1024x1xf32>
    %mul3A = vector.broadcast %div3A_23 : vector<1024x1xf32> to vector<1024x128xf32>
    %mul3A_24 = arith.mulf %add3A, %mul3A : vector<1024x128xf32>
    %get3A_25 = arith.constant 0 : index
    %get3A_26 = arith.constant 0 : index
    %get3A_27 = vector.load %arg0[%get3A_25, %get3A_26] : memref<1024x128xf32, #tpu.memory_space<vmem>>, vector<1024x128xf32>
    %get3A_28 = arith.constant 0 : index
    %get3A_29 = arith.constant 0 : index
    %get3A_30 = vector.load %arg3[%get3A_28, %get3A_29] : memref<128x128xf32, #tpu.memory_space<vmem>>, vector<128x128xf32>
    %dot_general3A = arith.constant dense<0.000000e+00> : vector<1024x128xf32>
    %dot_general3A_31 = tpu.matmul %get3A_27, %get3A_30, %dot_general3A {dimension_numbers = #tpu.dot_dimension_numbers<[1], [0], [0], [1], [0, 0, 1, 1], [], []>, transpose_lhs_hint = false} : vector<1024x128xf32>, vector<128x128xf32>, vector<1024x128xf32> -> vector<1024x128xf32>
    %get3A_32 = arith.constant 0 : index
    %get3A_33 = arith.constant 0 : index
    %get3A_34 = vector.load %arg4[%get3A_32, %get3A_33] : memref<128x128xf32, #tpu.memory_space<vmem>>, vector<128x128xf32>
    %dot_general3A_35 = arith.constant dense<0.000000e+00> : vector<1024x128xf32>
    %dot_general3A_36 = tpu.matmul %mul3A_24, %get3A_34, %dot_general3A_35 {dimension_numbers = #tpu.dot_dimension_numbers<[1], [0], [0], [1], [0, 0, 1, 1], [], []>, transpose_lhs_hint = false} : vector<1024x128xf32>, vector<128x128xf32>, vector<1024x128xf32> -> vector<1024x128xf32>
    %add3A_37 = arith.addf %dot_general3A_31, %dot_general3A_36 : vector<1024x128xf32>
    %get3A_38 = arith.constant 0 : index
    %get3A_39 = arith.constant 0 : index
    %get3A_40 = vector.load %arg5[%get3A_38, %get3A_39] : memref<1x128xf32, #tpu.memory_space<vmem>>, vector<1x128xf32>
    %add3A_41 = vector.broadcast %get3A_40 : vector<1x128xf32> to vector<1024x128xf32>
    %add3A_42 = arith.addf %add3A_37, %add3A_41 : vector<1024x128xf32>
    %max3A_43 = arith.constant 0.000000e+00 : f32
    %max3A_44 = vector.broadcast %max3A_43 : f32 to vector<1024x128xf32>
    %max3A_45 = arith.maximumf %add3A_42, %max3A_44 : vector<1024x128xf32>
    %get3A_46 = arith.constant 0 : index
    %get3A_47 = arith.constant 0 : index
    %get3A_48 = vector.load %arg6[%get3A_46, %get3A_47] : memref<128x16xf32, #tpu.memory_space<vmem>>, vector<128x16xf32>
    %dot_general3A_49 = arith.constant dense<0.000000e+00> : vector<1024x16xf32>
    %dot_general3A_50 = tpu.matmul %max3A_45, %get3A_48, %dot_general3A_49 {dimension_numbers = #tpu.dot_dimension_numbers<[1], [0], [0], [1], [0, 0, 1, 1], [], []>, transpose_lhs_hint = false} : vector<1024x128xf32>, vector<128x16xf32>, vector<1024x16xf32> -> vector<1024x16xf32>
    %get3A_51 = arith.constant 0 : index
    %get3A_52 = arith.constant 0 : index
    %get3A_53 = vector.load %arg7[%get3A_51, %get3A_52] : memref<1x16xf32, #tpu.memory_space<vmem>>, vector<1x16xf32>
    %add3A_54 = vector.broadcast %get3A_53 : vector<1x16xf32> to vector<1024x16xf32>
    %add3A_55 = arith.addf %dot_general3A_50, %add3A_54 : vector<1024x16xf32>
    %swap3A = arith.constant 0 : index
    %swap3A_56 = arith.constant 0 : index
    %swap3A_57 = vector.load %arg8[%swap3A, %swap3A_56] : memref<1024x16xf32, #tpu.memory_space<vmem>>, vector<1024x16xf32>
    tpu.vector_store %arg8[%swap3A, %swap3A_56], %add3A_55 {strides = array<i32>} : memref<1024x16xf32, #tpu.memory_space<vmem>>, vector<1024x16xf32>,
    return
  }
}

</mosaic_0001>

<sc_bundles>
// kernel: kernel.6.cloned.1.call-start
scs
__scs_entry_jumppad:
0x0: {  	(pc) =	sbr.rel $0x88, $3  }
0x1: {  	(tag) =	ssettag $0x0;
	lr =	simm.s32 $0x1  }
0x2: {  	[smem:$0x3F94] =	sst lr;
	_ =	strace $0xD0000000  }
0x3: {  	_ = 	snop  }
0x4: {  	_ = 	snop  }
0x5: {  	_ = 	snop  }
0x6: {  	_ = 	snop  }
0x7: {  	_ = 	snop  }
__scs_overlays_trampoline_lowered:
0x8: {  	[smem:$0x3FA3] =	sst s0  }
0x9: {  	[smem:$0x3FA4] =	sst s1  }
0xa: {  	[smem:$0x3FA5] =	sst s2  }
0xb: {  	[smem:$0x3FA6] =	sst s3  }
0xc: {  	[smem:$0x3FA7] =	sst s4  }
0xd: {  	[smem:$0x3FA8] =	sst s5  }
0xe: {  	[smem:$0x3FA9] =	sst s6  }
0xf: {  	[smem:$0x3FAA] =	sst s7  }
0x10: {  	[smem:$0x3FAB] =	sst s8  }
0x11: {  	[smem:$0x3FAC] =	sst s9;
	s0 =	simm.s32 @!p0 $0x0  }
0x12: {  	s1 =	sld [smem:$0x3F92];
	s0 =	simm.s32 @p0 $0x1  }
0x13: {  	[smem:$0x3FAD] =	sst s0;
	s0 =	simm.s32 @!p1 $0x0  }
0x14: {  	s2 =	sld [smem:$0x3F91];
	s0 =	simm.s32 @p1 $0x1  }
0x15: {  	[smem:$0x3FAE] =	sst s0;
	s0 =	simm.s32 @!p2 $0x0  }
0x16: {  	s3 =	sld [smem:$0x3FDB];
	s0 =	simm.s32 @p2 $0x1  }
0x17: {  	s4 =	simm.s32 $0x1BF5;
	[smem:$0x3FB0] =	sst s0  }
0x18: {  	s0 =	sld [smem:$0x3F93];
	_ =	swait.ge [sflag:s4], $0x0  }
0x19: {  	s7 =	sld [smem:$0x3F94]  }
0x1a: {  	s8 =	sadd.s32 $0xFFFFE003, lr  }
0x1b: {  	s9 =	sadd.s32 $0xFFFFFEF7, lr;
	s5 =	simm.s32 $0xFFFFFFFF;
	p2 =	slt.u32 s8, $0xFFFFF086  }
0x1c: {  	p1 =	slt.u32 s9, $0xF7A;
	s5 =	simm.s32 @!p2 $0x0  }
0x1d: {  	s5 =	simm.s32 @p1 $0x1;
	p0 =	seq.s32 s7, s2  }
0x1e: {  	s7 =	smul.u32 @!p0 $0xF7A, s2;
	p2 =	seq.s32 @!p0 s5, $0x0  }
0x1f: {  	s9 =	smul.u32 $0xF7A, s1;
	s8 =	simm.s32 @!p0 $0x1BF5;
	p2 =	por !p2, p0  }
0x20: {  	[sflag:s8] =	ssyncset.s32 @!p0 $0xFFFFF086;
	s6 =	sadd.s32 @!p0 s3, s7;
	s7 =	simm.s32 @!p0 $0x108  }
0x21: {  	s3 =	sadd.s32 s3, s9;
	s6 =	sadd.s32 @!p0 $0x88, s6;
	s7 =	simm.s32 @p2 $0x1082  }
0x22: {  	[simem:s7], [sflag:s8] =	dma.local @!p0 [hbm:s6], $0xF7A  }
0x23: {  	s9 =	sor.u32 $0xD0000000, s2;
	s6 =	simm.s32 $0x108;
	_ =	swait.ge @!p0 [sflag:s8], $0x0  }
0x24: {  	s3 =	sadd.s32 $0x88, s3;
	s6 =	simm.s32 @!p1 $0x1082;
	[sflag:s4] =	ssyncset.s32 $0xFFFFF086  }
0x25: {  	[simem:s6], [sflag:s4] =	dma.local [hbm:s3], $0xF7A  }
0x26: {  	[smem:$0x3F94] =	sst s1;
	(tag) =	ssettag s2;
	_ =	strace s9  }
0x27: {  	s1 =	sld [smem:$0x3FA4]  }
0x28: {  	s2 =	sld [smem:$0x3FA5]  }
0x29: {  	s4 =	sld [smem:$0x3FA7]  }
0x2a: {  	p0 =	seq.s32 s5, $0x0;
	s5 =	sld [smem:$0x3FA8]  }
0x2b: {  	s6 =	sld [smem:$0x3FA9]  }
0x2c: {  	s7 =	sld [smem:$0x3FAA]  }
0x2d: {  	s3 =	simm.s32 $0x108;
	s8 =	sld [smem:$0x3FAB]  }
0x2e: {  	s3 =	simm.s32 @!p0 $0x1082;
	s9 =	sld [smem:$0x3FAC]  }
0x2f: {  	lr =	sadd.s32 s0, s3;
	s0 =	sld [smem:$0x3FA3]  }
0x30: {  	s3 =	sld [smem:$0x3FA6]  }
0x31: {  	[smem:$0x3FAF] =	sst s10  }
0x32: {  	s10 =	sld [smem:$0x3FAD];
	_ =	sdelay $0x3  }
0x33: {  	p0 =	seq.s32 s10, $0x1;
	s10 =	sld [smem:$0x3FAF];
	_ =	sdelay $0x3  }
0x34: {  	[smem:$0x3FAF] =	sst s10  }
0x35: {  	s10 =	sld [smem:$0x3FAE];
	_ =	sdelay $0x3  }
0x36: {  	p1 =	seq.s32 s10, $0x1;
	s10 =	sld [smem:$0x3FAF];
	_ =	sdelay $0x3  }
0x37: {  	[smem:$0x3FAF] =	sst s10  }
0x38: {  	s10 =	sld [smem:$0x3FB0]  }
0x39: {  	_ = 	snop;
	(pc) =	sbr.ind lr, $3  }
0x3a: {  	_ = 	snop  }
0x3b: {  	_ = 	snop  }
0x3c: {  	p2 =	seq.s32 s10, $0x1;
	s10 =	sld [smem:$0x3FAF]  }
0x3d: {  	_ =	shalt  }
0x3e: {  	_ =	shalt  }
0x3f: {  	_ =	shalt  }
0x40: {  	_ =	shalt  }
0x41: {  	_ =	shalt  }
0x42: {  	_ =	shalt  }
0x43: {  	_ =	shalt  }
0x44: {  	_ =	shalt  }
0x45: {  	_ =	shalt  }
0x46: {  	_ =	shalt  }
0x47: {  	_ =	shalt  }
0x48: {  	_ =	shalt  }
0x49: {  	_ =	shalt  }
0x4a: {  	_ =	shalt  }
0x4b: {  	_ =	shalt  }
0x4c: {  	_ =	shalt  }
0x4d: {  	_ =	shalt  }
0x4e: {  	_ =	shalt  }
0x4f: {  	_ =	shalt  }
0x50: {  	_ =	shalt  }
0x51: {  	_ =	shalt  }
0x52: {  	_ =	shalt  }
0x53: {  	_ =	shalt  }
0x54: {  	_ =	shalt  }
0x55: {  	_ =	shalt  }
0x56: {  	_ =	shalt  }
0x57: {  	_ =	shalt  }
0x58: {  	_ =	shalt  }
0x59: {  	_ =	shalt  }
0x5a: {  	_ =	shalt  }
0x5b: {  	_ =	shalt  }
0x5c: {  	_ =	shalt  }
0x5d: {  	_ =	shalt  }
0x5e: {  	_ =	shalt  }
0x5f: {  	_ =	shalt  }
0x60: {  	_ =	shalt  }
0x61: {  	_ =	shalt  }
0x62: {  	_ =	shalt  }
0x63: {  	_ =	shalt  }
0x64: {  	_ =	shalt  }
0x65: {  	_ =	shalt  }
0x66: {  	_ =	shalt  }
0x67: {  	_ =	shalt  }
0x68: {  	_ =	shalt  }
0x69: {  	_ =	shalt  }
0x6a: {  	_ =	shalt  }
0x6b: {  	_ =	shalt  }
0x6c: {  	_ =	shalt  }
0x6d: {  	_ =	shalt  }
0x6e: {  	_ =	shalt  }
0x6f: {  	_ =	shalt  }
0x70: {  	_ =	shalt  }
0x71: {  	_ =	shalt  }
0x72: {  	_ =	shalt  }
0x73: {  	_ =	shalt  }
0x74: {  	_ =	shalt  }
0x75: {  	_ =	shalt  }
0x76: {  	_ =	shalt  }
0x77: {  	_ =	shalt  }
0x78: {  	_ =	shalt  }
0x79: {  	_ =	shalt  }
0x7a: {  	_ =	shalt  }
0x7b: {  	_ =	shalt  }
0x7c: {  	_ =	shalt  }
0x7d: {  	_ =	shalt  }
0x7e: {  	_ =	shalt  }
0x7f: {  	_ =	shalt  }
0x80: {  	_ =	shalt  }
0x81: {  	_ =	shalt  }
0x82: {  	_ =	shalt  }
0x83: {  	_ =	shalt  }
0x84: {  	_ =	shalt  }
0x85: {  	_ =	shalt  }
0x86: {  	_ =	shalt  }
0x87: {  	_ =	shalt  }
.Lfunc_end0:
.L_simem_size_0:
called_computation_lowered:
.L_overlay_start_0:
0x88: {  	s2 =	sld [smem:$0x3FD9]  }
0x89: {  	s3 =	sld [smem:$0x3FFE];
	_ =	sdelay $0x1  }
0x8a: {  	s1 =	srdreg.scid  }
0x8b: {  	s0 =	sand.u32 $0x1, s1  }
0x8c: {  	s17 =	sshll.u32 s0, $0xA;
	s2 =	sadd.s32 s3, s2  }
0x8d: {  	s2 =	sadd.s32 s2, s17  }
0x8e: {  	[smem:$0x3FBB] =	sst s2  }
0x8f: {  	_ = 	snop  }
0x90: {  	s2 =	sld [smem:$0x3FD0];
	(tm) =	ssettm $0x1  }
0x91: {  	s18 =	sld [smem:$0x3FFB];
	_ =	sdelay $0x3  }
0x92: {  	_ =	strace s18  }
0x93: {  	s3 =	sld [smem:$0x3FFC];
	_ =	sdelay $0x3  }
0x94: {  	_ =	strace s3  }
0x95: {  	s3 =	sld [smem:$0x3FFD];
	_ =	sdelay $0x3  }
0x96: {  	_ =	strace s3  }
0x97: {  	_ =	strace $0x8FFFFFFF  }
0x98: {  	s19 =	sld [smem:$0x3FDB];
	_ =	sdelay $0x1  }
0x99: {  	s4 =	simm.s32 $_scs_section_size  }
0x9a: {  	s5 =	simm.s32 $_size__tile_overlayer_lowered;
	s6 =	simm.s32 $_tile_overlayer_lowered  }
0x9b: {  	s22 =	simm.s32 $0x1BFF;
	s21 =	sshll.u32 s6, $0x1;
	s3 =	sadd.s32 s4, s19  }
0x9c: {  	s7 =	simm.s32 $0x0;
	s20 =	sshll.u32 s5, $0x1;
	s5 =	sadd.s32 s21, s3  }
0x9d: {  	[timem:s7], [sflag:s22] =	dma.local [hbm:s5], s20  }
0x9e: {  	_ =	swait.ge [sflag:s22], s20  }
0x9f: {  	s4 =	ssub.s32 $0x0, s20;
	[sflag:s22] =	ssyncset.done $0x0  }
0xa0: {  	[sflag:s22] =	ssyncadd.s32 s4;
	_ =	sdelay $0x1  }
0xa1: {  	s23 =	simm.s32 $0x1B8B  }
0xa2: {  	_ =	swait.ge [sflag:s23], $0x1  }
0xa3: {  	[sflag:s23] =	ssyncset.done $0x0  }
0xa4: {  	s25 =	simm.s32 $0x1B8E;
	s24 =	sld [smem:$0x3FFE];
	[sflag:s23] =	ssyncadd.s32 $0xFFFFFFFF  }
0xa5: {  	s26 =	simm.s32 $execute0_lowered;
	[smem:$0x3FD2] =	sst s25  }
0xa6: {  	s5 =	sshll.u32 s26, $0x1;
	_ =	strace $0x80000046;
	[dreg:$0x1] =	wrdreg $0xFFFFFFFF  }
0xa7: {  	s28 =	simm.s32 $_size_execute0_lowered;
	s3 =	sadd.s32 s3, s5;
	[dreg:$0x0] =	wrdreg $0x0  }
0xa8: {  	s5 =	sshll.u32 s28, $0x1;
	[dreg:$0x2] =	wrdreg s3  }
0xa9: {  	[dreg:$0x3] =	wrdreg s5  }
0xaa: {  	[dreg:$0x4] =	wrdreg $0xC0  }
0xab: {  	_ =	task [dreg:s7], $0x5FFFF  }
0xac: {  	[dreg:$0x1] =	wrdreg $0xFFFFFFFF  }
0xad: {  	[dreg:$0x0] =	wrdreg $0x60  }
0xae: {  	[dreg:$0x2] =	wrdreg s24  }
0xaf: {  	[dreg:$0x3] =	wrdreg s2  }
0xb0: {  	[dreg:$0x4] =	wrdreg $0x38800  }
0xb1: {  	[dreg:$0x5] =	wrdreg $0x174800  }
0xb2: {  	[dreg:$0x6] =	wrdreg $0x1F4800  }
0xb3: {  	[dreg:$0x7] =	wrdreg $0x9  }
0xb4: {  	_ =	task.clear_ibuf [dreg:s7], $0x8FFFF;
	_ =	strace $0x90000046  }
0xb5: {  	s29 =	simm.s32 $0x9;
	_ =	strace $0x80000048  }
0xb6: {  	_ =	swait.ge [sflag:s29], $0x1  }
0xb7: {  	[sflag:s29] =	ssyncadd.s32 $0xFFFFFFFF  }
0xb8: {  	_ =	strace $0x90000048  }
0xb9: {  	_ =	sfence  }
0xba: {  	s30 =	sld [smem:$0x0];
	_ =	sdelay $0x2  }
0xbb: {  	s31 =	sshll.u32 s1, $0xD;
	s1 =	sshrl.u32 s1, $0x2  }
0xbc: {  	s3 =	sand.u32 $0x4000, s31;
	s1 =	sadd.s32 s1, s30  }
0xbd: {  	s0 =	sor.u32 s3, s0;
	s1 =	sshll.u32 s1, $0x11  }
0xbe: {  	s0 =	sor.u32 s1, s0  }
0xbf: {  	s0 =	sadd.s32 $0x8F2B, s0  }
0xc0: {  	[sflag:s0] =	ssyncadd.remote.s32 $0x1  }
0xc1: {  	_ =	sfence.sel $0xFFFF  }
0xc2: {  	[dreg:$0x0] =	wrdreg $0xFFFFFFFF;
	(pc) =	sbr.abs _section_cstart, $3  }
0xc3: {  	[dreg:$0x1] =	wrdreg $0xFFFFFFFF  }
0xc4: {  	_ =	task.clear_ibuf [dreg:s7], $0x2FFFF;
	_ =	strace $0x9FFFFFFF  }
0xc5: {  	(tm) =	ssettm $0x7FFFFFFF  }
tec
execute0_lowered:
.L_overlay_start_1:
0x0: {  	(tag) =	ssettag $0x1  }
0x1: {  	s0 =	rddreg [dreg:$0x0]  }
0x2: {  	s1 =	rddreg [dreg:$0x1]  }
0x3: {  	s2 =	rddreg [dreg:$0x2]  }
0x4: {  	s3 =	rddreg [dreg:$0x3]  }
0x5: {  	s4 =	rddreg [dreg:$0x4];
	s18 =	stileid.u32;
	s5 =	simm.s32 $0x0  }
0x6: {  	s25 =	srdreg.scid;
	s28 =	simm.s32 $0x3;
	s29 =	simm.s32 $0x5  }
0x7: {  	s30 =	simm.s32 $0x4;
	s31 =	simm.s32 $0x6;
	s6 =	smul.u32 $0x2780, s18  }
0x8: {  	[smem:$0x7FF] =	sst s5;
	s8 =	sadd.s32 $0x2B600, s0;
	s9 =	sshll.u32 s18, $0xC  }
0x9: {  	s12 =	sand.u32 $0x1, s25;
	s13 =	sadd.s32 $0x3600, s0;
	s11 =	smul.u32 $0x4F000, s18  }
0xa: {  	s14 =	sshll.u32 s18, $0x1;
	s26 =	sshll.u32 s18, $0xF;
	s21 =	smul.u32 $0x2800, s18  }
0xb: {  	s22 =	sshll.u32 s18, $0x7;
	p0 =	sgt.u32 s18, $0x3;
	_ =	strace $0x80000047  }
0xc: {  	s16 =	sor.u32 s12, s14;
	s19 =	sshll.u32 s12, $0x10;
	s7 =	sadd.s32 s6, s0  }
0xd: {  	s0 =	sadd.s32 s9, s0;
	s6 =	ssub.s32 $0x2, s12;
	s9 =	sshrl.u32 s9, $0x2  }
0xe: {  	s11 =	sshrl.u32 s11, $0x2;
	s23 =	sadd.s32 s21, s8;
	s25 =	sadd.s32 s21, s13  }
0xf: {  	s21 =	simm.s32 $0x20;
	s10 =	sshrl.u32 s6, $0x1;
	s9 =	sadd.s32 s9, s4  }
0x10: {  	s14 =	sadd.s32 s11, s2;
	s7 =	sadd.s32 $0x53600, s7;
	s0 =	sadd.s32 s19, s0  }
0x11: {  	s15 =	ssub.s32 s6, s10;
	s10 =	smul.u32 $0x1400, s16;
	[dreg:$0x6] =	wrdreg s9  }
0x12: {  	s6 =	sadd.s32 s26, s3;
	[dreg:$0x7] =	wrdreg s7;
	s11 =	sadd.s32 $0x7AE00, s0  }
0x13: {  	s16 =	smul.u32 $0x1400, s12;
	s12 =	sshll.u32 s12, $0x9;
	s0 =	sadd.s32 s1, s22  }
0x14: {  	s19 =	sshrl.u32 s14, $0x3;
	s22 =	simm.s32 $0x1000;
	s0 =	sadd.s32 s12, s0  }
0x15: {  	s17 =	sadd.s32 s8, s10;
	s20 =	sadd.s32 s13, s10;
	[dreg:$0xa] =	wrdreg s0  }
.Ltmp0:
0x16: {  	s24 =	sadd.s32 s16, s23;
	s13 =	smax.u32 s15, $0x1;
	(pc) =	sbr.rel .LBB2_1-.Ltmp0, $4  }
0x17: {  	s26 =	sadd.s32 s16, s25;
	s16 =	simm.s32 $0x3080;
	s23 =	simm.s32 $0x1  }
0x18: {  	s25 =	simm.s32 $0x3000;
	s0 =	simm.s32 $0x0;
	[dreg:$0x8] =	wrdreg s17  }
0x19: {  	[dreg:$0x9] =	wrdreg s20;
	s8 =	sadd.s32 $0xA0, s24;
	s7 =	sadd.s32 $0xA0, s26  }
0x1a: {  	v0 =	vimm.f32 $0.0e+00;
	v1 =	vimm.f32 $1.000000000e+00;
	s17 =	simm.s32 $0x8;
	s24 =	simm.s32 $0x2000;
	s26 =	simm.s32 $0x2  }
.LBB2_16:
0x1b: {  	[tilespmem:s14+$0x3080] =	vst v2;
	s1 =	rddreg [dreg:$0xa]  }
0x1c: {  	[hbm4b:s1+s5] =	stream.linear.scatter [tilespmem:s16], [sflag:$0x8], $0x400, $0x38;
	[tilespmem:$0x1F580] =	vst v63  }
0x1d: {  	_ =	swait.ge [sflag:s17], $0x400  }
0x1e: {  	[sflag:s17] =	ssyncset.done $0x0  }
0x1f: {  	[sflag:s17] =	ssyncadd.s32 $0xFFFFFC00  }
.LBB2_17:
0x20: {  	s0 =	sadd.s32 $0x1, s0  }
0x21: {  	p1 =	sne.s32 s0, s13  }
.Ltmp1:
0x22: {  	_ = 	snop;
	(pc) =	sbr.rel @!p1 .LBB2_18-.Ltmp1, $1  }
0x23: {  	_ =	sdelay $0x3  }
.LBB2_1:
0x24: {  	[tilespmem:$0x3080] =	vst v0  }
0x25: {  	[tilespmem:$0x3090] =	vst v0  }
0x26: {  	[tilespmem:$0x30A0] =	vst v0  }
0x27: {  	[tilespmem:$0x30B0] =	vst v0  }
0x28: {  	[tilespmem:$0x30C0] =	vst v0  }
0x29: {  	[tilespmem:$0x30D0] =	vst v0  }
0x2a: {  	[tilespmem:$0x30E0] =	vst v0  }
0x2b: {  	[tilespmem:$0x30F0] =	vst v0  }
0x2c: {  	[tilespmem:$0x3100] =	vst v0  }
0x2d: {  	[tilespmem:$0x3110] =	vst v0  }
0x2e: {  	[tilespmem:$0x3120] =	vst v0  }
0x2f: {  	[tilespmem:$0x3130] =	vst v0  }
0x30: {  	[tilespmem:$0x3140] =	vst v0  }
0x31: {  	[tilespmem:$0x3150] =	vst v0  }
0x32: {  	[tilespmem:$0x3160] =	vst v0  }
0x33: {  	[tilespmem:$0x3170] =	vst v0  }
0x34: {  	[tilespmem:$0x3180] =	vst v0  }
0x35: {  	[tilespmem:$0x3190] =	vst v0  }
0x36: {  	[tilespmem:$0x31A0] =	vst v0  }
0x37: {  	[tilespmem:$0x31B0] =	vst v0  }
0x38: {  	[tilespmem:$0x31C0] =	vst v0  }
0x39: {  	[tilespmem:$0x31D0] =	vst v0  }
0x3a: {  	[tilespmem:$0x31E0] =	vst v0  }
0x3b: {  	[tilespmem:$0x31F0] =	vst v0  }
0x3c: {  	[tilespmem:$0x3200] =	vst v0  }
0x3d: {  	[tilespmem:$0x3210] =	vst v0  }
0x3e: {  	[tilespmem:$0x3220] =	vst v0  }
0x3f: {  	[tilespmem:$0x3230] =	vst v0  }
0x40: {  	[tilespmem:$0x3240] =	vst v0  }
0x41: {  	[tilespmem:$0x3250] =	vst v0  }
0x42: {  	[tilespmem:$0x3260] =	vst v0  }
0x43: {  	[tilespmem:$0x3270] =	vst v0  }
0x44: {  	[tilespmem:$0x3280] =	vst v0  }
0x45: {  	[tilespmem:$0x3290] =	vst v0  }
0x46: {  	[tilespmem:$0x32A0] =	vst v0  }
0x47: {  	[tilespmem:$0x32B0] =	vst v0  }
0x48: {  	[tilespmem:$0x32C0] =	vst v0  }
0x49: {  	[tilespmem:$0x32D0] =	vst v0  }
0x4a: {  	[tilespmem:$0x32E0] =	vst v0  }
0x4b: {  	[tilespmem:$0x32F0] =	vst v0  }
0x4c: {  	[tilespmem:$0x3300] =	vst v0  }
0x4d: {  	[tilespmem:$0x3310] =	vst v0  }
0x4e: {  	[tilespmem:$0x3320] =	vst v0  }
0x4f: {  	[tilespmem:$0x3330] =	vst v0  }
0x50: {  	[tilespmem:$0x3340] =	vst v0  }
0x51: {  	[tilespmem:$0x3350] =	vst v0  }
0x52: {  	[tilespmem:$0x3360] =	vst v0  }
0x53: {  	[tilespmem:$0x3370] =	vst v0  }
0x54: {  	[tilespmem:$0x3380] =	vst v0  }
0x55: {  	[tilespmem:$0x3390] =	vst v0  }
0x56: {  	[tilespmem:$0x33A0] =	vst v0  }
0x57: {  	[tilespmem:$0x33B0] =	vst v0  }
0x58: {  	[tilespmem:$0x33C0] =	vst v0  }
0x59: {  	[tilespmem:$0x33D0] =	vst v0  }
0x5a: {  	[tilespmem:$0x33E0] =	vst v0  }
0x5b: {  	[tilespmem:$0x33F0] =	vst v0  }
0x5c: {  	[tilespmem:$0x3400] =	vst v0  }
0x5d: {  	[tilespmem:$0x3410] =	vst v0  }
0x5e: {  	[tilespmem:$0x3420] =	vst v0  }
0x5f: {  	[tilespmem:$0x3430] =	vst v0  }
0x60: {  	[tilespmem:$0x3440] =	vst v0  }
0x61: {  	[tilespmem:$0x3450] =	vst v0  }
0x62: {  	[tilespmem:$0x3460] =	vst v0  }
0x63: {  	[tilespmem:$0x3470] =	vst v0  }
0x64: {  	[tilespmem:$0x3000] =	vst v1  }
0x65: {  	[tilespmem:$0x3010] =	vst v1;
	s1 =	sadd.s32 $0x0, s6  }
0x66: {  	[spmem:s1] =	stream.linear.scatter [tilespmem:s16], [sflag:$0x8], $0x400, $0x38;
	[tilespmem:$0x1F580] =	vst v63  }
0x67: {  	s1 =	simm.s32 $0x1000;
	_ =	swait.ge [sflag:s17], $0x400  }
.LBB2_2:
0x68: {  	s12 =	sshra.s32 s1, $0x2;
	[sflag:s17] =	ssyncset.done $0x0;
	p1 =	sne.s32 s1, $0x1F000  }
.Ltmp2:
0x69: {  	s12 =	sadd.s32 s12, s6;
	[sflag:s17] =	ssyncadd.s32 $0xFFFFFC00;
	(pc) =	sbr.rel @p1 .LBB2_2-.Ltmp2, $3  }
0x6a: {  	[spmem:s12] =	stream.linear.scatter [tilespmem:s16], [sflag:$0x8], $0x400, $0x38;
	[tilespmem:$0x1F580] =	vst v63  }
0x6b: {  	s1 =	sadd.s32 $0x1000, s1;
	_ =	sdelay $0x1  }
0x6c: {  	_ =	swait.ge [sflag:s17], $0x400  }
.Ltmp3:
0x6d: {  	(pc) =	sbr.rel @p0 .LBB2_7-.Ltmp3, $3  }
0x6e: {  	_ =	sdelay $0x1  }
0x6f: {  	[sflag:s17] =	ssyncset.done $0x0  }
0x70: {  	s18 =	simm.s32 $0x0;
	[sflag:s17] =	ssyncadd.s32 $0xFFFFFC00  }
0x71: {  	s1 =	simm.s32 $0x40;
	s12 =	simm.s32 $0x0  }
.LBB2_5:
0x72: {  	p1 =	sne.s32 s1, $0xFC0;
	[tilespmem:s12+$0x3480] =	vst v0;
	s12 =	smov.u32 s1;
	s1 =	sadd.s32 $0x40, s1  }
.Ltmp4:
0x73: {  	(pc) =	sbr.rel @p1 .LBB2_5-.Ltmp4, $2  }
0x74: {  	_ =	sdelay $0x2  }
0x75: {  	s12 =	sshra.s32 s12, $0x2  }
0x76: {  	[tilespmem:s12+$0x3480] =	vst v0;
	s1 =	rddreg [dreg:$0x6];
	s9 =	simm.s32 $0x3480  }
0x77: {  	[spmem:s1] =	stream.linear.scatter [tilespmem:s9], [sflag:$0x8], $0x400, $0x38;
	[tilespmem:$0x1F580] =	vst v63  }
0x78: {  	_ =	swait.ge [sflag:s17], $0x400  }
0x79: {  	[sflag:s17] =	ssyncset.done $0x0  }
0x7a: {  	[sflag:s17] =	ssyncadd.s32 $0xFFFFFC00  }
.LBB2_7:
0x7b: {  	s1 =	stileid.u32  }
0x7c: {  	s1 =	sshll.u32 s1, $0x6  }
0x7d: {  	s14 =	rddreg [dreg:$0x7];
	s12 =	sor.u32 $0x1C08, s1  }
0x7e: {  	[spmem:s19], [sflag:s12] =	dma.local [hbm:s14], $0x2780  }
0x7f: {  	_ =	swait.ge [sflag:s17], $0x2780  }
0x80: {  	[sflag:s17] =	ssyncset.done $0x0  }
0x81: {  	[sflag:s17] =	ssyncadd.s32 $0xFFFFD880  }
0x82: {  	[bflag:$0x0] =	sbarrier.arrive $0xFFFF  }
0x83: {  	s15 =	rddreg [dreg:$0x8]  }
0x84: {  	[tilespmem:s18], [sflag:$0x8] =	stream.linear.gather [hbm4b:s15+s18], $0x800, $0x38;
	[tilespmem:$0x1F580] =	vst v63  }
0x85: {  	_ =	swait.ge [sflag:s17], $0x800  }
0x86: {  	[sflag:s17] =	ssyncset.done $0x0  }
0x87: {  	s9 =	simm.s32 $0x800;
	s20 =	rddreg [dreg:$0x9];
	[sflag:s17] =	ssyncadd.s32 $0xFFFFF800  }
0x88: {  	[tilespmem:s9], [sflag:$0x8] =	stream.linear.gather [hbm4b:s20+s18], $0x800, $0x38;
	[tilespmem:$0x1F580] =	vst v63  }
.Ltmp5:
0x89: {  	_ = 	snop;
	(pc) =	sbr.rel .LBB2_8-.Ltmp5, $4  }
0x8a: {  	_ =	swait.ge [sflag:s17], $0x800  }
0x8b: {  	s1 =	simm.s32 $0xA;
	s14 =	smov.u32 s8;
	[sflag:s17] =	ssyncset.done $0x0  }
0x8c: {  	s15 =	smov.u32 s7;
	s20 =	simm.s32 $0xFFFFFFFF;
	[sflag:s17] =	ssyncadd.s32 $0xFFFFF800  }
0x8d: {  	[tilespmem:s22], [sflag:$0x1] =	stream.indirect.gather [spmem:s2], $0x80, s18, s21, $0xb8;
	[tilespmem:$0x1F580] =	vst v63  }
.LBB2_11:
.Ltmp6:
0x8e: {  	(pc) =	sbr.rel @p1 .LBB2_13-.Ltmp6, $1  }
0x8f: {  	_ =	sdelay $0x3  }
.LBB2_12:
0x90: {  	p1 =	slt.u32 s20, $0x9F  }
.Ltmp7:
0x91: {  	_ = 	snop;
	(pc) =	sbr.rel @!p1 .LBB2_13-.Ltmp7, $4  }
0x92: {  	_ = 	snop  }
0x93: {  	s18 =	sadd.s32 $0x100, s18;
	s1 =	sadd.s32 $0x2, s1  }
0x94: {  	s14 =	sadd.s32 $0x20, s14;
	s15 =	sadd.s32 $0x20, s15;
	s9 =	sand.u32 $0x700, s18  }
0x95: {  	[tilespmem:s22], [sflag:$0x1] =	stream.indirect.gather [spmem:s2], $0x80, s9, s21, $0xb8;
	[tilespmem:$0x1F580] =	vst v63  }
.LBB2_8:
0x96: {  	s20 =	sadd.s32 $0x1, s20  }
0x97: {  	s9 =	sand.u32 $0x3, s20  }
0x98: {  	p1 =	seq.s32 s9, $0x0  }
0x99: {  	s9 =	simm.s32 @!p1 $0x4  }
0x9a: {  	_ =	swait.ge @!p1 [sflag:s9], $0x1000  }
0x9b: {  	[sflag:s9] =	ssyncset.done @!p1 $0x0  }
0x9c: {  	[sflag:s9] =	ssyncadd.s32 @!p1 $0xFFFFF000;
	s9 =	simm.s32 @!p1 $0x6  }
0x9d: {  	_ =	swait.ge @!p1 [sflag:s9], $0x20  }
0x9e: {  	[sflag:s9] =	ssyncset.done @!p1 $0x0  }
0x9f: {  	[sflag:s9] =	ssyncadd.s32 @!p1 $0xFFFFFFE0  }
0xa0: {  	_ =	swait.ge [sflag:s23], $0x1000  }
0xa1: {  	s9 =	sand.u32 $0x700, s18;
	[sflag:s23] =	ssyncset.done $0x0  }
0xa2: {  	s10 =	sor.u32 $0x80, s9;
	[sflag:s23] =	ssyncadd.s32 $0xFFFFF000  }
0xa3: {  	[tilespmem:s24], [sflag:$0x2] =	stream.indirect.gather [spmem:s2], $0x80, s10, s21, $0xb8;
	[tilespmem:$0x1F580] =	vst v63  }
0xa4: {  	s10 =	sor.u32 $0x800, s9  }
0xa5: {  	[spmem:s3] =	stream.indirect.scatter.add.f32 [tilespmem:s22], [sflag:$0x3], $0x80, s10, s21, $0xb8;
	[tilespmem:$0x1F580] =	vst v63  }
0xa6: {  	_ = 	snop  }
0xa7: {  	[spmem:s4] =	stream.indirect.scatter.add.f32 [tilespmem:s25], [sflag:$0x5], $0x1, s10, s21, $0xb8;
	[tilespmem:$0x1F580] =	vst v63  }
0xa8: {  	_ =	swait.ge [sflag:s26], $0x1000  }
0xa9: {  	[sflag:s26] =	ssyncset.done $0x0  }
0xaa: {  	[sflag:s26] =	ssyncadd.s32 $0xFFFFF000  }
0xab: {  	_ =	swait.ge [sflag:s28], $0x1000  }
0xac: {  	[sflag:s28] =	ssyncset.done $0x0  }
0xad: {  	[sflag:s28] =	ssyncadd.s32 $0xFFFFF000  }
0xae: {  	_ =	swait.ge [sflag:s29], $0x20  }
0xaf: {  	[sflag:s29] =	ssyncset.done $0x0  }
0xb0: {  	s9 =	sor.u32 $0x880, s9;
	[sflag:s29] =	ssyncadd.s32 $0xFFFFFFE0  }
0xb1: {  	[spmem:s3] =	stream.indirect.scatter.add.f32 [tilespmem:s24], [sflag:$0x4], $0x80, s9, s21, $0xb8;
	[tilespmem:$0x1F580] =	vst v63  }
0xb2: {  	s10 =	sadd.s32 $0xFFFFFFF8, s1  }
0xb3: {  	[spmem:s4] =	stream.indirect.scatter.add.f32 [tilespmem:s25], [sflag:$0x6], $0x1, s9, s21, $0xb8;
	[tilespmem:$0x1F580] =	vst v63  }
0xb4: {  	p1 =	seq.s32 s18, $0x9F00;
	s9 =	sand.u32 $0x6, s10  }
0xb5: {  	p2 =	sne.s32 @!p1 s9, $0x0  }
0xb6: {  	p2 =	por p1, p2  }
.Ltmp8:
0xb7: {  	_ = 	snop;
	(pc) =	sbr.rel @p2 .LBB2_11-.Ltmp8, $1  }
0xb8: {  	_ =	sdelay $0x3  }
0xb9: {  	_ =	swait.ge [sflag:s30], $0x1000  }
0xba: {  	[sflag:s30] =	ssyncset.done $0x0  }
0xbb: {  	[sflag:s30] =	ssyncadd.s32 $0xFFFFF000  }
0xbc: {  	_ =	swait.ge [sflag:s31], $0x20  }
0xbd: {  	p1 =	slt.u32 s20, $0x7;
	[sflag:s31] =	ssyncset.done $0x0  }
0xbe: {  	s9 =	simm.s32 @!p1 $0x7;
	p2 =	sgt.u32 @!p1 s20, $0x9A;
	[sflag:s31] =	ssyncadd.s32 $0xFFFFFFE0  }
0xbf: {  	p2 =	por p1, !p2;
	_ =	swait.ge @!p1 [sflag:s9], $0x400  }
.Ltmp9:
0xc0: {  	[sflag:s9] =	ssyncset.done @!p1 $0x0;
	(pc) =	sbr.rel @!p2 .LBB2_12-.Ltmp9, $4  }
0xc1: {  	[sflag:s9] =	ssyncadd.s32 @!p1 $0xFFFFFC00  }
0xc2: {  	_ =	swait.ge @!p1 [sflag:s9], $0x400  }
0xc3: {  	[sflag:s9] =	ssyncset.done @!p1 $0x0  }
0xc4: {  	[sflag:s9] =	ssyncadd.s32 @!p1 $0xFFFFFC00  }
.Ltmp10:
0xc5: {  	s9 =	sadd.s32 $0x500, s18;
	(pc) =	sbr.rel .LBB2_12-.Ltmp10, $4  }
0xc6: {  	s9 =	sand.u32 $0x400, s9  }
0xc7: {  	[tilespmem:s9], [sflag:$0x7] =	stream.linear.gather [hbm4b:s14+s5], $0x400, $0x38;
	[tilespmem:$0x1F580] =	vst v63  }
0xc8: {  	s9 =	sor.u32 $0x800, s9  }
0xc9: {  	[tilespmem:s9], [sflag:$0x7] =	stream.linear.gather [hbm4b:s15+s5], $0x400, $0x38;
	[tilespmem:$0x1F580] =	vst v63  }
.LBB2_13:
0xca: {  	_ =	swait.ge [sflag:s30], $0x1000  }
0xcb: {  	[sflag:s30] =	ssyncset.done $0x0  }
0xcc: {  	[sflag:s30] =	ssyncadd.s32 $0xFFFFF000  }
0xcd: {  	_ =	swait.ge [sflag:s31], $0x20  }
0xce: {  	[sflag:s31] =	ssyncset.done $0x0  }
0xcf: {  	[sflag:s31] =	ssyncadd.s32 $0xFFFFFFE0  }
.Ltmp11:
0xd0: {  	s1 =	sshrl.u32 s6, $0x3;
	[bflag:$0x0] =	sbarrier.arrive $0xFFFF;
	(pc) =	sbr.rel @p0 .LBB2_17-.Ltmp11, $4  }
0xd1: {  	[hbm:s11], [sflag:s12] =	dma.local [spmem:s1], $0x1000  }
0xd2: {  	_ =	swait.ge [sflag:s17], $0x1000  }
0xd3: {  	[sflag:s17] =	ssyncset.done $0x0  }
0xd4: {  	[sflag:s17] =	ssyncadd.s32 $0xFFFFF000  }
0xd5: {  	s1 =	simm.s32 $0x3480;
	s9 =	rddreg [dreg:$0x6]  }
0xd6: {  	[tilespmem:s1], [sflag:$0x8] =	stream.linear.gather [spmem:s9], $0x400, $0x38;
	[tilespmem:$0x1F580] =	vst v63  }
0xd7: {  	_ =	swait.ge [sflag:s17], $0x400  }
0xd8: {  	[sflag:s17] =	ssyncset.done $0x0  }
0xd9: {  	[sflag:s17] =	ssyncadd.s32 $0xFFFFFC00  }
0xda: {  	v2 =	vld [tilespmem:s1+$0x0];
	_ =	sdelay $0x1  }
0xdb: {  	s20 =	simm.s32 $0x0  }
0xdc: {  	s12 =	simm.s32 $0x10;
	s14 =	sand.u32 $0x3F0, s20  }
.LBB2_15:
0xdd: {  	p1 =	sne.s32 s12, $0x3F0  }
0xde: {  	[tilespmem:s14+$0x3080] =	vst v2;
	s1 =	sadd.s32 $0x10, s1;
	s9 =	smov.u32 s12;
	s12 =	sadd.s32 $0x10, s12  }
.Ltmp12:
0xdf: {  	v2 =	vld [tilespmem:s1+$0x0];
	(pc) =	sbr.rel @p1 .LBB2_15-.Ltmp12, $2  }
0xe0: {  	_ =	sdelay $0x2  }
0xe1: {  	s14 =	sand.u32 $0x3F0, s9  }
.Ltmp13:
0xe2: {  	_ = 	snop;
	(pc) =	sbr.rel .LBB2_16-.Ltmp13, $1  }
0xe3: {  	_ =	sdelay $0x3  }
.LBB2_18:
0xe4: {  	_ =	sfence.sel $0x180000  }
0xe5: {  	[bflag:$0x0] =	sbarrier.arrive $0xFFFF  }
0xe6: {  	_ =	strace $0x90000047  }
0xe7: {  	s0 =	stileid.u32;
	[bflag:$0x2] =	sbarrier.arrive $0xFFFF  }
0xe8: {  	p0 =	sne.s32 s0, $0x0;
	s0 =	rddreg [dreg:$0x5]  }
0xe9: {  	s0 =	sadd.s32 @!p0 $0x100000, s0  }
0xea: {  	[sflag:s0] =	ssyncadd.tile.s32 @!p0 $0x1;
	_ =	shalt  }
.Lfunc_end2:
_tile_overlayer_lowered:
.L_overlay_start_2:
0xeb: {  	(tag) =	ssettag $0x2  }
0xec: {  	s0 =	rddreg [dreg:$0x0];
	s2 =	stileid.u32  }
0xed: {  	s1 =	rddreg [dreg:$0x1];
	p0 =	sne.s32 s2, $0x0  }
0xee: {  	s3 =	rddreg [dreg:$0x2];
	[bflag:$0x3] =	sbarrier.arrive $0xFFFF;
	s2 =	simm.s32 @!p0 $0x1C08  }
0xef: {  	[timem:s3], [sflag:s2] =	dma.local @!p0 [hbm:s0], s1  }
0xf0: {  	s0 =	simm.s32 @!p0 $0x8  }
0xf1: {  	_ =	swait.ge @!p0 [sflag:s0], s1  }
0xf2: {  	s1 =	ssub.s32 @!p0 $0x0, s1;
	[sflag:s0] =	ssyncset.done @!p0 $0x0  }
0xf3: {  	[sflag:s0] =	ssyncadd.s32 @!p0 s1  }
0xf4: {  	[bflag:$0x3] =	sbarrier.arrive $0xFFFF  }
0xf5: {  	_ =	shalt  }

// kernel: kernel.9.cloned.1.call-start
scs
__scs_entry_jumppad:
0x0: {  	(pc) =	sbr.rel $0x88, $3  }
0x1: {  	(tag) =	ssettag $0x0;
	lr =	simm.s32 $0x1  }
0x2: {  	[smem:$0x3F94] =	sst lr;
	_ =	strace $0xD0000000  }
0x3: {  	_ = 	snop  }
0x4: {  	_ = 	snop  }
0x5: {  	_ = 	snop  }
0x6: {  	_ = 	snop  }
0x7: {  	_ = 	snop  }
__scs_overlays_trampoline_lowered:
0x8: {  	[smem:$0x3FA3] =	sst s0  }
0x9: {  	[smem:$0x3FA4] =	sst s1  }
0xa: {  	[smem:$0x3FA5] =	sst s2  }
0xb: {  	[smem:$0x3FA6] =	sst s3  }
0xc: {  	[smem:$0x3FA7] =	sst s4  }
0xd: {  	[smem:$0x3FA8] =	sst s5  }
0xe: {  	[smem:$0x3FA9] =	sst s6  }
0xf: {  	[smem:$0x3FAA] =	sst s7  }
0x10: {  	[smem:$0x3FAB] =	sst s8  }
0x11: {  	[smem:$0x3FAC] =	sst s9;
	s0 =	simm.s32 @!p0 $0x0  }
0x12: {  	s1 =	sld [smem:$0x3F92];
	s0 =	simm.s32 @p0 $0x1  }
0x13: {  	[smem:$0x3FAD] =	sst s0;
	s0 =	simm.s32 @!p1 $0x0  }
0x14: {  	s2 =	sld [smem:$0x3F91];
	s0 =	simm.s32 @p1 $0x1  }
0x15: {  	[smem:$0x3FAE] =	sst s0;
	s0 =	simm.s32 @!p2 $0x0  }
0x16: {  	s3 =	sld [smem:$0x3FDB];
	s0 =	simm.s32 @p2 $0x1  }
0x17: {  	s4 =	simm.s32 $0x1BF5;
	[smem:$0x3FB0] =	sst s0  }
0x18: {  	s0 =	sld [smem:$0x3F93];
	_ =	swait.ge [sflag:s4], $0x0  }
0x19: {  	s7 =	sld [smem:$0x3F94]  }
0x1a: {  	s8 =	sadd.s32 $0xFFFFE003, lr  }
0x1b: {  	s9 =	sadd.s32 $0xFFFFFEF7, lr;
	s5 =	simm.s32 $0xFFFFFFFF;
	p2 =	slt.u32 s8, $0xFFFFF086  }
0x1c: {  	p1 =	slt.u32 s9, $0xF7A;
	s5 =	simm.s32 @!p2 $0x0  }
0x1d: {  	s5 =	simm.s32 @p1 $0x1;
	p0 =	seq.s32 s7, s2  }
0x1e: {  	s7 =	smul.u32 @!p0 $0xF7A, s2;
	p2 =	seq.s32 @!p0 s5, $0x0  }
0x1f: {  	s9 =	smul.u32 $0xF7A, s1;
	s8 =	simm.s32 @!p0 $0x1BF5;
	p2 =	por !p2, p0  }
0x20: {  	[sflag:s8] =	ssyncset.s32 @!p0 $0xFFFFF086;
	s6 =	sadd.s32 @!p0 s3, s7;
	s7 =	simm.s32 @!p0 $0x108  }
0x21: {  	s3 =	sadd.s32 s3, s9;
	s6 =	sadd.s32 @!p0 $0x88, s6;
	s7 =	simm.s32 @p2 $0x1082  }
0x22: {  	[simem:s7], [sflag:s8] =	dma.local @!p0 [hbm:s6], $0xF7A  }
0x23: {  	s9 =	sor.u32 $0xD0000000, s2;
	s6 =	simm.s32 $0x108;
	_ =	swait.ge @!p0 [sflag:s8], $0x0  }
0x24: {  	s3 =	sadd.s32 $0x88, s3;
	s6 =	simm.s32 @!p1 $0x1082;
	[sflag:s4] =	ssyncset.s32 $0xFFFFF086  }
0x25: {  	[simem:s6], [sflag:s4] =	dma.local [hbm:s3], $0xF7A  }
0x26: {  	[smem:$0x3F94] =	sst s1;
	(tag) =	ssettag s2;
	_ =	strace s9  }
0x27: {  	s1 =	sld [smem:$0x3FA4]  }
0x28: {  	s2 =	sld [smem:$0x3FA5]  }
0x29: {  	s4 =	sld [smem:$0x3FA7]  }
0x2a: {  	p0 =	seq.s32 s5, $0x0;
	s5 =	sld [smem:$0x3FA8]  }
0x2b: {  	s6 =	sld [smem:$0x3FA9]  }
0x2c: {  	s7 =	sld [smem:$0x3FAA]  }
0x2d: {  	s3 =	simm.s32 $0x108;
	s8 =	sld [smem:$0x3FAB]  }
0x2e: {  	s3 =	simm.s32 @!p0 $0x1082;
	s9 =	sld [smem:$0x3FAC]  }
0x2f: {  	lr =	sadd.s32 s0, s3;
	s0 =	sld [smem:$0x3FA3]  }
0x30: {  	s3 =	sld [smem:$0x3FA6]  }
0x31: {  	[smem:$0x3FAF] =	sst s10  }
0x32: {  	s10 =	sld [smem:$0x3FAD];
	_ =	sdelay $0x3  }
0x33: {  	p0 =	seq.s32 s10, $0x1;
	s10 =	sld [smem:$0x3FAF];
	_ =	sdelay $0x3  }
0x34: {  	[smem:$0x3FAF] =	sst s10  }
0x35: {  	s10 =	sld [smem:$0x3FAE];
	_ =	sdelay $0x3  }
0x36: {  	p1 =	seq.s32 s10, $0x1;
	s10 =	sld [smem:$0x3FAF];
	_ =	sdelay $0x3  }
0x37: {  	[smem:$0x3FAF] =	sst s10  }
0x38: {  	s10 =	sld [smem:$0x3FB0]  }
0x39: {  	_ = 	snop;
	(pc) =	sbr.ind lr, $3  }
0x3a: {  	_ = 	snop  }
0x3b: {  	_ = 	snop  }
0x3c: {  	p2 =	seq.s32 s10, $0x1;
	s10 =	sld [smem:$0x3FAF]  }
0x3d: {  	_ =	shalt  }
0x3e: {  	_ =	shalt  }
0x3f: {  	_ =	shalt  }
0x40: {  	_ =	shalt  }
0x41: {  	_ =	shalt  }
0x42: {  	_ =	shalt  }
0x43: {  	_ =	shalt  }
0x44: {  	_ =	shalt  }
0x45: {  	_ =	shalt  }
0x46: {  	_ =	shalt  }
0x47: {  	_ =	shalt  }
0x48: {  	_ =	shalt  }
0x49: {  	_ =	shalt  }
0x4a: {  	_ =	shalt  }
0x4b: {  	_ =	shalt  }
0x4c: {  	_ =	shalt  }
0x4d: {  	_ =	shalt  }
0x4e: {  	_ =	shalt  }
0x4f: {  	_ =	shalt  }
0x50: {  	_ =	shalt  }
0x51: {  	_ =	shalt  }
0x52: {  	_ =	shalt  }
0x53: {  	_ =	shalt  }
0x54: {  	_ =	shalt  }
0x55: {  	_ =	shalt  }
0x56: {  	_ =	shalt  }
0x57: {  	_ =	shalt  }
0x58: {  	_ =	shalt  }
0x59: {  	_ =	shalt  }
0x5a: {  	_ =	shalt  }
0x5b: {  	_ =	shalt  }
0x5c: {  	_ =	shalt  }
0x5d: {  	_ =	shalt  }
0x5e: {  	_ =	shalt  }
0x5f: {  	_ =	shalt  }
0x60: {  	_ =	shalt  }
0x61: {  	_ =	shalt  }
0x62: {  	_ =	shalt  }
0x63: {  	_ =	shalt  }
0x64: {  	_ =	shalt  }
0x65: {  	_ =	shalt  }
0x66: {  	_ =	shalt  }
0x67: {  	_ =	shalt  }
0x68: {  	_ =	shalt  }
0x69: {  	_ =	shalt  }
0x6a: {  	_ =	shalt  }
0x6b: {  	_ =	shalt  }
0x6c: {  	_ =	shalt  }
0x6d: {  	_ =	shalt  }
0x6e: {  	_ =	shalt  }
0x6f: {  	_ =	shalt  }
0x70: {  	_ =	shalt  }
0x71: {  	_ =	shalt  }
0x72: {  	_ =	shalt  }
0x73: {  	_ =	shalt  }
0x74: {  	_ =	shalt  }
0x75: {  	_ =	shalt  }
0x76: {  	_ =	shalt  }
0x77: {  	_ =	shalt  }
0x78: {  	_ =	shalt  }
0x79: {  	_ =	shalt  }
0x7a: {  	_ =	shalt  }
0x7b: {  	_ =	shalt  }
0x7c: {  	_ =	shalt  }
0x7d: {  	_ =	shalt  }
0x7e: {  	_ =	shalt  }
0x7f: {  	_ =	shalt  }
0x80: {  	_ =	shalt  }
0x81: {  	_ =	shalt  }
0x82: {  	_ =	shalt  }
0x83: {  	_ =	shalt  }
0x84: {  	_ =	shalt  }
0x85: {  	_ =	shalt  }
0x86: {  	_ =	shalt  }
0x87: {  	_ =	shalt  }
.Lfunc_end0:
.L_simem_size_0:
called_computation.1_lowered:
.L_overlay_start_0:
0x88: {  	s2 =	sld [smem:$0x3FD9]  }
0x89: {  	s3 =	sld [smem:$0x3FFE];
	_ =	sdelay $0x1  }
0x8a: {  	s1 =	srdreg.scid  }
0x8b: {  	s0 =	sand.u32 $0x1, s1  }
0x8c: {  	s17 =	sshll.u32 s0, $0xA;
	s2 =	sadd.s32 s3, s2  }
0x8d: {  	s2 =	sadd.s32 s2, s17  }
0x8e: {  	[smem:$0x3FBB] =	sst s2  }
0x8f: {  	_ = 	snop  }
0x90: {  	s2 =	sld [smem:$0x3FD0];
	(tm) =	ssettm $0x1  }
0x91: {  	s18 =	sld [smem:$0x3FFB];
	_ =	sdelay $0x3  }
0x92: {  	_ =	strace s18  }
0x93: {  	s3 =	sld [smem:$0x3FFC];
	_ =	sdelay $0x3  }
0x94: {  	_ =	strace s3  }
0x95: {  	s3 =	sld [smem:$0x3FFD];
	_ =	sdelay $0x3  }
0x96: {  	_ =	strace s3  }
0x97: {  	_ =	strace $0x8FFFFFFF  }
0x98: {  	s19 =	sld [smem:$0x3FDB];
	_ =	sdelay $0x1  }
0x99: {  	s4 =	simm.s32 $_scs_section_size  }
0x9a: {  	s5 =	simm.s32 $_size__tile_overlayer_lowered;
	s6 =	simm.s32 $_tile_overlayer_lowered  }
0x9b: {  	s22 =	simm.s32 $0x1BFF;
	s21 =	sshll.u32 s6, $0x1;
	s3 =	sadd.s32 s4, s19  }
0x9c: {  	s7 =	simm.s32 $0x0;
	s20 =	sshll.u32 s5, $0x1;
	s5 =	sadd.s32 s21, s3  }
0x9d: {  	[timem:s7], [sflag:s22] =	dma.local [hbm:s5], s20  }
0x9e: {  	_ =	swait.ge [sflag:s22], s20  }
0x9f: {  	s4 =	ssub.s32 $0x0, s20;
	[sflag:s22] =	ssyncset.done $0x0  }
0xa0: {  	[sflag:s22] =	ssyncadd.s32 s4;
	_ =	sdelay $0x1  }
0xa1: {  	s23 =	simm.s32 $0x1B8B  }
0xa2: {  	_ =	swait.ge [sflag:s23], $0x1  }
0xa3: {  	[sflag:s23] =	ssyncset.done $0x0  }
0xa4: {  	s25 =	simm.s32 $0x1B8E;
	s24 =	sld [smem:$0x3FFE];
	[sflag:s23] =	ssyncadd.s32 $0xFFFFFFFF  }
0xa5: {  	s26 =	simm.s32 $execute0_lowered;
	[smem:$0x3FD2] =	sst s25  }
0xa6: {  	s5 =	sshll.u32 s26, $0x1;
	_ =	strace $0x80000049;
	[dreg:$0x1] =	wrdreg $0xFFFFFFFF  }
0xa7: {  	s28 =	simm.s32 $_size_execute0_lowered;
	s3 =	sadd.s32 s3, s5;
	[dreg:$0x0] =	wrdreg $0x0  }
0xa8: {  	s5 =	sshll.u32 s28, $0x1;
	[dreg:$0x2] =	wrdreg s3  }
0xa9: {  	[dreg:$0x3] =	wrdreg s5  }
0xaa: {  	[dreg:$0x4] =	wrdreg $0xC0  }
0xab: {  	_ =	task [dreg:s7], $0x5FFFF  }
0xac: {  	[dreg:$0x1] =	wrdreg $0xFFFFFFFF  }
0xad: {  	[dreg:$0x0] =	wrdreg $0x60  }
0xae: {  	[dreg:$0x2] =	wrdreg s24  }
0xaf: {  	[dreg:$0x3] =	wrdreg s2  }
0xb0: {  	[dreg:$0x4] =	wrdreg $0xC8800  }
0xb1: {  	[dreg:$0x5] =	wrdreg $0x148800  }
0xb2: {  	[dreg:$0x6] =	wrdreg $0x168800  }
0xb3: {  	[dreg:$0x7] =	wrdreg $0x9  }
0xb4: {  	_ =	task.clear_ibuf [dreg:s7], $0x8FFFF;
	_ =	strace $0x90000049  }
0xb5: {  	s29 =	simm.s32 $0x9;
	_ =	strace $0x8000004B  }
0xb6: {  	_ =	swait.ge [sflag:s29], $0x1  }
0xb7: {  	[sflag:s29] =	ssyncadd.s32 $0xFFFFFFFF  }
0xb8: {  	_ =	strace $0x9000004B  }
0xb9: {  	_ =	sfence  }
0xba: {  	s30 =	sld [smem:$0x0];
	_ =	sdelay $0x2  }
0xbb: {  	s31 =	sshll.u32 s1, $0xD;
	s1 =	sshrl.u32 s1, $0x2  }
0xbc: {  	s3 =	sand.u32 $0x4000, s31;
	s1 =	sadd.s32 s1, s30  }
0xbd: {  	s0 =	sor.u32 s3, s0;
	s1 =	sshll.u32 s1, $0x11  }
0xbe: {  	s0 =	sor.u32 s1, s0  }
0xbf: {  	s0 =	sadd.s32 $0x8F2B, s0  }
0xc0: {  	[sflag:s0] =	ssyncadd.remote.s32 $0x1  }
0xc1: {  	_ =	sfence.sel $0xFFFF  }
0xc2: {  	[dreg:$0x0] =	wrdreg $0xFFFFFFFF;
	(pc) =	sbr.abs _section_cstart, $3  }
0xc3: {  	[dreg:$0x1] =	wrdreg $0xFFFFFFFF  }
0xc4: {  	_ =	task.clear_ibuf [dreg:s7], $0x2FFFF;
	_ =	strace $0x9FFFFFFF  }
0xc5: {  	(tm) =	ssettm $0x7FFFFFFF  }
tec
execute0_lowered:
.L_overlay_start_1:
0x0: {  	(tag) =	ssettag $0x1  }
0x1: {  	s0 =	rddreg [dreg:$0x0]  }
0x2: {  	s6 =	rddreg [dreg:$0x1]  }
0x3: {  	s1 =	rddreg [dreg:$0x2]  }
0x4: {  	s2 =	rddreg [dreg:$0x3]  }
0x5: {  	s3 =	rddreg [dreg:$0x4];
	s4 =	simm.s32 $0x0;
	s5 =	srdreg.scid  }
0x6: {  	s7 =	stileid.u32;
	s28 =	simm.s32 $0x1;
	s29 =	simm.s32 $0x8000  }
0x7: {  	s30 =	simm.s32 $0xC000;
	s31 =	simm.s32 $0x2;
	[smem:$0x7FF] =	sst s4  }
0x8: {  	s8 =	sand.u32 $0x1, s5;
	s23 =	sshll.u32 s7, $0xC;
	s9 =	sshll.u32 s7, $0xA  }
0x9: {  	s12 =	sshll.u32 s7, $0xD;
	s13 =	sshll.u32 s7, $0xF;
	p0 =	sne.s32 s7, $0x0  }
0xa: {  	s10 =	sshll.u32 s8, $0x9;
	_ =	strace $0x8000004A;
	s11 =	sadd.s32 s23, s0  }
0xb: {  	s25 =	ssub.s32 $0x2, s8;
	s5 =	sadd.s32 s12, s2;
	s14 =	sadd.s32 s13, s1  }
0xc: {  	s20 =	sshll.u32 s8, $0xE;
	s8 =	sshll.u32 s8, $0x7;
	s24 =	sor.u32 s10, s9  }
0xd: {  	s26 =	sshrl.u32 s25, $0x1;
	s11 =	sadd.s32 $0x3600, s11;
	s21 =	sadd.s32 s6, s8  }
0xe: {  	s23 =	sadd.s32 $0x400, s5;
	s15 =	sadd.s32 $0x1000, s5;
	s16 =	sadd.s32 $0x1400, s5  }
0xf: {  	s17 =	sadd.s32 $0x1800, s5;
	s18 =	sadd.s32 $0x1C00, s5;
	s6 =	simm.s32 $0x4  }
0x10: {  	s8 =	simm.s32 $0x0;
	s10 =	sadd.s32 s24, s0;
	[dreg:$0x6] =	wrdreg s11  }
0x11: {  	s0 =	sadd.s32 s9, s0;
	s9 =	ssub.s32 s25, s26;
	[dreg:$0xa] =	wrdreg s21  }
0x12: {  	[dreg:$0xc] =	wrdreg s23;
	s24 =	sadd.s32 $0x800, s5;
	s25 =	sadd.s32 $0xC00, s5  }
0x13: {  	s26 =	sshll.u32 s7, $0x6;
	s23 =	sshrl.u32 s14, $0x3;
	s21 =	simm.s32 $0x5  }
0x14: {  	s7 =	simm.s32 $0x6;
	s19 =	sadd.s32 $0x9EE00, s10;
	[dreg:$0xd] =	wrdreg s24  }
0x15: {  	s10 =	sadd.s32 $0x9AE00, s10;
	s0 =	sadd.s32 s20, s0;
	[dreg:$0xe] =	wrdreg s25  }
.Ltmp0:
0x16: {  	s22 =	smax.u32 s9, $0x1;
	[dreg:$0x7] =	wrdreg s19;
	(pc) =	sbr.rel .LBB2_1-.Ltmp0, $4  }
0x17: {  	s20 =	simm.s32 $0x8;
	s24 =	simm.s32 $0x2000;
	[dreg:$0x8] =	wrdreg s10  }
0x18: {  	s25 =	simm.s32 $0x80;
	s0 =	sadd.s32 $0x13600, s0;
	[dreg:$0xb] =	wrdreg s22  }
0x19: {  	s19 =	simm.s32 $0xC080;
	s22 =	sor.u32 $0x1C08, s26;
	s26 =	simm.s32 $0x4000  }
0x1a: {  	v0 =	vimm.f32 $0.0e+00;
	v1 =	vimm.f32 $1.000000000e+00;
	s10 =	simm.s32 $0x2080;
	[dreg:$0x9] =	wrdreg s0;
	s0 =	simm.s32 $0x3  }
.LBB2_14:
0x1b: {  	s8 =	sadd.s32 $0x1, s8;
	s9 =	rddreg [dreg:$0xb]  }
0x1c: {  	p1 =	sne.s32 s8, s9  }
.Ltmp1:
0x1d: {  	_ = 	snop;
	(pc) =	sbr.rel @!p1 .LBB2_15-.Ltmp1, $1  }
0x1e: {  	_ =	sdelay $0x3  }
.LBB2_1:
0x1f: {  	[tilespmem:$0xC080] =	vst v0  }
0x20: {  	[tilespmem:$0xC090] =	vst v0  }
0x21: {  	[tilespmem:$0xC0A0] =	vst v0  }
0x22: {  	[tilespmem:$0xC0B0] =	vst v0  }
0x23: {  	[tilespmem:$0xC0C0] =	vst v0  }
0x24: {  	[tilespmem:$0xC0D0] =	vst v0  }
0x25: {  	[tilespmem:$0xC0E0] =	vst v0  }
0x26: {  	[tilespmem:$0xC0F0] =	vst v0  }
0x27: {  	[tilespmem:$0xC100] =	vst v0  }
0x28: {  	[tilespmem:$0xC110] =	vst v0  }
0x29: {  	[tilespmem:$0xC120] =	vst v0  }
0x2a: {  	[tilespmem:$0xC130] =	vst v0  }
0x2b: {  	[tilespmem:$0xC140] =	vst v0  }
0x2c: {  	[tilespmem:$0xC150] =	vst v0  }
0x2d: {  	[tilespmem:$0xC160] =	vst v0  }
0x2e: {  	[tilespmem:$0xC170] =	vst v0  }
0x2f: {  	[tilespmem:$0xC180] =	vst v0  }
0x30: {  	[tilespmem:$0xC190] =	vst v0  }
0x31: {  	[tilespmem:$0xC1A0] =	vst v0  }
0x32: {  	[tilespmem:$0xC1B0] =	vst v0  }
0x33: {  	[tilespmem:$0xC1C0] =	vst v0  }
0x34: {  	[tilespmem:$0xC1D0] =	vst v0  }
0x35: {  	[tilespmem:$0xC1E0] =	vst v0  }
0x36: {  	[tilespmem:$0xC1F0] =	vst v0  }
0x37: {  	[tilespmem:$0xC200] =	vst v0  }
0x38: {  	[tilespmem:$0xC210] =	vst v0  }
0x39: {  	[tilespmem:$0xC220] =	vst v0  }
0x3a: {  	[tilespmem:$0xC230] =	vst v0  }
0x3b: {  	[tilespmem:$0xC240] =	vst v0  }
0x3c: {  	[tilespmem:$0xC250] =	vst v0  }
0x3d: {  	[tilespmem:$0xC260] =	vst v0  }
0x3e: {  	[tilespmem:$0xC270] =	vst v0  }
0x3f: {  	[tilespmem:$0xC280] =	vst v0  }
0x40: {  	[tilespmem:$0xC290] =	vst v0  }
0x41: {  	[tilespmem:$0xC2A0] =	vst v0  }
0x42: {  	[tilespmem:$0xC2B0] =	vst v0  }
0x43: {  	[tilespmem:$0xC2C0] =	vst v0  }
0x44: {  	[tilespmem:$0xC2D0] =	vst v0  }
0x45: {  	[tilespmem:$0xC2E0] =	vst v0  }
0x46: {  	[tilespmem:$0xC2F0] =	vst v0  }
0x47: {  	[tilespmem:$0xC300] =	vst v0  }
0x48: {  	[tilespmem:$0xC310] =	vst v0  }
0x49: {  	[tilespmem:$0xC320] =	vst v0  }
0x4a: {  	[tilespmem:$0xC330] =	vst v0  }
0x4b: {  	[tilespmem:$0xC340] =	vst v0  }
0x4c: {  	[tilespmem:$0xC350] =	vst v0  }
0x4d: {  	[tilespmem:$0xC360] =	vst v0  }
0x4e: {  	[tilespmem:$0xC370] =	vst v0  }
0x4f: {  	[tilespmem:$0xC380] =	vst v0  }
0x50: {  	[tilespmem:$0xC390] =	vst v0  }
0x51: {  	[tilespmem:$0xC3A0] =	vst v0  }
0x52: {  	[tilespmem:$0xC3B0] =	vst v0  }
0x53: {  	[tilespmem:$0xC3C0] =	vst v0  }
0x54: {  	[tilespmem:$0xC3D0] =	vst v0  }
0x55: {  	[tilespmem:$0xC3E0] =	vst v0  }
0x56: {  	[tilespmem:$0xC3F0] =	vst v0  }
0x57: {  	[tilespmem:$0xC400] =	vst v0  }
0x58: {  	[tilespmem:$0xC410] =	vst v0  }
0x59: {  	[tilespmem:$0xC420] =	vst v0  }
0x5a: {  	[tilespmem:$0xC430] =	vst v0  }
0x5b: {  	[tilespmem:$0xC440] =	vst v0  }
0x5c: {  	[tilespmem:$0xC450] =	vst v0  }
0x5d: {  	[tilespmem:$0xC460] =	vst v0  }
0x5e: {  	[tilespmem:$0xC470] =	vst v0  }
0x5f: {  	[tilespmem:$0xC000] =	vst v1  }
0x60: {  	[tilespmem:$0xC010] =	vst v1  }
0x61: {  	[tilespmem:$0xC020] =	vst v1  }
0x62: {  	[tilespmem:$0xC030] =	vst v1  }
0x63: {  	[tilespmem:$0xC040] =	vst v1  }
0x64: {  	[tilespmem:$0xC050] =	vst v1  }
0x65: {  	[tilespmem:$0xC060] =	vst v1  }
0x66: {  	[tilespmem:$0xC070] =	vst v1  }
0x67: {  	[spmem:s5] =	stream.linear.scatter [tilespmem:s19], [sflag:$0x8], $0x400, $0x38;
	[tilespmem:$0x168C0] =	vst v63  }
0x68: {  	_ =	swait.ge [sflag:s20], $0x400  }
0x69: {  	[sflag:s20] =	ssyncset.done $0x0  }
0x6a: {  	s9 =	rddreg [dreg:$0xc];
	[sflag:s20] =	ssyncadd.s32 $0xFFFFFC00  }
0x6b: {  	[spmem:s9] =	stream.linear.scatter [tilespmem:s19], [sflag:$0x8], $0x400, $0x38;
	[tilespmem:$0x168C0] =	vst v63  }
0x6c: {  	_ =	swait.ge [sflag:s20], $0x400  }
0x6d: {  	[sflag:s20] =	ssyncset.done $0x0  }
0x6e: {  	s13 =	rddreg [dreg:$0xd];
	[sflag:s20] =	ssyncadd.s32 $0xFFFFFC00  }
0x6f: {  	[spmem:s13] =	stream.linear.scatter [tilespmem:s19], [sflag:$0x8], $0x400, $0x38;
	[tilespmem:$0x168C0] =	vst v63  }
0x70: {  	_ =	swait.ge [sflag:s20], $0x400  }
0x71: {  	[sflag:s20] =	ssyncset.done $0x0  }
0x72: {  	s14 =	rddreg [dreg:$0xe];
	[sflag:s20] =	ssyncadd.s32 $0xFFFFFC00  }
0x73: {  	[spmem:s14] =	stream.linear.scatter [tilespmem:s19], [sflag:$0x8], $0x400, $0x38;
	[tilespmem:$0x168C0] =	vst v63  }
0x74: {  	_ =	swait.ge [sflag:s20], $0x400  }
0x75: {  	[sflag:s20] =	ssyncset.done $0x0  }
0x76: {  	[sflag:s20] =	ssyncadd.s32 $0xFFFFFC00  }
0x77: {  	[spmem:s15] =	stream.linear.scatter [tilespmem:s19], [sflag:$0x8], $0x400, $0x38;
	[tilespmem:$0x168C0] =	vst v63  }
0x78: {  	_ =	swait.ge [sflag:s20], $0x400  }
0x79: {  	[sflag:s20] =	ssyncset.done $0x0  }
0x7a: {  	[sflag:s20] =	ssyncadd.s32 $0xFFFFFC00  }
0x7b: {  	[spmem:s16] =	stream.linear.scatter [tilespmem:s19], [sflag:$0x8], $0x400, $0x38;
	[tilespmem:$0x168C0] =	vst v63  }
0x7c: {  	_ =	swait.ge [sflag:s20], $0x400  }
0x7d: {  	[sflag:s20] =	ssyncset.done $0x0  }
0x7e: {  	[sflag:s20] =	ssyncadd.s32 $0xFFFFFC00  }
0x7f: {  	[spmem:s17] =	stream.linear.scatter [tilespmem:s19], [sflag:$0x8], $0x400, $0x38;
	[tilespmem:$0x168C0] =	vst v63  }
0x80: {  	_ =	swait.ge [sflag:s20], $0x400  }
0x81: {  	[sflag:s20] =	ssyncset.done $0x0  }
.Ltmp2:
0x82: {  	[sflag:s20] =	ssyncadd.s32 $0xFFFFFC00;
	(pc) =	sbr.rel @p0 .LBB2_5-.Ltmp2, $4  }
0x83: {  	[spmem:s18] =	stream.linear.scatter [tilespmem:s19], [sflag:$0x8], $0x400, $0x38;
	[tilespmem:$0x168C0] =	vst v63  }
0x84: {  	_ =	swait.ge [sflag:s20], $0x400  }
0x85: {  	[sflag:s20] =	ssyncset.done $0x0  }
0x86: {  	[sflag:s20] =	ssyncadd.s32 $0xFFFFFC00  }
0x87: {  	s9 =	simm.s32 $0x40;
	s11 =	simm.s32 $0x0  }
.LBB2_3:
0x88: {  	p1 =	sne.s32 s9, $0xFC0;
	[tilespmem:s11+$0xC480] =	vst v0;
	s11 =	smov.u32 s9;
	s9 =	sadd.s32 $0x40, s9  }
.Ltmp3:
0x89: {  	(pc) =	sbr.rel @p1 .LBB2_3-.Ltmp3, $2  }
0x8a: {  	_ =	sdelay $0x2  }
0x8b: {  	s11 =	sshra.s32 s11, $0x2  }
0x8c: {  	[tilespmem:s11+$0xC480] =	vst v0;
	s9 =	simm.s32 $0xC480  }
0x8d: {  	[spmem:s3] =	stream.linear.scatter [tilespmem:s9], [sflag:$0x8], $0x400, $0x38;
	[tilespmem:$0x168C0] =	vst v63  }
0x8e: {  	_ =	swait.ge [sflag:s20], $0x400  }
0x8f: {  	[sflag:s20] =	ssyncset.done $0x0  }
0x90: {  	[sflag:s20] =	ssyncadd.s32 $0xFFFFFC00  }
.LBB2_5:
0x91: {  	s9 =	rddreg [dreg:$0x6]  }
0x92: {  	[spmem:s23], [sflag:s22] =	dma.local [hbm:s9], $0x1000  }
0x93: {  	_ =	swait.ge [sflag:s20], $0x1000  }
0x94: {  	[sflag:s20] =	ssyncset.done $0x0  }
0x95: {  	[sflag:s20] =	ssyncadd.s32 $0xFFFFF000  }
0x96: {  	[bflag:$0x0] =	sbarrier.arrive $0xFFFF  }
0x97: {  	s13 =	rddreg [dreg:$0x7]  }
0x98: {  	[tilespmem:s4], [sflag:$0x8] =	stream.linear.gather [hbm4b:s13+s4], $0x1000, $0x38;
	[tilespmem:$0x168C0] =	vst v63  }
0x99: {  	_ =	swait.ge [sflag:s20], $0x1000  }
0x9a: {  	[sflag:s20] =	ssyncset.done $0x0  }
0x9b: {  	s14 =	rddreg [dreg:$0x8];
	[sflag:s20] =	ssyncadd.s32 $0xFFFFF000  }
0x9c: {  	[tilespmem:s24], [sflag:$0x8] =	stream.linear.gather [hbm4b:s14+s4], $0x1000, $0x38;
	[tilespmem:$0x168C0] =	vst v63  }
0x9d: {  	_ =	swait.ge [sflag:s20], $0x1000  }
0x9e: {  	[sflag:s20] =	ssyncset.done $0x0  }
0x9f: {  	[sflag:s20] =	ssyncadd.s32 $0xFFFFF000  }
0xa0: {  	[tilespmem:s26], [sflag:$0x1] =	stream.indirect.gather [spmem:s1], $0x80, s4, s25, $0xb8;
	[tilespmem:$0x168C0] =	vst v63  }
0xa1: {  	_ =	swait.ge [sflag:s28], $0x4000  }
0xa2: {  	[sflag:s28] =	ssyncset.done $0x0  }
0xa3: {  	[sflag:s28] =	ssyncadd.s32 $0xFFFFC000  }
0xa4: {  	[tilespmem:s29], [sflag:$0x2] =	stream.indirect.gather [spmem:s1], $0x80, s25, s25, $0xb8;
	[tilespmem:$0x168C0] =	vst v63  }
0xa5: {  	_ = 	snop  }
0xa6: {  	[spmem:s2] =	stream.indirect.scatter.add.f32 [tilespmem:s26], [sflag:$0x3], $0x80, s24, s25, $0xb8;
	[tilespmem:$0x168C0] =	vst v63  }
0xa7: {  	_ = 	snop  }
0xa8: {  	[spmem:s3] =	stream.indirect.scatter.add.f32 [tilespmem:s30], [sflag:$0x5], $0x1, s24, s25, $0xb8;
	[tilespmem:$0x168C0] =	vst v63  }
0xa9: {  	_ =	swait.ge [sflag:s31], $0x4000  }
0xaa: {  	[sflag:s31] =	ssyncset.done $0x0  }
0xab: {  	[sflag:s31] =	ssyncadd.s32 $0xFFFFC000  }
0xac: {  	_ =	swait.ge [sflag:s0], $0x4000  }
0xad: {  	[sflag:s0] =	ssyncset.done $0x0  }
0xae: {  	[sflag:s0] =	ssyncadd.s32 $0xFFFFC000  }
0xaf: {  	_ =	swait.ge [sflag:s21], $0x80  }
.Ltmp4:
0xb0: {  	[sflag:s21] =	ssyncset.done $0x0;
	(pc) =	sbr.rel .LBB2_6-.Ltmp4, $4  }
0xb1: {  	s11 =	simm.s32 $0x2180;
	[sflag:s21] =	ssyncadd.s32 $0xFFFFFF80  }
0xb2: {  	[spmem:s2] =	stream.indirect.scatter.add.f32 [tilespmem:s29], [sflag:$0x4], $0x80, s10, s25, $0xb8;
	[tilespmem:$0x168C0] =	vst v63  }
0xb3: {  	s12 =	simm.s32 $0x4;
	s9 =	simm.s32 $0x100;
	s13 =	simm.s32 $0xE  }
0xb4: {  	[spmem:s3] =	stream.indirect.scatter.add.f32 [tilespmem:s30], [sflag:$0x6], $0x1, s10, s25, $0xb8;
	[tilespmem:$0x168C0] =	vst v63  }
.LBB2_7:
0xb5: {  	_ =	swait.ge [sflag:s6], $0x4000  }
0xb6: {  	[sflag:s6] =	ssyncset.done $0x0  }
0xb7: {  	[sflag:s6] =	ssyncadd.s32 $0xFFFFC000  }
0xb8: {  	_ =	swait.ge [sflag:s7], $0x80  }
0xb9: {  	[sflag:s7] =	ssyncset.done $0x0  }
0xba: {  	[sflag:s7] =	ssyncadd.s32 $0xFFFFFF80  }
.LBB2_9:
0xbb: {  	s13 =	sadd.s32 $0xFFFFFFFF, s13  }
0xbc: {  	s11 =	sadd.s32 $0x100, s11;
	s12 =	sadd.s32 $0x2, s12;
	s9 =	sadd.s32 $0x100, s9  }
.LBB2_6:
0xbd: {  	[tilespmem:s26], [sflag:$0x1] =	stream.indirect.gather [spmem:s1], $0x80, s9, s25, $0xb8;
	[tilespmem:$0x168C0] =	vst v63  }
0xbe: {  	_ =	swait.ge [sflag:s6], $0x4000  }
0xbf: {  	[sflag:s6] =	ssyncset.done $0x0  }
0xc0: {  	[sflag:s6] =	ssyncadd.s32 $0xFFFFC000  }
0xc1: {  	_ =	swait.ge [sflag:s7], $0x80  }
0xc2: {  	[sflag:s7] =	ssyncset.done $0x0  }
0xc3: {  	[sflag:s7] =	ssyncadd.s32 $0xFFFFFF80  }
0xc4: {  	_ =	swait.ge [sflag:s28], $0x4000  }
0xc5: {  	[sflag:s28] =	ssyncset.done $0x0  }
0xc6: {  	s14 =	sadd.s32 $0x80, s9;
	[sflag:s28] =	ssyncadd.s32 $0xFFFFC000  }
0xc7: {  	[tilespmem:s29], [sflag:$0x2] =	stream.indirect.gather [spmem:s1], $0x80, s14, s25, $0xb8;
	[tilespmem:$0x168C0] =	vst v63  }
0xc8: {  	s14 =	sadd.s32 $0xFFFFFF80, s11  }
0xc9: {  	[spmem:s2] =	stream.indirect.scatter.add.f32 [tilespmem:s26], [sflag:$0x3], $0x80, s14, s25, $0xb8;
	[tilespmem:$0x168C0] =	vst v63  }
0xca: {  	_ = 	snop  }
0xcb: {  	[spmem:s3] =	stream.indirect.scatter.add.f32 [tilespmem:s30], [sflag:$0x5], $0x1, s14, s25, $0xb8;
	[tilespmem:$0x168C0] =	vst v63  }
0xcc: {  	_ =	swait.ge [sflag:s31], $0x4000  }
0xcd: {  	[sflag:s31] =	ssyncset.done $0x0  }
0xce: {  	[sflag:s31] =	ssyncadd.s32 $0xFFFFC000  }
0xcf: {  	_ =	swait.ge [sflag:s0], $0x4000  }
0xd0: {  	p1 =	sne.s32 s13, $0x0;
	s14 =	sand.u32 $0x1E, s12;
	[sflag:s0] =	ssyncset.done $0x0  }
0xd1: {  	p2 =	sne.s32 @p1 s14, $0x0;
	[sflag:s0] =	ssyncadd.s32 $0xFFFFC000  }
0xd2: {  	p1 =	por !p1, p2;
	_ =	swait.ge [sflag:s21], $0x80  }
.Ltmp5:
0xd3: {  	[sflag:s21] =	ssyncset.done $0x0;
	(pc) =	sbr.rel @!p1 .LBB2_7-.Ltmp5, $4  }
0xd4: {  	[sflag:s21] =	ssyncadd.s32 $0xFFFFFF80  }
0xd5: {  	[spmem:s2] =	stream.indirect.scatter.add.f32 [tilespmem:s29], [sflag:$0x4], $0x80, s11, s25, $0xb8;
	[tilespmem:$0x168C0] =	vst v63  }
0xd6: {  	_ = 	snop  }
0xd7: {  	[spmem:s3] =	stream.indirect.scatter.add.f32 [tilespmem:s30], [sflag:$0x6], $0x1, s11, s25, $0xb8;
	[tilespmem:$0x168C0] =	vst v63  }
0xd8: {  	p1 =	seq.s32 s13, $0x0  }
.Ltmp6:
0xd9: {  	_ = 	snop;
	(pc) =	sbr.rel @!p1 .LBB2_9-.Ltmp6, $1  }
0xda: {  	_ =	sdelay $0x3  }
0xdb: {  	_ =	swait.ge [sflag:s6], $0x4000  }
0xdc: {  	[sflag:s6] =	ssyncset.done $0x0  }
0xdd: {  	[sflag:s6] =	ssyncadd.s32 $0xFFFFC000  }
0xde: {  	_ =	swait.ge [sflag:s7], $0x80  }
0xdf: {  	[sflag:s7] =	ssyncset.done $0x0  }
0xe0: {  	[sflag:s7] =	ssyncadd.s32 $0xFFFFFF80  }
0xe1: {  	[bflag:$0x0] =	sbarrier.arrive $0xFFFF  }
.Ltmp7:
0xe2: {  	s9 =	sshrl.u32 s5, $0x3;
	s11 =	rddreg [dreg:$0x9];
	(pc) =	sbr.rel @p0 .LBB2_14-.Ltmp7, $4  }
0xe3: {  	[hbm:s11], [sflag:s22] =	dma.local [spmem:s9], $0x400  }
0xe4: {  	_ =	swait.ge [sflag:s20], $0x400  }
0xe5: {  	[sflag:s20] =	ssyncset.done $0x0  }
0xe6: {  	[sflag:s20] =	ssyncadd.s32 $0xFFFFFC00  }
0xe7: {  	s9 =	simm.s32 $0xC480  }
0xe8: {  	[tilespmem:s9], [sflag:$0x8] =	stream.linear.gather [spmem:s3], $0x400, $0x38;
	[tilespmem:$0x168C0] =	vst v63  }
0xe9: {  	_ =	swait.ge [sflag:s20], $0x400  }
0xea: {  	[sflag:s20] =	ssyncset.done $0x0  }
0xeb: {  	[sflag:s20] =	ssyncadd.s32 $0xFFFFFC00  }
0xec: {  	v2 =	vld [tilespmem:s9+$0x0];
	_ =	sdelay $0x1  }
0xed: {  	s12 =	simm.s32 $0x0  }
0xee: {  	s11 =	simm.s32 $0x10;
	s12 =	sand.u32 $0x3F0, s12  }
.LBB2_12:
0xef: {  	p1 =	sne.s32 s11, $0x3F0  }
0xf0: {  	[tilespmem:s12+$0xC080] =	vst v2;
	s9 =	sadd.s32 $0x10, s9;
	s12 =	smov.u32 s11;
	s11 =	sadd.s32 $0x10, s11  }
.Ltmp8:
0xf1: {  	v2 =	vld [tilespmem:s9+$0x0];
	(pc) =	sbr.rel @p1 .LBB2_12-.Ltmp8, $2  }
0xf2: {  	_ =	sdelay $0x2  }
0xf3: {  	s12 =	sand.u32 $0x3F0, s12  }
.Ltmp9:
0xf4: {  	[tilespmem:s12+$0xC080] =	vst v2;
	s9 =	rddreg [dreg:$0xa];
	(pc) =	sbr.rel .LBB2_14-.Ltmp9, $4  }
0xf5: {  	[hbm4b:s9+s4] =	stream.linear.scatter [tilespmem:s19], [sflag:$0x8], $0x400, $0x38;
	[tilespmem:$0x168C0] =	vst v63  }
0xf6: {  	_ =	swait.ge [sflag:s20], $0x400  }
0xf7: {  	[sflag:s20] =	ssyncset.done $0x0  }
0xf8: {  	[sflag:s20] =	ssyncadd.s32 $0xFFFFFC00  }
.LBB2_15:
0xf9: {  	_ =	sfence.sel $0x180000  }
0xfa: {  	[bflag:$0x0] =	sbarrier.arrive $0xFFFF  }
0xfb: {  	_ =	strace $0x9000004A  }
0xfc: {  	[bflag:$0x2] =	sbarrier.arrive $0xFFFF  }
0xfd: {  	s0 =	rddreg [dreg:$0x5]  }
0xfe: {  	s0 =	sadd.s32 @!p0 $0x100000, s0  }
0xff: {  	[sflag:s0] =	ssyncadd.tile.s32 @!p0 $0x1;
	_ =	shalt  }
.Lfunc_end2:
_tile_overlayer_lowered:
.L_overlay_start_2:
0x100: {  	(tag) =	ssettag $0x2  }
0x101: {  	s0 =	rddreg [dreg:$0x0];
	s2 =	stileid.u32  }
0x102: {  	s1 =	rddreg [dreg:$0x1];
	p0 =	sne.s32 s2, $0x0  }
0x103: {  	s3 =	rddreg [dreg:$0x2];
	[bflag:$0x3] =	sbarrier.arrive $0xFFFF;
	s2 =	simm.s32 @!p0 $0x1C08  }
0x104: {  	[timem:s3], [sflag:s2] =	dma.local @!p0 [hbm:s0], s1  }
0x105: {  	s0 =	simm.s32 @!p0 $0x8  }
0x106: {  	_ =	swait.ge @!p0 [sflag:s0], s1  }
0x107: {  	s1 =	ssub.s32 @!p0 $0x0, s1;
	[sflag:s0] =	ssyncset.done @!p0 $0x0  }
0x108: {  	[sflag:s0] =	ssyncadd.s32 @!p0 s1  }
0x109: {  	[bflag:$0x3] =	sbarrier.arrive $0xFFFF  }
0x10a: {  	_ =	shalt  }

</sc_bundles>
